<compile_context>
chip_gen: v7x
topology: tpu7x:2x2x1
jax: 0.10.2.dev20260603
libtpu: 0.0.44.dev20260713+nightly
codegen_flags: <defaults>
</compile_context>

<pallas_src>
import functools

import jax
import jax.numpy as jnp
from jax import lax
from jax.experimental import pallas as pl
from jax.experimental.pallas import tpu as pltpu
from jax.experimental.pallas import tpu_sc as plsc

N = 10000
E = 320000
C = 128

NC = 2
NS = 16
NW = NC * NS
EPW = E // NW
LANES = 16
DEG_STEPS = EPW // LANES

CHUNK = 128
NCHUNK = 80
EPT = NCHUNK * CHUNK
E_PAD = NW * EPT
BLK = 4
NBLK = NCHUNK // BLK
NBUF = 2
N_ACC = 10256
RPW = 640
RTAIL = N_ACC - NS * RPW

_mesh = plsc.VectorSubcoreMesh(core_axis_name="c", subcore_axis_name="s")


@functools.partial(
    pl.kernel,
    out_type=jax.ShapeDtypeStruct((NW, N), jnp.float32),
    mesh=_mesh,
    compiler_params=pltpu.CompilerParams(needs_layout_passes=False),
    scratch_types=[
        pltpu.VMEM((EPW,), jnp.int32),
        pltpu.VMEM((N,), jnp.float32),
    ],
)
def _deg_kernel(dst_hbm, out_hbm, dst_v, deg_v):
    wid = lax.axis_index("c") * NS + lax.axis_index("s")
    pltpu.sync_copy(dst_hbm.at[wid], dst_v)

    zeros16 = jnp.zeros((LANES,), jnp.float32)
    ones16 = jnp.ones((LANES,), jnp.float32)

    def _zero(i, carry):
        deg_v[pl.ds(i * LANES, LANES)] = zeros16
        return carry

    lax.fori_loop(0, N // LANES, _zero, 0, unroll=8)

    def _count(i, carry):
        idx = dst_v[pl.ds(i * LANES, LANES)]
        plsc.addupdate_scatter(deg_v, [idx], ones16)
        return carry

    lax.fori_loop(0, DEG_STEPS, _count, 0, unroll=4)
    pltpu.sync_copy(deg_v, out_hbm.at[wid])


def _prep_body(deg_ref, x_ref, w_ref, g_ref, dis_ref):
    deg = jnp.sum(deg_ref[...], axis=0) + 1.0
    dis = lax.rsqrt(deg)
    h = jnp.dot(x_ref[...], w_ref[...], preferred_element_type=jnp.float32)
    g_ref[...] = h * dis[:, None]
    dis_ref[...] = dis[:, None]


_BR = 2000


def _tc_prep(deg_parts, x, W):
    return pl.pallas_call(
        _prep_body,
        out_shape=[
            jax.ShapeDtypeStruct((N, C), jnp.float32),
            jax.ShapeDtypeStruct((N, 1), jnp.float32),
        ],
    )(deg_parts, x, W)


@functools.partial(
    pl.kernel,
    out_type=jax.ShapeDtypeStruct((NC, N_ACC, C), jnp.float32),
    mesh=_mesh,
    compiler_params=pltpu.CompilerParams(needs_layout_passes=False),
    scratch_types=[
        pltpu.VMEM((2, BLK, 2, CHUNK), jnp.int32),
        pltpu.VMEM((NBUF, CHUNK, C), jnp.float32),
        pltpu.VMEM_SHARED((N_ACC, C), jnp.float32),
        [pltpu.SemaphoreType.DMA] * NBUF,
        [pltpu.SemaphoreType.DMA] * NBUF,
        [pltpu.SemaphoreType.DMA] * 2,
    ],
)
def _scatter_kernel(g_hbm, idx_hbm, out_hbm,
                    idx_v, rows_v, acc_sh, gsems, ssems, isems):
    cid = lax.axis_index("c")
    sid = lax.axis_index("s")
    wid = cid * NS + sid

    zbuf = rows_v.at[0]
    z16 = jnp.zeros((LANES,), jnp.float32)

    def _zrow(r, carry):
        for k in range(C // LANES):
            zbuf[r, pl.ds(k * LANES, LANES)] = z16
        return carry

    lax.fori_loop(0, CHUNK, _zrow, 0)
    stripe = pl.ds(sid * RPW, RPW)
    tail = pl.ds(NS * RPW, RTAIL)
    for k in range(RPW // CHUNK):
        pltpu.sync_copy(zbuf, acc_sh.at[pl.ds(sid * RPW + k * CHUNK, CHUNK)])

    @pl.when(sid == NS - 1)
    def _zero_tail():
        pltpu.sync_copy(zbuf.at[pl.ds(0, RTAIL)], acc_sh.at[tail])

    my_idx = idx_hbm.at[wid]
    pltpu.sync_copy(my_idx.at[pl.ds(0, BLK)], idx_v.at[0])
    pltpu.async_copy(my_idx.at[pl.ds(BLK, BLK)], idx_v.at[1], isems[1])

    def _start_gather(ib, u, b):
        pltpu.async_copy(g_hbm.at[idx_v.at[ib].at[u].at[0]], rows_v.at[b],
                         gsems[b])

    def _wait_gather(b):
        pltpu.make_async_copy(g_hbm.at[idx_v.at[0].at[0].at[0]],
                              rows_v.at[b], gsems[b]).wait()

    def _start_scatter(ib, u, b):
        pltpu.async_copy(rows_v.at[b], acc_sh.at[idx_v.at[ib].at[u].at[1]],
                         ssems[b], add=True)

    def _wait_scatter(b):
        pltpu.make_async_copy(rows_v.at[b], acc_sh.at[idx_v.at[0].at[0].at[1]],
                              ssems[b]).wait()

    _start_gather(0, 0, 0)
    plsc.subcore_barrier()

    def _chunk(i, ib, u):
        b = u % NBUF
        nb = (u + 1) % NBUF
        if u >= NBUF - 1:
            _wait_scatter(nb)
        else:

            @pl.when(i >= 1)
            def _():
                _wait_scatter(nb)

        if u == 1:
            @pl.when(jnp.logical_and(i >= 1, i + 1 <= NBLK - 1))
            def _():
                pltpu.async_copy(my_idx.at[pl.ds((i + 1) * BLK, BLK)],
                                 idx_v.at[1 - ib], isems[1 - ib])

        if u < BLK - 1:
            _start_gather(ib, u + 1, nb)
        else:

            @pl.when(i + 1 <= NBLK - 1)
            def _():
                pltpu.make_async_copy(my_idx.at[pl.ds(0, BLK)],
                                      idx_v.at[1 - ib], isems[1 - ib]).wait()
                _start_gather(1 - ib, 0, nb)

        _wait_gather(b)
        _start_scatter(ib, u, b)

    def _block_pair(ip, carry):
        for ib in (0, 1):
            i = ip * 2 + ib
            for u in range(BLK):
                _chunk(i, ib, u)
        return carry

    lax.fori_loop(0, NBLK // 2, _block_pair, 0)
    for j in range(NCHUNK - NBUF + 1, NCHUNK):
        _wait_scatter((j % BLK) % NBUF)
    plsc.subcore_barrier()
    pltpu.sync_copy(acc_sh.at[stripe], out_hbm.at[cid].at[stripe])

    @pl.when(sid == NS - 1)
    def _dump_tail():
        pltpu.sync_copy(acc_sh.at[tail], out_hbm.at[cid].at[tail])


def _final_body(sp_ref, g_ref, dis_ref, b_ref, o_ref):
    z = (sp_ref[0] + sp_ref[1] + g_ref[...]) * dis_ref[...] + b_ref[...]
    m = jnp.max(z, axis=1, keepdims=True)
    e = z - m
    o_ref[...] = e - jnp.log(jnp.sum(jnp.exp(e), axis=1, keepdims=True))


def _tc_final(s_parts, g, dis, b2d):
    return pl.pallas_call(
        _final_body,
        grid=(N // _BR,),
        in_specs=[
            pl.BlockSpec((NC, _BR, C), lambda i: (0, i, 0)),

            pl.BlockSpec((_BR, C), lambda i: (i, 0)),
            pl.BlockSpec((_BR, 1), lambda i: (i, 0)),
            pl.BlockSpec((1, C), lambda i: (0, 0)),
        ],
        out_specs=pl.BlockSpec((_BR, C), lambda i: (i, 0)),
        out_shape=jax.ShapeDtypeStruct((N, C), jnp.float32),
    )(s_parts, g, dis, b2d)


def kernel(x, edge_index, W, b):
    src = edge_index[0]
    dst = edge_index[1]
    ppt = EPT - EPW
    pad_src = jnp.tile(jnp.arange(ppt, dtype=jnp.int32) * 41 % N, (NW, 1))
    sub = jnp.arange(NW, dtype=jnp.int32) % NS
    pad_dst = (N + sub[:, None] * 16
               + (jnp.arange(ppt, dtype=jnp.int32) % 16)[None, :])
    srcp = jnp.concatenate([src.reshape(NW, EPW), pad_src], axis=1)
    dstp = jnp.concatenate([dst.reshape(NW, EPW), pad_dst], axis=1)
    idx = jnp.stack(
        [srcp.reshape(NW, NCHUNK, CHUNK), dstp.reshape(NW, NCHUNK, CHUNK)],
        axis=2)
    deg_parts = _deg_kernel(dst.reshape(NW, EPW))
    g, dis = _tc_prep(deg_parts, x, W)
    s_parts = _scatter_kernel(g, idx)
    return _tc_final(s_parts, g, dis, b.reshape(1, C))

# --- scband reference (transcript-rebuilt; emitter-appended) ---
"""Pipeline reference for scband-gcn1-64372969832703 (READ-ONLY COPY).

The authoritative reference and input builder live on the scoring server;
editing this copy changes nothing except your own understanding.
"""

import jax, jax.numpy as jnp
import numpy as np

N_NODES = 10000
N_EDGES = 320000
IN_CH = 128
OUT_CH = 128

def setup_inputs(seed: int = 0) -> dict:
    key = jax.random.key(seed)
    k1, k2, k3, k4 = jax.random.split(key, 4)
    x = jax.random.normal(k1, (N_NODES, IN_CH), dtype=jnp.float32)
    edge_index = jax.random.randint(k2, (2, N_EDGES), 0, N_NODES, dtype=jnp.int32)
    # GCNConv learned params (glorot weight, zero bias as in PyG defaults)
    limit = np.sqrt(6.0 / (IN_CH + OUT_CH))
    W = jax.random.uniform(k3, (IN_CH, OUT_CH), dtype=jnp.float32, minval=-limit, maxval=limit)
    b = jnp.zeros((OUT_CH,), dtype=jnp.float32)
    return {"x": x, "edge_index": edge_index, "W": W, "b": b}

def reference(x, edge_index, W, b):
    N = x.shape[0]
    src = edge_index[0]
    dst = edge_index[1]
    # add self-loops (PyG GCNConv default add_self_loops=True)
    loop = jnp.arange(N, dtype=edge_index.dtype)
    src = jnp.concatenate([src, loop])
    dst = jnp.concatenate([dst, loop])
    # symmetric normalization deg^-1/2 (computed on dst, PyG default)
    deg = jnp.zeros((N,), dtype=x.dtype).at[dst].add(1.0)
    deg_inv_sqrt = jnp.where(deg > 0, 1.0 / jnp.sqrt(deg), 0.0)
    norm = deg_inv_sqrt[src] * deg_inv_sqrt[dst]
    # linear transform then message passing (scatter-add at dst)
    h = x @ W
    msg = h[src] * norm[:, None]
    out = jnp.zeros((N, W.shape[1]), dtype=x.dtype).at[dst].add(msg)
    out = out + b
    return jax.nn.log_softmax(out, axis=1)

if __name__ == "__main__":
    import jax
    _d = setup_inputs()
    print(jax.jit(kernel)(*tuple(_d.values())))

</pallas_src>

<mosaic_0001>
#map = affine_map<(d0, d1) -> (0, 0)>
module attributes {stable_mosaic.version = 14 : i64} {
  func.func @_deg_kernel(%arg0: i32, %arg1: i32, %arg2: memref<32x10000xi32, #tpu.memory_space<hbm>>, %arg3: memref<32x10000xf32, #tpu.memory_space<hbm>>, %arg4: memref<10000xi32, #tpu.memory_space<vmem>>, %arg5: memref<10000xf32, #tpu.memory_space<vmem>>) attributes {dimension_semantics = [#tpu.dimension_semantics<core_parallel>, #tpu.dimension_semantics<subcore_parallel>], iteration_bounds = array<i64: 2, 16>, scalar_prefetch = 0 : i64, scratch_operands = 2 : i64, tpu.core_type = #tpu.core_type<sc_vector_subcore>, window_params = [{transform_indices = #map}, {transform_indices = #map}]} {
    %mul3A = arith.constant 16 : i32
    %mul3A_0 = arith.muli %arg0, %mul3A : i32
    %add3A = arith.addi %mul3A_0, %arg1 : i32
    "tpu.region"() ({
      %run_scoped3A = tpu.sem_alloc : memref<!tpu.dma_semaphore, #tpu.memory_space<semaphore_mem>>
      %dma_start3A = arith.constant 0 : i32
      %dma_start3A_25 = tpu.memref_slice %arg2[%add3A, %dma_start3A] : memref<32x10000xi32, #tpu.memory_space<hbm>> -> memref<1x10000xi32, #tpu.memory_space<hbm>>
      %dma_start3A_26 = tpu.memref_squeeze %dma_start3A_25 : memref<1x10000xi32, #tpu.memory_space<hbm>> -> memref<10000xi32, #tpu.memory_space<hbm>>
      %dma_start3A_27 = arith.constant 0 : i32
      %dma_start3A_28 = tpu.memref_slice %arg2[%add3A, %dma_start3A_27] : memref<32x10000xi32, #tpu.memory_space<hbm>> -> memref<1x10000xi32, #tpu.memory_space<hbm>>
      %dma_start3A_29 = tpu.memref_squeeze %dma_start3A_28 : memref<1x10000xi32, #tpu.memory_space<hbm>> -> memref<10000xi32, #tpu.memory_space<hbm>>
      tpu.enqueue_dma source(%dma_start3A_29 : memref<10000xi32, #tpu.memory_space<hbm>>) target(%arg4 : memref<10000xi32, #tpu.memory_space<vmem>>) target_semaphore(%run_scoped3A : memref<!tpu.dma_semaphore, #tpu.memory_space<semaphore_mem>>)
      %dma_wait3A = arith.constant 0 : i32
      %dma_wait3A_30 = tpu.memref_slice %arg2[%add3A, %dma_wait3A] : memref<32x10000xi32, #tpu.memory_space<hbm>> -> memref<1x10000xi32, #tpu.memory_space<hbm>>
      %dma_wait3A_31 = tpu.memref_squeeze %dma_wait3A_30 : memref<1x10000xi32, #tpu.memory_space<hbm>> -> memref<10000xi32, #tpu.memory_space<hbm>>
      %dma_wait3A_32 = arith.constant 0 : i32
      %dma_wait3A_33 = tpu.memref_slice %arg2[%add3A, %dma_wait3A_32] : memref<32x10000xi32, #tpu.memory_space<hbm>> -> memref<1x10000xi32, #tpu.memory_space<hbm>>
      %dma_wait3A_34 = tpu.memref_squeeze %dma_wait3A_33 : memref<1x10000xi32, #tpu.memory_space<hbm>> -> memref<10000xi32, #tpu.memory_space<hbm>>
      tpu.wait_dma2 semaphore(%run_scoped3A : memref<!tpu.dma_semaphore, #tpu.memory_space<semaphore_mem>>) src(%dma_wait3A_34 : memref<10000xi32, #tpu.memory_space<hbm>>) dst(%arg4 : memref<10000xi32, #tpu.memory_space<vmem>>)
      tpu.yield
    }) : () -> ()
    %broadcast_in_dim3A = arith.constant 0.000000e+00 : f32
    %broadcast_in_dim3A_1 = vector.broadcast %broadcast_in_dim3A : f32 to vector<16xf32>
    %broadcast_in_dim3A_2 = arith.constant 1.000000e+00 : f32
    %broadcast_in_dim3A_3 = vector.broadcast %broadcast_in_dim3A_2 : f32 to vector<16xf32>
    %scan3A = arith.constant 0 : i32
    %scan3A_4 = arith.constant 0 : i32
    %scan3A_5 = arith.constant 624 : i32
    %scan3A_6 = arith.addi %scan3A_4, %scan3A_5 : i32
    %scan3A_7 = arith.constant 8 : i32
    scf.for %scan3A_25 = %scan3A_4 to %scan3A_6 step %scan3A_7  : i32 {
      %mul3A_26 = arith.constant 16 : i32
      %mul3A_27 = arith.muli %scan3A_25, %mul3A_26 : i32
      %swap3A_28 = arith.index_cast %mul3A_27 : i32 to index
      %swap3A_29 = tpu.vector_load %arg5[%swap3A_28] {strides = array<i32>} : memref<10000xf32, #tpu.memory_space<vmem>>, vector<16xf32>,
      tpu.vector_store %arg5[%swap3A_28], %broadcast_in_dim3A_1 {strides = array<i32>} : memref<10000xf32, #tpu.memory_space<vmem>>, vector<16xf32>,
      %scan3A_30 = arith.constant 1 : i32
      %scan3A_31 = arith.addi %scan3A_25, %scan3A_30 : i32
      %mul3A_32 = arith.constant 16 : i32
      %mul3A_33 = arith.muli %scan3A_31, %mul3A_32 : i32
      %swap3A_34 = arith.index_cast %mul3A_33 : i32 to index
      %swap3A_35 = tpu.vector_load %arg5[%swap3A_34] {strides = array<i32>} : memref<10000xf32, #tpu.memory_space<vmem>>, vector<16xf32>,
      tpu.vector_store %arg5[%swap3A_34], %broadcast_in_dim3A_1 {strides = array<i32>} : memref<10000xf32, #tpu.memory_space<vmem>>, vector<16xf32>,
      %scan3A_36 = arith.constant 2 : i32
      %scan3A_37 = arith.addi %scan3A_25, %scan3A_36 : i32
      %mul3A_38 = arith.constant 16 : i32
      %mul3A_39 = arith.muli %scan3A_37, %mul3A_38 : i32
      %swap3A_40 = arith.index_cast %mul3A_39 : i32 to index
      %swap3A_41 = tpu.vector_load %arg5[%swap3A_40] {strides = array<i32>} : memref<10000xf32, #tpu.memory_space<vmem>>, vector<16xf32>,
      tpu.vector_store %arg5[%swap3A_40], %broadcast_in_dim3A_1 {strides = array<i32>} : memref<10000xf32, #tpu.memory_space<vmem>>, vector<16xf32>,
      %scan3A_42 = arith.constant 3 : i32
      %scan3A_43 = arith.addi %scan3A_25, %scan3A_42 : i32
      %mul3A_44 = arith.constant 16 : i32
      %mul3A_45 = arith.muli %scan3A_43, %mul3A_44 : i32
      %swap3A_46 = arith.index_cast %mul3A_45 : i32 to index
      %swap3A_47 = tpu.vector_load %arg5[%swap3A_46] {strides = array<i32>} : memref<10000xf32, #tpu.memory_space<vmem>>, vector<16xf32>,
      tpu.vector_store %arg5[%swap3A_46], %broadcast_in_dim3A_1 {strides = array<i32>} : memref<10000xf32, #tpu.memory_space<vmem>>, vector<16xf32>,
      %scan3A_48 = arith.constant 4 : i32
      %scan3A_49 = arith.addi %scan3A_25, %scan3A_48 : i32
      %mul3A_50 = arith.constant 16 : i32
      %mul3A_51 = arith.muli %scan3A_49, %mul3A_50 : i32
      %swap3A_52 = arith.index_cast %mul3A_51 : i32 to index
      %swap3A_53 = tpu.vector_load %arg5[%swap3A_52] {strides = array<i32>} : memref<10000xf32, #tpu.memory_space<vmem>>, vector<16xf32>,
      tpu.vector_store %arg5[%swap3A_52], %broadcast_in_dim3A_1 {strides = array<i32>} : memref<10000xf32, #tpu.memory_space<vmem>>, vector<16xf32>,
      %scan3A_54 = arith.constant 5 : i32
      %scan3A_55 = arith.addi %scan3A_25, %scan3A_54 : i32
      %mul3A_56 = arith.constant 16 : i32
      %mul3A_57 = arith.muli %scan3A_55, %mul3A_56 : i32
      %swap3A_58 = arith.index_cast %mul3A_57 : i32 to index
      %swap3A_59 = tpu.vector_load %arg5[%swap3A_58] {strides = array<i32>} : memref<10000xf32, #tpu.memory_space<vmem>>, vector<16xf32>,
      tpu.vector_store %arg5[%swap3A_58], %broadcast_in_dim3A_1 {strides = array<i32>} : memref<10000xf32, #tpu.memory_space<vmem>>, vector<16xf32>,
      %scan3A_60 = arith.constant 6 : i32
      %scan3A_61 = arith.addi %scan3A_25, %scan3A_60 : i32
      %mul3A_62 = arith.constant 16 : i32
      %mul3A_63 = arith.muli %scan3A_61, %mul3A_62 : i32
      %swap3A_64 = arith.index_cast %mul3A_63 : i32 to index
      %swap3A_65 = tpu.vector_load %arg5[%swap3A_64] {strides = array<i32>} : memref<10000xf32, #tpu.memory_space<vmem>>, vector<16xf32>,
      tpu.vector_store %arg5[%swap3A_64], %broadcast_in_dim3A_1 {strides = array<i32>} : memref<10000xf32, #tpu.memory_space<vmem>>, vector<16xf32>,
      %scan3A_66 = arith.constant 7 : i32
      %scan3A_67 = arith.addi %scan3A_25, %scan3A_66 : i32
      %mul3A_68 = arith.constant 16 : i32
      %mul3A_69 = arith.muli %scan3A_67, %mul3A_68 : i32
      %swap3A_70 = arith.index_cast %mul3A_69 : i32 to index
      %swap3A_71 = tpu.vector_load %arg5[%swap3A_70] {strides = array<i32>} : memref<10000xf32, #tpu.memory_space<vmem>>, vector<16xf32>,
      tpu.vector_store %arg5[%swap3A_70], %broadcast_in_dim3A_1 {strides = array<i32>} : memref<10000xf32, #tpu.memory_space<vmem>>, vector<16xf32>,
    }
    %scan3A_8 = arith.constant 624 : i32
    %scan3A_9 = arith.addi %scan3A_4, %scan3A_8 : i32
    %mul3A_10 = arith.constant 16 : i32
    %mul3A_11 = arith.muli %scan3A_9, %mul3A_10 : i32
    %swap3A = arith.index_cast %mul3A_11 : i32 to index
    %swap3A_12 = tpu.vector_load %arg5[%swap3A] {strides = array<i32>} : memref<10000xf32, #tpu.memory_space<vmem>>, vector<16xf32>,
    tpu.vector_store %arg5[%swap3A], %broadcast_in_dim3A_1 {strides = array<i32>} : memref<10000xf32, #tpu.memory_space<vmem>>, vector<16xf32>,
    %scan3A_13 = arith.constant 625 : i32
    %scan3A_14 = arith.constant 0 : i32
    %scan3A_15 = arith.constant 0 : i32
    %scan3A_16 = arith.constant 624 : i32
    %scan3A_17 = arith.addi %scan3A_15, %scan3A_16 : i32
    %scan3A_18 = arith.constant 4 : i32
    scf.for %scan3A_25 = %scan3A_15 to %scan3A_17 step %scan3A_18  : i32 {
      %mul3A_26 = arith.constant 16 : i32
      %mul3A_27 = arith.muli %scan3A_25, %mul3A_26 : i32
      %get3A_28 = arith.index_cast %mul3A_27 : i32 to index
      %get3A_29 = tpu.vector_load %arg4[%get3A_28] {strides = array<i32>} : memref<10000xi32, #tpu.memory_space<vmem>>, vector<16xi32>,
      tpu.vector_store_idx %arg5[%get3A_29], %broadcast_in_dim3A_3 {add = true} : memref<10000xf32, #tpu.memory_space<vmem>>[vector<16xi32>], vector<16xf32>,
      %scan3A_30 = arith.constant 1 : i32
      %scan3A_31 = arith.addi %scan3A_25, %scan3A_30 : i32
      %mul3A_32 = arith.constant 16 : i32
      %mul3A_33 = arith.muli %scan3A_31, %mul3A_32 : i32
      %get3A_34 = arith.index_cast %mul3A_33 : i32 to index
      %get3A_35 = tpu.vector_load %arg4[%get3A_34] {strides = array<i32>} : memref<10000xi32, #tpu.memory_space<vmem>>, vector<16xi32>,
      tpu.vector_store_idx %arg5[%get3A_35], %broadcast_in_dim3A_3 {add = true} : memref<10000xf32, #tpu.memory_space<vmem>>[vector<16xi32>], vector<16xf32>,
      %scan3A_36 = arith.constant 2 : i32
      %scan3A_37 = arith.addi %scan3A_25, %scan3A_36 : i32
      %mul3A_38 = arith.constant 16 : i32
      %mul3A_39 = arith.muli %scan3A_37, %mul3A_38 : i32
      %get3A_40 = arith.index_cast %mul3A_39 : i32 to index
      %get3A_41 = tpu.vector_load %arg4[%get3A_40] {strides = array<i32>} : memref<10000xi32, #tpu.memory_space<vmem>>, vector<16xi32>,
      tpu.vector_store_idx %arg5[%get3A_41], %broadcast_in_dim3A_3 {add = true} : memref<10000xf32, #tpu.memory_space<vmem>>[vector<16xi32>], vector<16xf32>,
      %scan3A_42 = arith.constant 3 : i32
      %scan3A_43 = arith.addi %scan3A_25, %scan3A_42 : i32
      %mul3A_44 = arith.constant 16 : i32
      %mul3A_45 = arith.muli %scan3A_43, %mul3A_44 : i32
      %get3A_46 = arith.index_cast %mul3A_45 : i32 to index
      %get3A_47 = tpu.vector_load %arg4[%get3A_46] {strides = array<i32>} : memref<10000xi32, #tpu.memory_space<vmem>>, vector<16xi32>,
      tpu.vector_store_idx %arg5[%get3A_47], %broadcast_in_dim3A_3 {add = true} : memref<10000xf32, #tpu.memory_space<vmem>>[vector<16xi32>], vector<16xf32>,
    }
    %scan3A_19 = arith.constant 624 : i32
    %scan3A_20 = arith.addi %scan3A_15, %scan3A_19 : i32
    %mul3A_21 = arith.constant 16 : i32
    %mul3A_22 = arith.muli %scan3A_20, %mul3A_21 : i32
    %get3A = arith.index_cast %mul3A_22 : i32 to index
    %get3A_23 = tpu.vector_load %arg4[%get3A] {strides = array<i32>} : memref<10000xi32, #tpu.memory_space<vmem>>, vector<16xi32>,
    tpu.vector_store_idx %arg5[%get3A_23], %broadcast_in_dim3A_3 {add = true} : memref<10000xf32, #tpu.memory_space<vmem>>[vector<16xi32>], vector<16xf32>,
    %scan3A_24 = arith.constant 625 : i32
    "tpu.region"() ({
      %run_scoped3A = tpu.sem_alloc : memref<!tpu.dma_semaphore, #tpu.memory_space<semaphore_mem>>
      %dma_start3A = arith.constant 0 : i32
      %dma_start3A_25 = tpu.memref_slice %arg3[%add3A, %dma_start3A] : memref<32x10000xf32, #tpu.memory_space<hbm>> -> memref<1x10000xf32, #tpu.memory_space<hbm>>
      %dma_start3A_26 = tpu.memref_squeeze %dma_start3A_25 : memref<1x10000xf32, #tpu.memory_space<hbm>> -> memref<10000xf32, #tpu.memory_space<hbm>>
      %dma_start3A_27 = arith.constant 0 : i32
      %dma_start3A_28 = tpu.memref_slice %arg3[%add3A, %dma_start3A_27] : memref<32x10000xf32, #tpu.memory_space<hbm>> -> memref<1x10000xf32, #tpu.memory_space<hbm>>
      %dma_start3A_29 = tpu.memref_squeeze %dma_start3A_28 : memref<1x10000xf32, #tpu.memory_space<hbm>> -> memref<10000xf32, #tpu.memory_space<hbm>>
      tpu.enqueue_dma source(%arg5 : memref<10000xf32, #tpu.memory_space<vmem>>) target(%dma_start3A_29 : memref<10000xf32, #tpu.memory_space<hbm>>) target_semaphore(%run_scoped3A : memref<!tpu.dma_semaphore, #tpu.memory_space<semaphore_mem>>)
      %dma_wait3A = arith.constant 0 : i32
      %dma_wait3A_30 = tpu.memref_slice %arg3[%add3A, %dma_wait3A] : memref<32x10000xf32, #tpu.memory_space<hbm>> -> memref<1x10000xf32, #tpu.memory_space<hbm>>
      %dma_wait3A_31 = tpu.memref_squeeze %dma_wait3A_30 : memref<1x10000xf32, #tpu.memory_space<hbm>> -> memref<10000xf32, #tpu.memory_space<hbm>>
      %dma_wait3A_32 = arith.constant 0 : i32
      %dma_wait3A_33 = tpu.memref_slice %arg3[%add3A, %dma_wait3A_32] : memref<32x10000xf32, #tpu.memory_space<hbm>> -> memref<1x10000xf32, #tpu.memory_space<hbm>>
      %dma_wait3A_34 = tpu.memref_squeeze %dma_wait3A_33 : memref<1x10000xf32, #tpu.memory_space<hbm>> -> memref<10000xf32, #tpu.memory_space<hbm>>
      tpu.wait_dma2 semaphore(%run_scoped3A : memref<!tpu.dma_semaphore, #tpu.memory_space<semaphore_mem>>) src(%arg5 : memref<10000xf32, #tpu.memory_space<vmem>>) dst(%dma_wait3A_34 : memref<10000xf32, #tpu.memory_space<hbm>>)
      tpu.yield
    }) : () -> ()
    return
  }
}

#map = affine_map<(d0, d1) -> (0, 0)>
#map1 = affine_map<(d0, d1) -> (0, 0, 0, 0)>
#map2 = affine_map<(d0, d1) -> (0, 0, 0)>
module attributes {stable_mosaic.version = 14 : i64} {
  func.func @_scatter_kernel(%arg0: i32, %arg1: i32, %arg2: memref<10000x128xf32, #tpu.memory_space<hbm>>, %arg3: memref<32x80x2x128xi32, #tpu.memory_space<hbm>>, %arg4: memref<2x10256x128xf32, #tpu.memory_space<hbm>>, %arg5: memref<2x4x2x128xi32, #tpu.memory_space<vmem>>, %arg6: memref<2x128x128xf32, #tpu.memory_space<vmem>>, %arg7: memref<10256x128xf32, #tpu.memory_space<vmem_shared>>, %arg8: memref<!tpu.dma_semaphore, #tpu.memory_space<semaphore_mem>>, %arg9: memref<!tpu.dma_semaphore, #tpu.memory_space<semaphore_mem>>, %arg10: memref<!tpu.dma_semaphore, #tpu.memory_space<semaphore_mem>>, %arg11: memref<!tpu.dma_semaphore, #tpu.memory_space<semaphore_mem>>, %arg12: memref<!tpu.dma_semaphore, #tpu.memory_space<semaphore_mem>>, %arg13: memref<!tpu.dma_semaphore, #tpu.memory_space<semaphore_mem>>) attributes {dimension_semantics = [#tpu.dimension_semantics<core_parallel>, #tpu.dimension_semantics<subcore_parallel>], iteration_bounds = array<i64: 2, 16>, scalar_prefetch = 0 : i64, scratch_operands = 9 : i64, tpu.core_type = #tpu.core_type<sc_vector_subcore>, window_params = [{transform_indices = #map}, {transform_indices = #map1}, {transform_indices = #map2}]} {
    %mul3A = arith.constant 16 : i32
    %mul3A_0 = arith.muli %arg0, %mul3A : i32
    %add3A = arith.addi %mul3A_0, %arg1 : i32
    %broadcast_in_dim3A = arith.constant 0.000000e+00 : f32
    %broadcast_in_dim3A_1 = vector.broadcast %broadcast_in_dim3A : f32 to vector<16xf32>
    %scan3A = arith.constant 0 : i32
    %scan3A_2 = arith.constant 0 : i32
    %scan3A_3 = arith.constant 0 : i32
    %scan3A_4 = arith.constant 128 : i32
    %scan3A_5 = arith.addi %scan3A_3, %scan3A_4 : i32
    %scan3A_6 = arith.constant 1 : i32
    scf.for %scan3A_123 = %scan3A_3 to %scan3A_5 step %scan3A_6  : i32 {
      %swap3A = arith.constant 0 : i32
      %swap3A_124 = arith.constant 0 : i32
      %swap3A_125 = tpu.memref_slice %arg6[%scan3A_2, %swap3A, %swap3A_124] : memref<2x128x128xf32, #tpu.memory_space<vmem>> -> memref<1x128x128xf32, #tpu.memory_space<vmem>>
      %swap3A_126 = tpu.memref_squeeze %swap3A_125 : memref<1x128x128xf32, #tpu.memory_space<vmem>> -> memref<128x128xf32, #tpu.memory_space<vmem>>
      %swap3A_127 = arith.index_cast %scan3A_123 : i32 to index
      %swap3A_128 = arith.constant 0 : index
      %swap3A_129 = tpu.vector_load %swap3A_126[%swap3A_127, %swap3A_128] {strides = array<i32>} : memref<128x128xf32, #tpu.memory_space<vmem>>, vector<16xf32>,
      tpu.vector_store %swap3A_126[%swap3A_127, %swap3A_128], %broadcast_in_dim3A_1 {strides = array<i32>} : memref<128x128xf32, #tpu.memory_space<vmem>>, vector<16xf32>,
      %swap3A_130 = arith.constant 0 : i32
      %swap3A_131 = arith.constant 0 : i32
      %swap3A_132 = tpu.memref_slice %arg6[%scan3A_2, %swap3A_130, %swap3A_131] : memref<2x128x128xf32, #tpu.memory_space<vmem>> -> memref<1x128x128xf32, #tpu.memory_space<vmem>>
      %swap3A_133 = tpu.memref_squeeze %swap3A_132 : memref<1x128x128xf32, #tpu.memory_space<vmem>> -> memref<128x128xf32, #tpu.memory_space<vmem>>
      %swap3A_134 = arith.index_cast %scan3A_123 : i32 to index
      %swap3A_135 = arith.constant 16 : index
      %swap3A_136 = tpu.vector_load %swap3A_133[%swap3A_134, %swap3A_135] {strides = array<i32>} : memref<128x128xf32, #tpu.memory_space<vmem>>, vector<16xf32>,
      tpu.vector_store %swap3A_133[%swap3A_134, %swap3A_135], %broadcast_in_dim3A_1 {strides = array<i32>} : memref<128x128xf32, #tpu.memory_space<vmem>>, vector<16xf32>,
      %swap3A_137 = arith.constant 0 : i32
      %swap3A_138 = arith.constant 0 : i32
      %swap3A_139 = tpu.memref_slice %arg6[%scan3A_2, %swap3A_137, %swap3A_138] : memref<2x128x128xf32, #tpu.memory_space<vmem>> -> memref<1x128x128xf32, #tpu.memory_space<vmem>>
      %swap3A_140 = tpu.memref_squeeze %swap3A_139 : memref<1x128x128xf32, #tpu.memory_space<vmem>> -> memref<128x128xf32, #tpu.memory_space<vmem>>
      %swap3A_141 = arith.index_cast %scan3A_123 : i32 to index
      %swap3A_142 = arith.constant 32 : index
      %swap3A_143 = tpu.vector_load %swap3A_140[%swap3A_141, %swap3A_142] {strides = array<i32>} : memref<128x128xf32, #tpu.memory_space<vmem>>, vector<16xf32>,
      tpu.vector_store %swap3A_140[%swap3A_141, %swap3A_142], %broadcast_in_dim3A_1 {strides = array<i32>} : memref<128x128xf32, #tpu.memory_space<vmem>>, vector<16xf32>,
      %swap3A_144 = arith.constant 0 : i32
      %swap3A_145 = arith.constant 0 : i32
      %swap3A_146 = tpu.memref_slice %arg6[%scan3A_2, %swap3A_144, %swap3A_145] : memref<2x128x128xf32, #tpu.memory_space<vmem>> -> memref<1x128x128xf32, #tpu.memory_space<vmem>>
      %swap3A_147 = tpu.memref_squeeze %swap3A_146 : memref<1x128x128xf32, #tpu.memory_space<vmem>> -> memref<128x128xf32, #tpu.memory_space<vmem>>
      %swap3A_148 = arith.index_cast %scan3A_123 : i32 to index
      %swap3A_149 = arith.constant 48 : index
      %swap3A_150 = tpu.vector_load %swap3A_147[%swap3A_148, %swap3A_149] {strides = array<i32>} : memref<128x128xf32, #tpu.memory_space<vmem>>, vector<16xf32>,
      tpu.vector_store %swap3A_147[%swap3A_148, %swap3A_149], %broadcast_in_dim3A_1 {strides = array<i32>} : memref<128x128xf32, #tpu.memory_space<vmem>>, vector<16xf32>,
      %swap3A_151 = arith.constant 0 : i32
      %swap3A_152 = arith.constant 0 : i32
      %swap3A_153 = tpu.memref_slice %arg6[%scan3A_2, %swap3A_151, %swap3A_152] : memref<2x128x128xf32, #tpu.memory_space<vmem>> -> memref<1x128x128xf32, #tpu.memory_space<vmem>>
      %swap3A_154 = tpu.memref_squeeze %swap3A_153 : memref<1x128x128xf32, #tpu.memory_space<vmem>> -> memref<128x128xf32, #tpu.memory_space<vmem>>
      %swap3A_155 = arith.index_cast %scan3A_123 : i32 to index
      %swap3A_156 = arith.constant 64 : index
      %swap3A_157 = tpu.vector_load %swap3A_154[%swap3A_155, %swap3A_156] {strides = array<i32>} : memref<128x128xf32, #tpu.memory_space<vmem>>, vector<16xf32>,
      tpu.vector_store %swap3A_154[%swap3A_155, %swap3A_156], %broadcast_in_dim3A_1 {strides = array<i32>} : memref<128x128xf32, #tpu.memory_space<vmem>>, vector<16xf32>,
      %swap3A_158 = arith.constant 0 : i32
      %swap3A_159 = arith.constant 0 : i32
      %swap3A_160 = tpu.memref_slice %arg6[%scan3A_2, %swap3A_158, %swap3A_159] : memref<2x128x128xf32, #tpu.memory_space<vmem>> -> memref<1x128x128xf32, #tpu.memory_space<vmem>>
      %swap3A_161 = tpu.memref_squeeze %swap3A_160 : memref<1x128x128xf32, #tpu.memory_space<vmem>> -> memref<128x128xf32, #tpu.memory_space<vmem>>
      %swap3A_162 = arith.index_cast %scan3A_123 : i32 to index
      %swap3A_163 = arith.constant 80 : index
      %swap3A_164 = tpu.vector_load %swap3A_161[%swap3A_162, %swap3A_163] {strides = array<i32>} : memref<128x128xf32, #tpu.memory_space<vmem>>, vector<16xf32>,
      tpu.vector_store %swap3A_161[%swap3A_162, %swap3A_163], %broadcast_in_dim3A_1 {strides = array<i32>} : memref<128x128xf32, #tpu.memory_space<vmem>>, vector<16xf32>,
      %swap3A_165 = arith.constant 0 : i32
      %swap3A_166 = arith.constant 0 : i32
      %swap3A_167 = tpu.memref_slice %arg6[%scan3A_2, %swap3A_165, %swap3A_166] : memref<2x128x128xf32, #tpu.memory_space<vmem>> -> memref<1x128x128xf32, #tpu.memory_space<vmem>>
      %swap3A_168 = tpu.memref_squeeze %swap3A_167 : memref<1x128x128xf32, #tpu.memory_space<vmem>> -> memref<128x128xf32, #tpu.memory_space<vmem>>
      %swap3A_169 = arith.index_cast %scan3A_123 : i32 to index
      %swap3A_170 = arith.constant 96 : index
      %swap3A_171 = tpu.vector_load %swap3A_168[%swap3A_169, %swap3A_170] {strides = array<i32>} : memref<128x128xf32, #tpu.memory_space<vmem>>, vector<16xf32>,
      tpu.vector_store %swap3A_168[%swap3A_169, %swap3A_170], %broadcast_in_dim3A_1 {strides = array<i32>} : memref<128x128xf32, #tpu.memory_space<vmem>>, vector<16xf32>,
      %swap3A_172 = arith.constant 0 : i32
      %swap3A_173 = arith.constant 0 : i32
      %swap3A_174 = tpu.memref_slice %arg6[%scan3A_2, %swap3A_172, %swap3A_173] : memref<2x128x128xf32, #tpu.memory_space<vmem>> -> memref<1x128x128xf32, #tpu.memory_space<vmem>>
      %swap3A_175 = tpu.memref_squeeze %swap3A_174 : memref<1x128x128xf32, #tpu.memory_space<vmem>> -> memref<128x128xf32, #tpu.memory_space<vmem>>
      %swap3A_176 = arith.index_cast %scan3A_123 : i32 to index
      %swap3A_177 = arith.constant 112 : index
      %swap3A_178 = tpu.vector_load %swap3A_175[%swap3A_176, %swap3A_177] {strides = array<i32>} : memref<128x128xf32, #tpu.memory_space<vmem>>, vector<16xf32>,
      tpu.vector_store %swap3A_175[%swap3A_176, %swap3A_177], %broadcast_in_dim3A_1 {strides = array<i32>} : memref<128x128xf32, #tpu.memory_space<vmem>>, vector<16xf32>,
    }
    %scan3A_7 = arith.constant 128 : i32
    %mul3A_8 = arith.constant 640 : i32
    %mul3A_9 = arith.muli %arg1, %mul3A_8 : i32
    %mul3A_10 = arith.constant 640 : i32
    %mul3A_11 = arith.muli %arg1, %mul3A_10 : i32
    %add3A_12 = arith.constant 0 : i32
    %add3A_13 = arith.addi %mul3A_11, %add3A_12 : i32
    %run_scoped3A = arith.constant 0 : i32
    "tpu.region"() ({
      %run_scoped3A_123 = tpu.sem_alloc : memref<!tpu.dma_semaphore, #tpu.memory_space<semaphore_mem>>
      %dma_start3A_124 = arith.constant 0 : i32
      %dma_start3A_125 = arith.constant 0 : i32
      %dma_start3A_126 = tpu.memref_slice %arg6[%run_scoped3A, %dma_start3A_124, %dma_start3A_125] : memref<2x128x128xf32, #tpu.memory_space<vmem>> -> memref<1x128x128xf32, #tpu.memory_space<vmem>>
      %dma_start3A_127 = tpu.memref_squeeze %dma_start3A_126 : memref<1x128x128xf32, #tpu.memory_space<vmem>> -> memref<128x128xf32, #tpu.memory_space<vmem>>
      %dma_start3A_128 = arith.constant 0 : i32
      %dma_start3A_129 = tpu.memref_slice %arg7[%add3A_13, %dma_start3A_128] : memref<10256x128xf32, #tpu.memory_space<vmem_shared>> -> memref<128x128xf32, #tpu.memory_space<vmem_shared>>
      %dma_start3A_130 = arith.constant 0 : i32
      %dma_start3A_131 = tpu.memref_slice %arg7[%add3A_13, %dma_start3A_130] : memref<10256x128xf32, #tpu.memory_space<vmem_shared>> -> memref<128x128xf32, #tpu.memory_space<vmem_shared>>
      %dma_start3A_132 = arith.constant 0 : i32
      %dma_start3A_133 = arith.constant 0 : i32
      %dma_start3A_134 = tpu.memref_slice %arg6[%run_scoped3A, %dma_start3A_132, %dma_start3A_133] : memref<2x128x128xf32, #tpu.memory_space<vmem>> -> memref<1x128x128xf32, #tpu.memory_space<vmem>>
      %dma_start3A_135 = tpu.memref_squeeze %dma_start3A_134 : memref<1x128x128xf32, #tpu.memory_space<vmem>> -> memref<128x128xf32, #tpu.memory_space<vmem>>
      tpu.enqueue_dma source(%dma_start3A_135 : memref<128x128xf32, #tpu.memory_space<vmem>>) target(%dma_start3A_131 : memref<128x128xf32, #tpu.memory_space<vmem_shared>>) target_semaphore(%run_scoped3A_123 : memref<!tpu.dma_semaphore, #tpu.memory_space<semaphore_mem>>)
      %dma_wait3A_136 = arith.constant 0 : i32
      %dma_wait3A_137 = arith.constant 0 : i32
      %dma_wait3A_138 = tpu.memref_slice %arg6[%run_scoped3A, %dma_wait3A_136, %dma_wait3A_137] : memref<2x128x128xf32, #tpu.memory_space<vmem>> -> memref<1x128x128xf32, #tpu.memory_space<vmem>>
      %dma_wait3A_139 = tpu.memref_squeeze %dma_wait3A_138 : memref<1x128x128xf32, #tpu.memory_space<vmem>> -> memref<128x128xf32, #tpu.memory_space<vmem>>
      %dma_wait3A_140 = arith.constant 0 : i32
      %dma_wait3A_141 = tpu.memref_slice %arg7[%add3A_13, %dma_wait3A_140] : memref<10256x128xf32, #tpu.memory_space<vmem_shared>> -> memref<128x128xf32, #tpu.memory_space<vmem_shared>>
      %dma_wait3A_142 = arith.constant 0 : i32
      %dma_wait3A_143 = tpu.memref_slice %arg7[%add3A_13, %dma_wait3A_142] : memref<10256x128xf32, #tpu.memory_space<vmem_shared>> -> memref<128x128xf32, #tpu.memory_space<vmem_shared>>
      %dma_wait3A_144 = arith.constant 0 : i32
      %dma_wait3A_145 = arith.constant 0 : i32
      %dma_wait3A_146 = tpu.memref_slice %arg6[%run_scoped3A, %dma_wait3A_144, %dma_wait3A_145] : memref<2x128x128xf32, #tpu.memory_space<vmem>> -> memref<1x128x128xf32, #tpu.memory_space<vmem>>
      %dma_wait3A_147 = tpu.memref_squeeze %dma_wait3A_146 : memref<1x128x128xf32, #tpu.memory_space<vmem>> -> memref<128x128xf32, #tpu.memory_space<vmem>>
      tpu.wait_dma2 semaphore(%run_scoped3A_123 : memref<!tpu.dma_semaphore, #tpu.memory_space<semaphore_mem>>) src(%dma_wait3A_147 : memref<128x128xf32, #tpu.memory_space<vmem>>) dst(%dma_wait3A_143 : memref<128x128xf32, #tpu.memory_space<vmem_shared>>)
      tpu.yield
    }) : () -> ()
    %mul3A_14 = arith.constant 640 : i32
    %mul3A_15 = arith.muli %arg1, %mul3A_14 : i32
    %add3A_16 = arith.constant 128 : i32
    %add3A_17 = arith.addi %mul3A_15, %add3A_16 : i32
    %run_scoped3A_18 = arith.constant 0 : i32
    "tpu.region"() ({
      %run_scoped3A_123 = tpu.sem_alloc : memref<!tpu.dma_semaphore, #tpu.memory_space<semaphore_mem>>
      %dma_start3A_124 = arith.constant 0 : i32
      %dma_start3A_125 = arith.constant 0 : i32
      %dma_start3A_126 = tpu.memref_slice %arg6[%run_scoped3A_18, %dma_start3A_124, %dma_start3A_125] : memref<2x128x128xf32, #tpu.memory_space<vmem>> -> memref<1x128x128xf32, #tpu.memory_space<vmem>>
      %dma_start3A_127 = tpu.memref_squeeze %dma_start3A_126 : memref<1x128x128xf32, #tpu.memory_space<vmem>> -> memref<128x128xf32, #tpu.memory_space<vmem>>
      %dma_start3A_128 = arith.constant 0 : i32
      %dma_start3A_129 = tpu.memref_slice %arg7[%add3A_17, %dma_start3A_128] : memref<10256x128xf32, #tpu.memory_space<vmem_shared>> -> memref<128x128xf32, #tpu.memory_space<vmem_shared>>
      %dma_start3A_130 = arith.constant 0 : i32
      %dma_start3A_131 = tpu.memref_slice %arg7[%add3A_17, %dma_start3A_130] : memref<10256x128xf32, #tpu.memory_space<vmem_shared>> -> memref<128x128xf32, #tpu.memory_space<vmem_shared>>
      %dma_start3A_132 = arith.constant 0 : i32
      %dma_start3A_133 = arith.constant 0 : i32
      %dma_start3A_134 = tpu.memref_slice %arg6[%run_scoped3A_18, %dma_start3A_132, %dma_start3A_133] : memref<2x128x128xf32, #tpu.memory_space<vmem>> -> memref<1x128x128xf32, #tpu.memory_space<vmem>>
      %dma_start3A_135 = tpu.memref_squeeze %dma_start3A_134 : memref<1x128x128xf32, #tpu.memory_space<vmem>> -> memref<128x128xf32, #tpu.memory_space<vmem>>
      tpu.enqueue_dma source(%dma_start3A_135 : memref<128x128xf32, #tpu.memory_space<vmem>>) target(%dma_start3A_131 : memref<128x128xf32, #tpu.memory_space<vmem_shared>>) target_semaphore(%run_scoped3A_123 : memref<!tpu.dma_semaphore, #tpu.memory_space<semaphore_mem>>)
      %dma_wait3A_136 = arith.constant 0 : i32
      %dma_wait3A_137 = arith.constant 0 : i32
      %dma_wait3A_138 = tpu.memref_slice %arg6[%run_scoped3A_18, %dma_wait3A_136, %dma_wait3A_137] : memref<2x128x128xf32, #tpu.memory_space<vmem>> -> memref<1x128x128xf32, #tpu.memory_space<vmem>>
      %dma_wait3A_139 = tpu.memref_squeeze %dma_wait3A_138 : memref<1x128x128xf32, #tpu.memory_space<vmem>> -> memref<128x128xf32, #tpu.memory_space<vmem>>
      %dma_wait3A_140 = arith.constant 0 : i32
      %dma_wait3A_141 = tpu.memref_slice %arg7[%add3A_17, %dma_wait3A_140] : memref<10256x128xf32, #tpu.memory_space<vmem_shared>> -> memref<128x128xf32, #tpu.memory_space<vmem_shared>>
      %dma_wait3A_142 = arith.constant 0 : i32
      %dma_wait3A_143 = tpu.memref_slice %arg7[%add3A_17, %dma_wait3A_142] : memref<10256x128xf32, #tpu.memory_space<vmem_shared>> -> memref<128x128xf32, #tpu.memory_space<vmem_shared>>
      %dma_wait3A_144 = arith.constant 0 : i32
      %dma_wait3A_145 = arith.constant 0 : i32
      %dma_wait3A_146 = tpu.memref_slice %arg6[%run_scoped3A_18, %dma_wait3A_144, %dma_wait3A_145] : memref<2x128x128xf32, #tpu.memory_space<vmem>> -> memref<1x128x128xf32, #tpu.memory_space<vmem>>
      %dma_wait3A_147 = tpu.memref_squeeze %dma_wait3A_146 : memref<1x128x128xf32, #tpu.memory_space<vmem>> -> memref<128x128xf32, #tpu.memory_space<vmem>>
      tpu.wait_dma2 semaphore(%run_scoped3A_123 : memref<!tpu.dma_semaphore, #tpu.memory_space<semaphore_mem>>) src(%dma_wait3A_147 : memref<128x128xf32, #tpu.memory_space<vmem>>) dst(%dma_wait3A_143 : memref<128x128xf32, #tpu.memory_space<vmem_shared>>)
      tpu.yield
    }) : () -> ()
    %mul3A_19 = arith.constant 640 : i32
    %mul3A_20 = arith.muli %arg1, %mul3A_19 : i32
    %add3A_21 = arith.constant 256 : i32
    %add3A_22 = arith.addi %mul3A_20, %add3A_21 : i32
    %run_scoped3A_23 = arith.constant 0 : i32
    "tpu.region"() ({
      %run_scoped3A_123 = tpu.sem_alloc : memref<!tpu.dma_semaphore, #tpu.memory_space<semaphore_mem>>
      %dma_start3A_124 = arith.constant 0 : i32
      %dma_start3A_125 = arith.constant 0 : i32
      %dma_start3A_126 = tpu.memref_slice %arg6[%run_scoped3A_23, %dma_start3A_124, %dma_start3A_125] : memref<2x128x128xf32, #tpu.memory_space<vmem>> -> memref<1x128x128xf32, #tpu.memory_space<vmem>>
      %dma_start3A_127 = tpu.memref_squeeze %dma_start3A_126 : memref<1x128x128xf32, #tpu.memory_space<vmem>> -> memref<128x128xf32, #tpu.memory_space<vmem>>
      %dma_start3A_128 = arith.constant 0 : i32
      %dma_start3A_129 = tpu.memref_slice %arg7[%add3A_22, %dma_start3A_128] : memref<10256x128xf32, #tpu.memory_space<vmem_shared>> -> memref<128x128xf32, #tpu.memory_space<vmem_shared>>
      %dma_start3A_130 = arith.constant 0 : i32
      %dma_start3A_131 = tpu.memref_slice %arg7[%add3A_22, %dma_start3A_130] : memref<10256x128xf32, #tpu.memory_space<vmem_shared>> -> memref<128x128xf32, #tpu.memory_space<vmem_shared>>
      %dma_start3A_132 = arith.constant 0 : i32
      %dma_start3A_133 = arith.constant 0 : i32
      %dma_start3A_134 = tpu.memref_slice %arg6[%run_scoped3A_23, %dma_start3A_132, %dma_start3A_133] : memref<2x128x128xf32, #tpu.memory_space<vmem>> -> memref<1x128x128xf32, #tpu.memory_space<vmem>>
      %dma_start3A_135 = tpu.memref_squeeze %dma_start3A_134 : memref<1x128x128xf32, #tpu.memory_space<vmem>> -> memref<128x128xf32, #tpu.memory_space<vmem>>
      tpu.enqueue_dma source(%dma_start3A_135 : memref<128x128xf32, #tpu.memory_space<vmem>>) target(%dma_start3A_131 : memref<128x128xf32, #tpu.memory_space<vmem_shared>>) target_semaphore(%run_scoped3A_123 : memref<!tpu.dma_semaphore, #tpu.memory_space<semaphore_mem>>)
      %dma_wait3A_136 = arith.constant 0 : i32
      %dma_wait3A_137 = arith.constant 0 : i32
      %dma_wait3A_138 = tpu.memref_slice %arg6[%run_scoped3A_23, %dma_wait3A_136, %dma_wait3A_137] : memref<2x128x128xf32, #tpu.memory_space<vmem>> -> memref<1x128x128xf32, #tpu.memory_space<vmem>>
      %dma_wait3A_139 = tpu.memref_squeeze %dma_wait3A_138 : memref<1x128x128xf32, #tpu.memory_space<vmem>> -> memref<128x128xf32, #tpu.memory_space<vmem>>
      %dma_wait3A_140 = arith.constant 0 : i32
      %dma_wait3A_141 = tpu.memref_slice %arg7[%add3A_22, %dma_wait3A_140] : memref<10256x128xf32, #tpu.memory_space<vmem_shared>> -> memref<128x128xf32, #tpu.memory_space<vmem_shared>>
      %dma_wait3A_142 = arith.constant 0 : i32
      %dma_wait3A_143 = tpu.memref_slice %arg7[%add3A_22, %dma_wait3A_142] : memref<10256x128xf32, #tpu.memory_space<vmem_shared>> -> memref<128x128xf32, #tpu.memory_space<vmem_shared>>
      %dma_wait3A_144 = arith.constant 0 : i32
      %dma_wait3A_145 = arith.constant 0 : i32
      %dma_wait3A_146 = tpu.memref_slice %arg6[%run_scoped3A_23, %dma_wait3A_144, %dma_wait3A_145] : memref<2x128x128xf32, #tpu.memory_space<vmem>> -> memref<1x128x128xf32, #tpu.memory_space<vmem>>
      %dma_wait3A_147 = tpu.memref_squeeze %dma_wait3A_146 : memref<1x128x128xf32, #tpu.memory_space<vmem>> -> memref<128x128xf32, #tpu.memory_space<vmem>>
      tpu.wait_dma2 semaphore(%run_scoped3A_123 : memref<!tpu.dma_semaphore, #tpu.memory_space<semaphore_mem>>) src(%dma_wait3A_147 : memref<128x128xf32, #tpu.memory_space<vmem>>) dst(%dma_wait3A_143 : memref<128x128xf32, #tpu.memory_space<vmem_shared>>)
      tpu.yield
    }) : () -> ()
    %mul3A_24 = arith.constant 640 : i32
    %mul3A_25 = arith.muli %arg1, %mul3A_24 : i32
    %add3A_26 = arith.constant 384 : i32
    %add3A_27 = arith.addi %mul3A_25, %add3A_26 : i32
    %run_scoped3A_28 = arith.constant 0 : i32
    "tpu.region"() ({
      %run_scoped3A_123 = tpu.sem_alloc : memref<!tpu.dma_semaphore, #tpu.memory_space<semaphore_mem>>
      %dma_start3A_124 = arith.constant 0 : i32
      %dma_start3A_125 = arith.constant 0 : i32
      %dma_start3A_126 = tpu.memref_slice %arg6[%run_scoped3A_28, %dma_start3A_124, %dma_start3A_125] : memref<2x128x128xf32, #tpu.memory_space<vmem>> -> memref<1x128x128xf32, #tpu.memory_space<vmem>>
      %dma_start3A_127 = tpu.memref_squeeze %dma_start3A_126 : memref<1x128x128xf32, #tpu.memory_space<vmem>> -> memref<128x128xf32, #tpu.memory_space<vmem>>
      %dma_start3A_128 = arith.constant 0 : i32
      %dma_start3A_129 = tpu.memref_slice %arg7[%add3A_27, %dma_start3A_128] : memref<10256x128xf32, #tpu.memory_space<vmem_shared>> -> memref<128x128xf32, #tpu.memory_space<vmem_shared>>
      %dma_start3A_130 = arith.constant 0 : i32
      %dma_start3A_131 = tpu.memref_slice %arg7[%add3A_27, %dma_start3A_130] : memref<10256x128xf32, #tpu.memory_space<vmem_shared>> -> memref<128x128xf32, #tpu.memory_space<vmem_shared>>
      %dma_start3A_132 = arith.constant 0 : i32
      %dma_start3A_133 = arith.constant 0 : i32
      %dma_start3A_134 = tpu.memref_slice %arg6[%run_scoped3A_28, %dma_start3A_132, %dma_start3A_133] : memref<2x128x128xf32, #tpu.memory_space<vmem>> -> memref<1x128x128xf32, #tpu.memory_space<vmem>>
      %dma_start3A_135 = tpu.memref_squeeze %dma_start3A_134 : memref<1x128x128xf32, #tpu.memory_space<vmem>> -> memref<128x128xf32, #tpu.memory_space<vmem>>
      tpu.enqueue_dma source(%dma_start3A_135 : memref<128x128xf32, #tpu.memory_space<vmem>>) target(%dma_start3A_131 : memref<128x128xf32, #tpu.memory_space<vmem_shared>>) target_semaphore(%run_scoped3A_123 : memref<!tpu.dma_semaphore, #tpu.memory_space<semaphore_mem>>)
      %dma_wait3A_136 = arith.constant 0 : i32
      %dma_wait3A_137 = arith.constant 0 : i32
      %dma_wait3A_138 = tpu.memref_slice %arg6[%run_scoped3A_28, %dma_wait3A_136, %dma_wait3A_137] : memref<2x128x128xf32, #tpu.memory_space<vmem>> -> memref<1x128x128xf32, #tpu.memory_space<vmem>>
      %dma_wait3A_139 = tpu.memref_squeeze %dma_wait3A_138 : memref<1x128x128xf32, #tpu.memory_space<vmem>> -> memref<128x128xf32, #tpu.memory_space<vmem>>
      %dma_wait3A_140 = arith.constant 0 : i32
      %dma_wait3A_141 = tpu.memref_slice %arg7[%add3A_27, %dma_wait3A_140] : memref<10256x128xf32, #tpu.memory_space<vmem_shared>> -> memref<128x128xf32, #tpu.memory_space<vmem_shared>>
      %dma_wait3A_142 = arith.constant 0 : i32
      %dma_wait3A_143 = tpu.memref_slice %arg7[%add3A_27, %dma_wait3A_142] : memref<10256x128xf32, #tpu.memory_space<vmem_shared>> -> memref<128x128xf32, #tpu.memory_space<vmem_shared>>
      %dma_wait3A_144 = arith.constant 0 : i32
      %dma_wait3A_145 = arith.constant 0 : i32
      %dma_wait3A_146 = tpu.memref_slice %arg6[%run_scoped3A_28, %dma_wait3A_144, %dma_wait3A_145] : memref<2x128x128xf32, #tpu.memory_space<vmem>> -> memref<1x128x128xf32, #tpu.memory_space<vmem>>
      %dma_wait3A_147 = tpu.memref_squeeze %dma_wait3A_146 : memref<1x128x128xf32, #tpu.memory_space<vmem>> -> memref<128x128xf32, #tpu.memory_space<vmem>>
      tpu.wait_dma2 semaphore(%run_scoped3A_123 : memref<!tpu.dma_semaphore, #tpu.memory_space<semaphore_mem>>) src(%dma_wait3A_147 : memref<128x128xf32, #tpu.memory_space<vmem>>) dst(%dma_wait3A_143 : memref<128x128xf32, #tpu.memory_space<vmem_shared>>)
      tpu.yield
    }) : () -> ()
    %mul3A_29 = arith.constant 640 : i32
    %mul3A_30 = arith.muli %arg1, %mul3A_29 : i32
    %add3A_31 = arith.constant 512 : i32
    %add3A_32 = arith.addi %mul3A_30, %add3A_31 : i32
    %run_scoped3A_33 = arith.constant 0 : i32
    "tpu.region"() ({
      %run_scoped3A_123 = tpu.sem_alloc : memref<!tpu.dma_semaphore, #tpu.memory_space<semaphore_mem>>
      %dma_start3A_124 = arith.constant 0 : i32
      %dma_start3A_125 = arith.constant 0 : i32
      %dma_start3A_126 = tpu.memref_slice %arg6[%run_scoped3A_33, %dma_start3A_124, %dma_start3A_125] : memref<2x128x128xf32, #tpu.memory_space<vmem>> -> memref<1x128x128xf32, #tpu.memory_space<vmem>>
      %dma_start3A_127 = tpu.memref_squeeze %dma_start3A_126 : memref<1x128x128xf32, #tpu.memory_space<vmem>> -> memref<128x128xf32, #tpu.memory_space<vmem>>
      %dma_start3A_128 = arith.constant 0 : i32
      %dma_start3A_129 = tpu.memref_slice %arg7[%add3A_32, %dma_start3A_128] : memref<10256x128xf32, #tpu.memory_space<vmem_shared>> -> memref<128x128xf32, #tpu.memory_space<vmem_shared>>
      %dma_start3A_130 = arith.constant 0 : i32
      %dma_start3A_131 = tpu.memref_slice %arg7[%add3A_32, %dma_start3A_130] : memref<10256x128xf32, #tpu.memory_space<vmem_shared>> -> memref<128x128xf32, #tpu.memory_space<vmem_shared>>
      %dma_start3A_132 = arith.constant 0 : i32
      %dma_start3A_133 = arith.constant 0 : i32
      %dma_start3A_134 = tpu.memref_slice %arg6[%run_scoped3A_33, %dma_start3A_132, %dma_start3A_133] : memref<2x128x128xf32, #tpu.memory_space<vmem>> -> memref<1x128x128xf32, #tpu.memory_space<vmem>>
      %dma_start3A_135 = tpu.memref_squeeze %dma_start3A_134 : memref<1x128x128xf32, #tpu.memory_space<vmem>> -> memref<128x128xf32, #tpu.memory_space<vmem>>
      tpu.enqueue_dma source(%dma_start3A_135 : memref<128x128xf32, #tpu.memory_space<vmem>>) target(%dma_start3A_131 : memref<128x128xf32, #tpu.memory_space<vmem_shared>>) target_semaphore(%run_scoped3A_123 : memref<!tpu.dma_semaphore, #tpu.memory_space<semaphore_mem>>)
      %dma_wait3A_136 = arith.constant 0 : i32
      %dma_wait3A_137 = arith.constant 0 : i32
      %dma_wait3A_138 = tpu.memref_slice %arg6[%run_scoped3A_33, %dma_wait3A_136, %dma_wait3A_137] : memref<2x128x128xf32, #tpu.memory_space<vmem>> -> memref<1x128x128xf32, #tpu.memory_space<vmem>>
      %dma_wait3A_139 = tpu.memref_squeeze %dma_wait3A_138 : memref<1x128x128xf32, #tpu.memory_space<vmem>> -> memref<128x128xf32, #tpu.memory_space<vmem>>
      %dma_wait3A_140 = arith.constant 0 : i32
      %dma_wait3A_141 = tpu.memref_slice %arg7[%add3A_32, %dma_wait3A_140] : memref<10256x128xf32, #tpu.memory_space<vmem_shared>> -> memref<128x128xf32, #tpu.memory_space<vmem_shared>>
      %dma_wait3A_142 = arith.constant 0 : i32
      %dma_wait3A_143 = tpu.memref_slice %arg7[%add3A_32, %dma_wait3A_142] : memref<10256x128xf32, #tpu.memory_space<vmem_shared>> -> memref<128x128xf32, #tpu.memory_space<vmem_shared>>
      %dma_wait3A_144 = arith.constant 0 : i32
      %dma_wait3A_145 = arith.constant 0 : i32
      %dma_wait3A_146 = tpu.memref_slice %arg6[%run_scoped3A_33, %dma_wait3A_144, %dma_wait3A_145] : memref<2x128x128xf32, #tpu.memory_space<vmem>> -> memref<1x128x128xf32, #tpu.memory_space<vmem>>
      %dma_wait3A_147 = tpu.memref_squeeze %dma_wait3A_146 : memref<1x128x128xf32, #tpu.memory_space<vmem>> -> memref<128x128xf32, #tpu.memory_space<vmem>>
      tpu.wait_dma2 semaphore(%run_scoped3A_123 : memref<!tpu.dma_semaphore, #tpu.memory_space<semaphore_mem>>) src(%dma_wait3A_147 : memref<128x128xf32, #tpu.memory_space<vmem>>) dst(%dma_wait3A_143 : memref<128x128xf32, #tpu.memory_space<vmem_shared>>)
      tpu.yield
    }) : () -> ()
    %eq3A = arith.constant 15 : i32
    %eq3A_34 = arith.cmpi eq, %arg1, %eq3A : i32
    %convert_element_type3A = arith.extui %eq3A_34 : i1 to i32
    %cond3A = arith.constant 0 : i32
    %cond3A_35 = arith.constant 0 : i32
    %cond3A_36 = arith.cmpi ne, %convert_element_type3A, %cond3A_35 : i32
    scf.if %cond3A_36 {
      "tpu.region"() ({
        %run_scoped3A_123 = tpu.sem_alloc : memref<!tpu.dma_semaphore, #tpu.memory_space<semaphore_mem>>
        %dma_start3A_124 = arith.constant 0 : i32
        %dma_start3A_125 = arith.constant 0 : i32
        %dma_start3A_126 = tpu.memref_slice %arg6[%cond3A, %dma_start3A_124, %dma_start3A_125] : memref<2x128x128xf32, #tpu.memory_space<vmem>> -> memref<1x128x128xf32, #tpu.memory_space<vmem>>
        %dma_start3A_127 = tpu.memref_squeeze %dma_start3A_126 : memref<1x128x128xf32, #tpu.memory_space<vmem>> -> memref<128x128xf32, #tpu.memory_space<vmem>>
        %dma_start3A_128 = arith.constant 0 : i32
        %dma_start3A_129 = arith.constant 0 : i32
        %dma_start3A_130 = tpu.memref_slice %dma_start3A_127[%dma_start3A_128, %dma_start3A_129] : memref<128x128xf32, #tpu.memory_space<vmem>> -> memref<16x128xf32, #tpu.memory_space<vmem>>
        %dma_start3A_131 = arith.constant 10240 : i32
        %dma_start3A_132 = arith.constant 0 : i32
        %dma_start3A_133 = tpu.memref_slice %arg7[%dma_start3A_131, %dma_start3A_132] : memref<10256x128xf32, #tpu.memory_space<vmem_shared>> -> memref<16x128xf32, #tpu.memory_space<vmem_shared>>
        %dma_start3A_134 = arith.constant 10240 : i32
        %dma_start3A_135 = arith.constant 0 : i32
        %dma_start3A_136 = tpu.memref_slice %arg7[%dma_start3A_134, %dma_start3A_135] : memref<10256x128xf32, #tpu.memory_space<vmem_shared>> -> memref<16x128xf32, #tpu.memory_space<vmem_shared>>
        %dma_start3A_137 = arith.constant 0 : i32
        %dma_start3A_138 = arith.constant 0 : i32
        %dma_start3A_139 = tpu.memref_slice %arg6[%cond3A, %dma_start3A_137, %dma_start3A_138] : memref<2x128x128xf32, #tpu.memory_space<vmem>> -> memref<1x128x128xf32, #tpu.memory_space<vmem>>
        %dma_start3A_140 = tpu.memref_squeeze %dma_start3A_139 : memref<1x128x128xf32, #tpu.memory_space<vmem>> -> memref<128x128xf32, #tpu.memory_space<vmem>>
        %dma_start3A_141 = arith.constant 0 : i32
        %dma_start3A_142 = arith.constant 0 : i32
        %dma_start3A_143 = tpu.memref_slice %dma_start3A_140[%dma_start3A_141, %dma_start3A_142] : memref<128x128xf32, #tpu.memory_space<vmem>> -> memref<16x128xf32, #tpu.memory_space<vmem>>
        tpu.enqueue_dma source(%dma_start3A_143 : memref<16x128xf32, #tpu.memory_space<vmem>>) target(%dma_start3A_136 : memref<16x128xf32, #tpu.memory_space<vmem_shared>>) target_semaphore(%run_scoped3A_123 : memref<!tpu.dma_semaphore, #tpu.memory_space<semaphore_mem>>)
        %dma_wait3A_144 = arith.constant 0 : i32
        %dma_wait3A_145 = arith.constant 0 : i32
        %dma_wait3A_146 = tpu.memref_slice %arg6[%cond3A, %dma_wait3A_144, %dma_wait3A_145] : memref<2x128x128xf32, #tpu.memory_space<vmem>> -> memref<1x128x128xf32, #tpu.memory_space<vmem>>
        %dma_wait3A_147 = tpu.memref_squeeze %dma_wait3A_146 : memref<1x128x128xf32, #tpu.memory_space<vmem>> -> memref<128x128xf32, #tpu.memory_space<vmem>>
        %dma_wait3A_148 = arith.constant 0 : i32
        %dma_wait3A_149 = arith.constant 0 : i32
        %dma_wait3A_150 = tpu.memref_slice %dma_wait3A_147[%dma_wait3A_148, %dma_wait3A_149] : memref<128x128xf32, #tpu.memory_space<vmem>> -> memref<16x128xf32, #tpu.memory_space<vmem>>
        %dma_wait3A_151 = arith.constant 10240 : i32
        %dma_wait3A_152 = arith.constant 0 : i32
        %dma_wait3A_153 = tpu.memref_slice %arg7[%dma_wait3A_151, %dma_wait3A_152] : memref<10256x128xf32, #tpu.memory_space<vmem_shared>> -> memref<16x128xf32, #tpu.memory_space<vmem_shared>>
        %dma_wait3A_154 = arith.constant 10240 : i32
        %dma_wait3A_155 = arith.constant 0 : i32
        %dma_wait3A_156 = tpu.memref_slice %arg7[%dma_wait3A_154, %dma_wait3A_155] : memref<10256x128xf32, #tpu.memory_space<vmem_shared>> -> memref<16x128xf32, #tpu.memory_space<vmem_shared>>
        %dma_wait3A_157 = arith.constant 0 : i32
        %dma_wait3A_158 = arith.constant 0 : i32
        %dma_wait3A_159 = tpu.memref_slice %arg6[%cond3A, %dma_wait3A_157, %dma_wait3A_158] : memref<2x128x128xf32, #tpu.memory_space<vmem>> -> memref<1x128x128xf32, #tpu.memory_space<vmem>>
        %dma_wait3A_160 = tpu.memref_squeeze %dma_wait3A_159 : memref<1x128x128xf32, #tpu.memory_space<vmem>> -> memref<128x128xf32, #tpu.memory_space<vmem>>
        %dma_wait3A_161 = arith.constant 0 : i32
        %dma_wait3A_162 = arith.constant 0 : i32
        %dma_wait3A_163 = tpu.memref_slice %dma_wait3A_160[%dma_wait3A_161, %dma_wait3A_162] : memref<128x128xf32, #tpu.memory_space<vmem>> -> memref<16x128xf32, #tpu.memory_space<vmem>>
        tpu.wait_dma2 semaphore(%run_scoped3A_123 : memref<!tpu.dma_semaphore, #tpu.memory_space<semaphore_mem>>) src(%dma_wait3A_163 : memref<16x128xf32, #tpu.memory_space<vmem>>) dst(%dma_wait3A_156 : memref<16x128xf32, #tpu.memory_space<vmem_shared>>)
        tpu.yield
      }) : () -> ()
    } else {
    }
    %run_scoped3A_37 = arith.constant 0 : i32
    "tpu.region"() ({
      %run_scoped3A_123 = tpu.sem_alloc : memref<!tpu.dma_semaphore, #tpu.memory_space<semaphore_mem>>
      %dma_start3A_124 = arith.constant 0 : i32
      %dma_start3A_125 = arith.constant 0 : i32
      %dma_start3A_126 = arith.constant 0 : i32
      %dma_start3A_127 = tpu.memref_slice %arg5[%run_scoped3A_37, %dma_start3A_124, %dma_start3A_125, %dma_start3A_126] : memref<2x4x2x128xi32, #tpu.memory_space<vmem>> -> memref<1x4x2x128xi32, #tpu.memory_space<vmem>>
      %dma_start3A_128 = tpu.memref_squeeze %dma_start3A_127 : memref<1x4x2x128xi32, #tpu.memory_space<vmem>> -> memref<4x2x128xi32, #tpu.memory_space<vmem>>
      %dma_start3A_129 = arith.constant 0 : i32
      %dma_start3A_130 = arith.constant 0 : i32
      %dma_start3A_131 = arith.constant 0 : i32
      %dma_start3A_132 = tpu.memref_slice %arg3[%add3A, %dma_start3A_129, %dma_start3A_130, %dma_start3A_131] : memref<32x80x2x128xi32, #tpu.memory_space<hbm>> -> memref<1x80x2x128xi32, #tpu.memory_space<hbm>>
      %dma_start3A_133 = tpu.memref_squeeze %dma_start3A_132 : memref<1x80x2x128xi32, #tpu.memory_space<hbm>> -> memref<80x2x128xi32, #tpu.memory_space<hbm>>
      %dma_start3A_134 = arith.constant 0 : i32
      %dma_start3A_135 = arith.constant 0 : i32
      %dma_start3A_136 = arith.constant 0 : i32
      %dma_start3A_137 = tpu.memref_slice %dma_start3A_133[%dma_start3A_134, %dma_start3A_135, %dma_start3A_136] : memref<80x2x128xi32, #tpu.memory_space<hbm>> -> memref<4x2x128xi32, #tpu.memory_space<hbm>>
      %dma_start3A_138 = arith.constant 0 : i32
      %dma_start3A_139 = arith.constant 0 : i32
      %dma_start3A_140 = arith.constant 0 : i32
      %dma_start3A_141 = tpu.memref_slice %arg5[%run_scoped3A_37, %dma_start3A_138, %dma_start3A_139, %dma_start3A_140] : memref<2x4x2x128xi32, #tpu.memory_space<vmem>> -> memref<1x4x2x128xi32, #tpu.memory_space<vmem>>
      %dma_start3A_142 = tpu.memref_squeeze %dma_start3A_141 : memref<1x4x2x128xi32, #tpu.memory_space<vmem>> -> memref<4x2x128xi32, #tpu.memory_space<vmem>>
      %dma_start3A_143 = arith.constant 0 : i32
      %dma_start3A_144 = arith.constant 0 : i32
      %dma_start3A_145 = arith.constant 0 : i32
      %dma_start3A_146 = tpu.memref_slice %arg3[%add3A, %dma_start3A_143, %dma_start3A_144, %dma_start3A_145] : memref<32x80x2x128xi32, #tpu.memory_space<hbm>> -> memref<1x80x2x128xi32, #tpu.memory_space<hbm>>
      %dma_start3A_147 = tpu.memref_squeeze %dma_start3A_146 : memref<1x80x2x128xi32, #tpu.memory_space<hbm>> -> memref<80x2x128xi32, #tpu.memory_space<hbm>>
      %dma_start3A_148 = arith.constant 0 : i32
      %dma_start3A_149 = arith.constant 0 : i32
      %dma_start3A_150 = arith.constant 0 : i32
      %dma_start3A_151 = tpu.memref_slice %dma_start3A_147[%dma_start3A_148, %dma_start3A_149, %dma_start3A_150] : memref<80x2x128xi32, #tpu.memory_space<hbm>> -> memref<4x2x128xi32, #tpu.memory_space<hbm>>
      tpu.enqueue_dma source(%dma_start3A_151 : memref<4x2x128xi32, #tpu.memory_space<hbm>>) target(%dma_start3A_142 : memref<4x2x128xi32, #tpu.memory_space<vmem>>) target_semaphore(%run_scoped3A_123 : memref<!tpu.dma_semaphore, #tpu.memory_space<semaphore_mem>>)
      %dma_wait3A_152 = arith.constant 0 : i32
      %dma_wait3A_153 = arith.constant 0 : i32
      %dma_wait3A_154 = arith.constant 0 : i32
      %dma_wait3A_155 = tpu.memref_slice %arg5[%run_scoped3A_37, %dma_wait3A_152, %dma_wait3A_153, %dma_wait3A_154] : memref<2x4x2x128xi32, #tpu.memory_space<vmem>> -> memref<1x4x2x128xi32, #tpu.memory_space<vmem>>
      %dma_wait3A_156 = tpu.memref_squeeze %dma_wait3A_155 : memref<1x4x2x128xi32, #tpu.memory_space<vmem>> -> memref<4x2x128xi32, #tpu.memory_space<vmem>>
      %dma_wait3A_157 = arith.constant 0 : i32
      %dma_wait3A_158 = arith.constant 0 : i32
      %dma_wait3A_159 = arith.constant 0 : i32
      %dma_wait3A_160 = tpu.memref_slice %arg3[%add3A, %dma_wait3A_157, %dma_wait3A_158, %dma_wait3A_159] : memref<32x80x2x128xi32, #tpu.memory_space<hbm>> -> memref<1x80x2x128xi32, #tpu.memory_space<hbm>>
      %dma_wait3A_161 = tpu.memref_squeeze %dma_wait3A_160 : memref<1x80x2x128xi32, #tpu.memory_space<hbm>> -> memref<80x2x128xi32, #tpu.memory_space<hbm>>
      %dma_wait3A_162 = arith.constant 0 : i32
      %dma_wait3A_163 = arith.constant 0 : i32
      %dma_wait3A_164 = arith.constant 0 : i32
      %dma_wait3A_165 = tpu.memref_slice %dma_wait3A_161[%dma_wait3A_162, %dma_wait3A_163, %dma_wait3A_164] : memref<80x2x128xi32, #tpu.memory_space<hbm>> -> memref<4x2x128xi32, #tpu.memory_space<hbm>>
      %dma_wait3A_166 = arith.constant 0 : i32
      %dma_wait3A_167 = arith.constant 0 : i32
      %dma_wait3A_168 = arith.constant 0 : i32
      %dma_wait3A_169 = tpu.memref_slice %arg5[%run_scoped3A_37, %dma_wait3A_166, %dma_wait3A_167, %dma_wait3A_168] : memref<2x4x2x128xi32, #tpu.memory_space<vmem>> -> memref<1x4x2x128xi32, #tpu.memory_space<vmem>>
      %dma_wait3A_170 = tpu.memref_squeeze %dma_wait3A_169 : memref<1x4x2x128xi32, #tpu.memory_space<vmem>> -> memref<4x2x128xi32, #tpu.memory_space<vmem>>
      %dma_wait3A_171 = arith.constant 0 : i32
      %dma_wait3A_172 = arith.constant 0 : i32
      %dma_wait3A_173 = arith.constant 0 : i32
      %dma_wait3A_174 = tpu.memref_slice %arg3[%add3A, %dma_wait3A_171, %dma_wait3A_172, %dma_wait3A_173] : memref<32x80x2x128xi32, #tpu.memory_space<hbm>> -> memref<1x80x2x128xi32, #tpu.memory_space<hbm>>
      %dma_wait3A_175 = tpu.memref_squeeze %dma_wait3A_174 : memref<1x80x2x128xi32, #tpu.memory_space<hbm>> -> memref<80x2x128xi32, #tpu.memory_space<hbm>>
      %dma_wait3A_176 = arith.constant 0 : i32
      %dma_wait3A_177 = arith.constant 0 : i32
      %dma_wait3A_178 = arith.constant 0 : i32
      %dma_wait3A_179 = tpu.memref_slice %dma_wait3A_175[%dma_wait3A_176, %dma_wait3A_177, %dma_wait3A_178] : memref<80x2x128xi32, #tpu.memory_space<hbm>> -> memref<4x2x128xi32, #tpu.memory_space<hbm>>
      tpu.wait_dma2 semaphore(%run_scoped3A_123 : memref<!tpu.dma_semaphore, #tpu.memory_space<semaphore_mem>>) src(%dma_wait3A_179 : memref<4x2x128xi32, #tpu.memory_space<hbm>>) dst(%dma_wait3A_170 : memref<4x2x128xi32, #tpu.memory_space<vmem>>)
      tpu.yield
    }) : () -> ()
    %dma_start3A = arith.constant 1 : i32
    %dma_start3A_38 = arith.constant 0 : i32
    %dma_start3A_39 = arith.constant 0 : i32
    %dma_start3A_40 = arith.constant 0 : i32
    %dma_start3A_41 = tpu.memref_slice %arg5[%dma_start3A, %dma_start3A_38, %dma_start3A_39, %dma_start3A_40] : memref<2x4x2x128xi32, #tpu.memory_space<vmem>> -> memref<1x4x2x128xi32, #tpu.memory_space<vmem>>
    %dma_start3A_42 = tpu.memref_squeeze %dma_start3A_41 : memref<1x4x2x128xi32, #tpu.memory_space<vmem>> -> memref<4x2x128xi32, #tpu.memory_space<vmem>>
    %dma_start3A_43 = arith.constant 0 : i32
    %dma_start3A_44 = arith.constant 0 : i32
    %dma_start3A_45 = arith.constant 0 : i32
    %dma_start3A_46 = tpu.memref_slice %arg3[%add3A, %dma_start3A_43, %dma_start3A_44, %dma_start3A_45] : memref<32x80x2x128xi32, #tpu.memory_space<hbm>> -> memref<1x80x2x128xi32, #tpu.memory_space<hbm>>
    %dma_start3A_47 = tpu.memref_squeeze %dma_start3A_46 : memref<1x80x2x128xi32, #tpu.memory_space<hbm>> -> memref<80x2x128xi32, #tpu.memory_space<hbm>>
    %dma_start3A_48 = arith.constant 4 : i32
    %dma_start3A_49 = arith.constant 0 : i32
    %dma_start3A_50 = arith.constant 0 : i32
    %dma_start3A_51 = tpu.memref_slice %dma_start3A_47[%dma_start3A_48, %dma_start3A_49, %dma_start3A_50] : memref<80x2x128xi32, #tpu.memory_space<hbm>> -> memref<4x2x128xi32, #tpu.memory_space<hbm>>
    %dma_start3A_52 = arith.constant 0 : i32
    %dma_start3A_53 = arith.constant 0 : i32
    %dma_start3A_54 = arith.constant 0 : i32
    %dma_start3A_55 = tpu.memref_slice %arg5[%dma_start3A, %dma_start3A_52, %dma_start3A_53, %dma_start3A_54] : memref<2x4x2x128xi32, #tpu.memory_space<vmem>> -> memref<1x4x2x128xi32, #tpu.memory_space<vmem>>
    %dma_start3A_56 = tpu.memref_squeeze %dma_start3A_55 : memref<1x4x2x128xi32, #tpu.memory_space<vmem>> -> memref<4x2x128xi32, #tpu.memory_space<vmem>>
    %dma_start3A_57 = arith.constant 0 : i32
    %dma_start3A_58 = arith.constant 0 : i32
    %dma_start3A_59 = arith.constant 0 : i32
    %dma_start3A_60 = tpu.memref_slice %arg3[%add3A, %dma_start3A_57, %dma_start3A_58, %dma_start3A_59] : memref<32x80x2x128xi32, #tpu.memory_space<hbm>> -> memref<1x80x2x128xi32, #tpu.memory_space<hbm>>
    %dma_start3A_61 = tpu.memref_squeeze %dma_start3A_60 : memref<1x80x2x128xi32, #tpu.memory_space<hbm>> -> memref<80x2x128xi32, #tpu.memory_space<hbm>>
    %dma_start3A_62 = arith.constant 4 : i32
    %dma_start3A_63 = arith.constant 0 : i32
    %dma_start3A_64 = arith.constant 0 : i32
    %dma_start3A_65 = tpu.memref_slice %dma_start3A_61[%dma_start3A_62, %dma_start3A_63, %dma_start3A_64] : memref<80x2x128xi32, #tpu.memory_space<hbm>> -> memref<4x2x128xi32, #tpu.memory_space<hbm>>
    tpu.enqueue_dma source(%dma_start3A_65 : memref<4x2x128xi32, #tpu.memory_space<hbm>>) target(%dma_start3A_56 : memref<4x2x128xi32, #tpu.memory_space<vmem>>) target_semaphore(%arg13 : memref<!tpu.dma_semaphore, #tpu.memory_space<semaphore_mem>>)
    %dma_start3A_66 = arith.constant 0 : i32
    %dma_start3A_67 = arith.constant 0 : i32
    %dma_start3A_68 = arith.constant 0 : i32
    %dma_start3A_69 = arith.constant 0 : i32
    %dma_start3A_70 = arith.constant 0 : i32
    %dma_start3A_71 = arith.constant 0 : i32
    %dma_start3A_72 = tpu.memref_slice %arg6[%dma_start3A_69, %dma_start3A_70, %dma_start3A_71] : memref<2x128x128xf32, #tpu.memory_space<vmem>> -> memref<1x128x128xf32, #tpu.memory_space<vmem>>
    %dma_start3A_73 = tpu.memref_squeeze %dma_start3A_72 : memref<1x128x128xf32, #tpu.memory_space<vmem>> -> memref<128x128xf32, #tpu.memory_space<vmem>>
    %dma_start3A_74 = arith.constant 0 : i32
    %dma_start3A_75 = arith.constant 0 : i32
    %dma_start3A_76 = arith.constant 0 : i32
    %dma_start3A_77 = tpu.memref_slice %arg5[%dma_start3A_66, %dma_start3A_74, %dma_start3A_75, %dma_start3A_76] : memref<2x4x2x128xi32, #tpu.memory_space<vmem>> -> memref<1x4x2x128xi32, #tpu.memory_space<vmem>>
    %dma_start3A_78 = tpu.memref_squeeze %dma_start3A_77 : memref<1x4x2x128xi32, #tpu.memory_space<vmem>> -> memref<4x2x128xi32, #tpu.memory_space<vmem>>
    %dma_start3A_79 = arith.constant 0 : i32
    %dma_start3A_80 = arith.constant 0 : i32
    %dma_start3A_81 = tpu.memref_slice %dma_start3A_78[%dma_start3A_67, %dma_start3A_79, %dma_start3A_80] : memref<4x2x128xi32, #tpu.memory_space<vmem>> -> memref<1x2x128xi32, #tpu.memory_space<vmem>>
    %dma_start3A_82 = tpu.memref_squeeze %dma_start3A_81 : memref<1x2x128xi32, #tpu.memory_space<vmem>> -> memref<2x128xi32, #tpu.memory_space<vmem>>
    %dma_start3A_83 = arith.constant 0 : i32
    %dma_start3A_84 = tpu.memref_slice %dma_start3A_82[%dma_start3A_68, %dma_start3A_83] : memref<2x128xi32, #tpu.memory_space<vmem>> -> memref<1x128xi32, #tpu.memory_space<vmem>>
    %dma_start3A_85 = tpu.memref_squeeze %dma_start3A_84 : memref<1x128xi32, #tpu.memory_space<vmem>> -> memref<128xi32, #tpu.memory_space<vmem>>
    %dma_start3A_86 = arith.constant 0 : i32
    %dma_start3A_87 = arith.constant 0 : i32
    %dma_start3A_88 = tpu.memref_slice %arg2[%dma_start3A_86, %dma_start3A_87] : memref<10000x128xf32, #tpu.memory_space<hbm>> -> memref<10000x128xf32, #tpu.memory_space<hbm>>
    tpu.enqueue_indirect_dma source(%dma_start3A_88 : memref<10000x128xf32, #tpu.memory_space<hbm>>) target(%dma_start3A_73 : memref<128x128xf32, #tpu.memory_space<vmem>>) offsets(%dma_start3A_85 : memref<128xi32, #tpu.memory_space<vmem>>) semaphore(%arg8 : memref<!tpu.dma_semaphore, #tpu.memory_space<semaphore_mem>>)
    %barrier3A = arith.constant 0 : index
    tpu.barrier barrier_id(%barrier3A)
    %scan3A_89 = arith.constant 0 : i32
    %scan3A_90 = arith.constant 0 : i32
    %scan3A_91 = arith.constant 10 : i32
    %scan3A_92 = arith.addi %scan3A_90, %scan3A_91 : i32
    %scan3A_93 = arith.constant 1 : i32
    scf.for %scan3A_123 = %scan3A_90 to %scan3A_92 step %scan3A_93  : i32 {
      %mul3A_124 = arith.constant 2 : i32
      %mul3A_125 = arith.muli %scan3A_123, %mul3A_124 : i32
      %add3A_126 = arith.constant 0 : i32
      %add3A_127 = arith.addi %mul3A_125, %add3A_126 : i32
      %ge3A = arith.constant 1 : i32
      %ge3A_128 = arith.cmpi sge, %add3A_127, %ge3A : i32
      %convert_element_type3A_129 = arith.extui %ge3A_128 : i1 to i32
      %cond3A_130 = arith.constant 0 : i32
      %cond3A_131 = arith.cmpi ne, %convert_element_type3A_129, %cond3A_130 : i32
      scf.if %cond3A_131 {
        %dma_wait3A_817 = arith.constant 1 : i32
        %dma_wait3A_818 = arith.constant 0 : i32
        %dma_wait3A_819 = arith.constant 0 : i32
        %dma_wait3A_820 = arith.constant 1 : i32
        %dma_wait3A_821 = arith.constant 0 : i32
        %dma_wait3A_822 = arith.constant 0 : i32
        %dma_wait3A_823 = tpu.memref_slice %arg6[%dma_wait3A_817, %dma_wait3A_821, %dma_wait3A_822] : memref<2x128x128xf32, #tpu.memory_space<vmem>> -> memref<1x128x128xf32, #tpu.memory_space<vmem>>
        %dma_wait3A_824 = tpu.memref_squeeze %dma_wait3A_823 : memref<1x128x128xf32, #tpu.memory_space<vmem>> -> memref<128x128xf32, #tpu.memory_space<vmem>>
        %dma_wait3A_825 = arith.constant 0 : i32
        %dma_wait3A_826 = arith.constant 0 : i32
        %dma_wait3A_827 = arith.constant 0 : i32
        %dma_wait3A_828 = tpu.memref_slice %arg5[%dma_wait3A_818, %dma_wait3A_825, %dma_wait3A_826, %dma_wait3A_827] : memref<2x4x2x128xi32, #tpu.memory_space<vmem>> -> memref<1x4x2x128xi32, #tpu.memory_space<vmem>>
        %dma_wait3A_829 = tpu.memref_squeeze %dma_wait3A_828 : memref<1x4x2x128xi32, #tpu.memory_space<vmem>> -> memref<4x2x128xi32, #tpu.memory_space<vmem>>
        %dma_wait3A_830 = arith.constant 0 : i32
        %dma_wait3A_831 = arith.constant 0 : i32
        %dma_wait3A_832 = tpu.memref_slice %dma_wait3A_829[%dma_wait3A_819, %dma_wait3A_830, %dma_wait3A_831] : memref<4x2x128xi32, #tpu.memory_space<vmem>> -> memref<1x2x128xi32, #tpu.memory_space<vmem>>
        %dma_wait3A_833 = tpu.memref_squeeze %dma_wait3A_832 : memref<1x2x128xi32, #tpu.memory_space<vmem>> -> memref<2x128xi32, #tpu.memory_space<vmem>>
        %dma_wait3A_834 = arith.constant 0 : i32
        %dma_wait3A_835 = tpu.memref_slice %dma_wait3A_833[%dma_wait3A_820, %dma_wait3A_834] : memref<2x128xi32, #tpu.memory_space<vmem>> -> memref<1x128xi32, #tpu.memory_space<vmem>>
        %dma_wait3A_836 = tpu.memref_squeeze %dma_wait3A_835 : memref<1x128xi32, #tpu.memory_space<vmem>> -> memref<128xi32, #tpu.memory_space<vmem>>
        %dma_wait3A_837 = arith.constant 0 : i32
        %dma_wait3A_838 = arith.constant 0 : i32
        %dma_wait3A_839 = tpu.memref_slice %arg7[%dma_wait3A_837, %dma_wait3A_838] : memref<10256x128xf32, #tpu.memory_space<vmem_shared>> -> memref<10256x128xf32, #tpu.memory_space<vmem_shared>>
        tpu.wait_indirect_dma semaphore(%arg11 : memref<!tpu.dma_semaphore, #tpu.memory_space<semaphore_mem>>) src(%dma_wait3A_824 : memref<128x128xf32, #tpu.memory_space<vmem>>) dst(%dma_wait3A_839 : memref<10256x128xf32, #tpu.memory_space<vmem_shared>>)
      } else {
      }
      %dma_start3A_132 = arith.constant 0 : i32
      %dma_start3A_133 = arith.constant 1 : i32
      %dma_start3A_134 = arith.constant 0 : i32
      %dma_start3A_135 = arith.constant 1 : i32
      %dma_start3A_136 = arith.constant 0 : i32
      %dma_start3A_137 = arith.constant 0 : i32
      %dma_start3A_138 = tpu.memref_slice %arg6[%dma_start3A_135, %dma_start3A_136, %dma_start3A_137] : memref<2x128x128xf32, #tpu.memory_space<vmem>> -> memref<1x128x128xf32, #tpu.memory_space<vmem>>
      %dma_start3A_139 = tpu.memref_squeeze %dma_start3A_138 : memref<1x128x128xf32, #tpu.memory_space<vmem>> -> memref<128x128xf32, #tpu.memory_space<vmem>>
      %dma_start3A_140 = arith.constant 0 : i32
      %dma_start3A_141 = arith.constant 0 : i32
      %dma_start3A_142 = arith.constant 0 : i32
      %dma_start3A_143 = tpu.memref_slice %arg5[%dma_start3A_132, %dma_start3A_140, %dma_start3A_141, %dma_start3A_142] : memref<2x4x2x128xi32, #tpu.memory_space<vmem>> -> memref<1x4x2x128xi32, #tpu.memory_space<vmem>>
      %dma_start3A_144 = tpu.memref_squeeze %dma_start3A_143 : memref<1x4x2x128xi32, #tpu.memory_space<vmem>> -> memref<4x2x128xi32, #tpu.memory_space<vmem>>
      %dma_start3A_145 = arith.constant 0 : i32
      %dma_start3A_146 = arith.constant 0 : i32
      %dma_start3A_147 = tpu.memref_slice %dma_start3A_144[%dma_start3A_133, %dma_start3A_145, %dma_start3A_146] : memref<4x2x128xi32, #tpu.memory_space<vmem>> -> memref<1x2x128xi32, #tpu.memory_space<vmem>>
      %dma_start3A_148 = tpu.memref_squeeze %dma_start3A_147 : memref<1x2x128xi32, #tpu.memory_space<vmem>> -> memref<2x128xi32, #tpu.memory_space<vmem>>
      %dma_start3A_149 = arith.constant 0 : i32
      %dma_start3A_150 = tpu.memref_slice %dma_start3A_148[%dma_start3A_134, %dma_start3A_149] : memref<2x128xi32, #tpu.memory_space<vmem>> -> memref<1x128xi32, #tpu.memory_space<vmem>>
      %dma_start3A_151 = tpu.memref_squeeze %dma_start3A_150 : memref<1x128xi32, #tpu.memory_space<vmem>> -> memref<128xi32, #tpu.memory_space<vmem>>
      %dma_start3A_152 = arith.constant 0 : i32
      %dma_start3A_153 = arith.constant 0 : i32
      %dma_start3A_154 = tpu.memref_slice %arg2[%dma_start3A_152, %dma_start3A_153] : memref<10000x128xf32, #tpu.memory_space<hbm>> -> memref<10000x128xf32, #tpu.memory_space<hbm>>
      tpu.enqueue_indirect_dma source(%dma_start3A_154 : memref<10000x128xf32, #tpu.memory_space<hbm>>) target(%dma_start3A_139 : memref<128x128xf32, #tpu.memory_space<vmem>>) offsets(%dma_start3A_151 : memref<128xi32, #tpu.memory_space<vmem>>) semaphore(%arg9 : memref<!tpu.dma_semaphore, #tpu.memory_space<semaphore_mem>>)
      %dma_wait3A_155 = arith.constant 0 : i32
      %dma_wait3A_156 = arith.constant 0 : i32
      %dma_wait3A_157 = arith.constant 0 : i32
      %dma_wait3A_158 = arith.constant 0 : i32
      %dma_wait3A_159 = arith.constant 0 : i32
      %dma_wait3A_160 = arith.constant 0 : i32
      %dma_wait3A_161 = tpu.memref_slice %arg6[%dma_wait3A_158, %dma_wait3A_159, %dma_wait3A_160] : memref<2x128x128xf32, #tpu.memory_space<vmem>> -> memref<1x128x128xf32, #tpu.memory_space<vmem>>
      %dma_wait3A_162 = tpu.memref_squeeze %dma_wait3A_161 : memref<1x128x128xf32, #tpu.memory_space<vmem>> -> memref<128x128xf32, #tpu.memory_space<vmem>>
      %dma_wait3A_163 = arith.constant 0 : i32
      %dma_wait3A_164 = arith.constant 0 : i32
      %dma_wait3A_165 = arith.constant 0 : i32
      %dma_wait3A_166 = tpu.memref_slice %arg5[%dma_wait3A_155, %dma_wait3A_163, %dma_wait3A_164, %dma_wait3A_165] : memref<2x4x2x128xi32, #tpu.memory_space<vmem>> -> memref<1x4x2x128xi32, #tpu.memory_space<vmem>>
      %dma_wait3A_167 = tpu.memref_squeeze %dma_wait3A_166 : memref<1x4x2x128xi32, #tpu.memory_space<vmem>> -> memref<4x2x128xi32, #tpu.memory_space<vmem>>
      %dma_wait3A_168 = arith.constant 0 : i32
      %dma_wait3A_169 = arith.constant 0 : i32
      %dma_wait3A_170 = tpu.memref_slice %dma_wait3A_167[%dma_wait3A_156, %dma_wait3A_168, %dma_wait3A_169] : memref<4x2x128xi32, #tpu.memory_space<vmem>> -> memref<1x2x128xi32, #tpu.memory_space<vmem>>
      %dma_wait3A_171 = tpu.memref_squeeze %dma_wait3A_170 : memref<1x2x128xi32, #tpu.memory_space<vmem>> -> memref<2x128xi32, #tpu.memory_space<vmem>>
      %dma_wait3A_172 = arith.constant 0 : i32
      %dma_wait3A_173 = tpu.memref_slice %dma_wait3A_171[%dma_wait3A_157, %dma_wait3A_172] : memref<2x128xi32, #tpu.memory_space<vmem>> -> memref<1x128xi32, #tpu.memory_space<vmem>>
      %dma_wait3A_174 = tpu.memref_squeeze %dma_wait3A_173 : memref<1x128xi32, #tpu.memory_space<vmem>> -> memref<128xi32, #tpu.memory_space<vmem>>
      %dma_wait3A_175 = arith.constant 0 : i32
      %dma_wait3A_176 = arith.constant 0 : i32
      %dma_wait3A_177 = tpu.memref_slice %arg2[%dma_wait3A_175, %dma_wait3A_176] : memref<10000x128xf32, #tpu.memory_space<hbm>> -> memref<10000x128xf32, #tpu.memory_space<hbm>>
      tpu.wait_indirect_dma semaphore(%arg8 : memref<!tpu.dma_semaphore, #tpu.memory_space<semaphore_mem>>) src(%dma_wait3A_177 : memref<10000x128xf32, #tpu.memory_space<hbm>>) dst(%dma_wait3A_162 : memref<128x128xf32, #tpu.memory_space<vmem>>)
      %dma_start3A_178 = arith.constant 0 : i32
      %dma_start3A_179 = arith.constant 0 : i32
      %dma_start3A_180 = arith.constant 0 : i32
      %dma_start3A_181 = arith.constant 1 : i32
      %dma_start3A_182 = arith.constant 0 : i32
      %dma_start3A_183 = arith.constant 0 : i32
      %dma_start3A_184 = tpu.memref_slice %arg6[%dma_start3A_178, %dma_start3A_182, %dma_start3A_183] : memref<2x128x128xf32, #tpu.memory_space<vmem>> -> memref<1x128x128xf32, #tpu.memory_space<vmem>>
      %dma_start3A_185 = tpu.memref_squeeze %dma_start3A_184 : memref<1x128x128xf32, #tpu.memory_space<vmem>> -> memref<128x128xf32, #tpu.memory_space<vmem>>
      %dma_start3A_186 = arith.constant 0 : i32
      %dma_start3A_187 = arith.constant 0 : i32
      %dma_start3A_188 = arith.constant 0 : i32
      %dma_start3A_189 = tpu.memref_slice %arg5[%dma_start3A_179, %dma_start3A_186, %dma_start3A_187, %dma_start3A_188] : memref<2x4x2x128xi32, #tpu.memory_space<vmem>> -> memref<1x4x2x128xi32, #tpu.memory_space<vmem>>
      %dma_start3A_190 = tpu.memref_squeeze %dma_start3A_189 : memref<1x4x2x128xi32, #tpu.memory_space<vmem>> -> memref<4x2x128xi32, #tpu.memory_space<vmem>>
      %dma_start3A_191 = arith.constant 0 : i32
      %dma_start3A_192 = arith.constant 0 : i32
      %dma_start3A_193 = tpu.memref_slice %dma_start3A_190[%dma_start3A_180, %dma_start3A_191, %dma_start3A_192] : memref<4x2x128xi32, #tpu.memory_space<vmem>> -> memref<1x2x128xi32, #tpu.memory_space<vmem>>
      %dma_start3A_194 = tpu.memref_squeeze %dma_start3A_193 : memref<1x2x128xi32, #tpu.memory_space<vmem>> -> memref<2x128xi32, #tpu.memory_space<vmem>>
      %dma_start3A_195 = arith.constant 0 : i32
      %dma_start3A_196 = tpu.memref_slice %dma_start3A_194[%dma_start3A_181, %dma_start3A_195] : memref<2x128xi32, #tpu.memory_space<vmem>> -> memref<1x128xi32, #tpu.memory_space<vmem>>
      %dma_start3A_197 = tpu.memref_squeeze %dma_start3A_196 : memref<1x128xi32, #tpu.memory_space<vmem>> -> memref<128xi32, #tpu.memory_space<vmem>>
      %dma_start3A_198 = arith.constant 0 : i32
      %dma_start3A_199 = arith.constant 0 : i32
      %dma_start3A_200 = tpu.memref_slice %arg7[%dma_start3A_198, %dma_start3A_199] : memref<10256x128xf32, #tpu.memory_space<vmem_shared>> -> memref<10256x128xf32, #tpu.memory_space<vmem_shared>>
      tpu.enqueue_indirect_dma source(%dma_start3A_185 : memref<128x128xf32, #tpu.memory_space<vmem>>) target(%dma_start3A_200 : memref<10256x128xf32, #tpu.memory_space<vmem_shared>>) offsets(%dma_start3A_197 : memref<128xi32, #tpu.memory_space<vmem>>) semaphore(%arg10 : memref<!tpu.dma_semaphore, #tpu.memory_space<semaphore_mem>>) {add = true}
      %dma_wait3A_201 = arith.constant 0 : i32
      %dma_wait3A_202 = arith.constant 0 : i32
      %dma_wait3A_203 = arith.constant 0 : i32
      %dma_wait3A_204 = arith.constant 1 : i32
      %dma_wait3A_205 = arith.constant 0 : i32
      %dma_wait3A_206 = arith.constant 0 : i32
      %dma_wait3A_207 = tpu.memref_slice %arg6[%dma_wait3A_201, %dma_wait3A_205, %dma_wait3A_206] : memref<2x128x128xf32, #tpu.memory_space<vmem>> -> memref<1x128x128xf32, #tpu.memory_space<vmem>>
      %dma_wait3A_208 = tpu.memref_squeeze %dma_wait3A_207 : memref<1x128x128xf32, #tpu.memory_space<vmem>> -> memref<128x128xf32, #tpu.memory_space<vmem>>
      %dma_wait3A_209 = arith.constant 0 : i32
      %dma_wait3A_210 = arith.constant 0 : i32
      %dma_wait3A_211 = arith.constant 0 : i32
      %dma_wait3A_212 = tpu.memref_slice %arg5[%dma_wait3A_202, %dma_wait3A_209, %dma_wait3A_210, %dma_wait3A_211] : memref<2x4x2x128xi32, #tpu.memory_space<vmem>> -> memref<1x4x2x128xi32, #tpu.memory_space<vmem>>
      %dma_wait3A_213 = tpu.memref_squeeze %dma_wait3A_212 : memref<1x4x2x128xi32, #tpu.memory_space<vmem>> -> memref<4x2x128xi32, #tpu.memory_space<vmem>>
      %dma_wait3A_214 = arith.constant 0 : i32
      %dma_wait3A_215 = arith.constant 0 : i32
      %dma_wait3A_216 = tpu.memref_slice %dma_wait3A_213[%dma_wait3A_203, %dma_wait3A_214, %dma_wait3A_215] : memref<4x2x128xi32, #tpu.memory_space<vmem>> -> memref<1x2x128xi32, #tpu.memory_space<vmem>>
      %dma_wait3A_217 = tpu.memref_squeeze %dma_wait3A_216 : memref<1x2x128xi32, #tpu.memory_space<vmem>> -> memref<2x128xi32, #tpu.memory_space<vmem>>
      %dma_wait3A_218 = arith.constant 0 : i32
      %dma_wait3A_219 = tpu.memref_slice %dma_wait3A_217[%dma_wait3A_204, %dma_wait3A_218] : memref<2x128xi32, #tpu.memory_space<vmem>> -> memref<1x128xi32, #tpu.memory_space<vmem>>
      %dma_wait3A_220 = tpu.memref_squeeze %dma_wait3A_219 : memref<1x128xi32, #tpu.memory_space<vmem>> -> memref<128xi32, #tpu.memory_space<vmem>>
      %dma_wait3A_221 = arith.constant 0 : i32
      %dma_wait3A_222 = arith.constant 0 : i32
      %dma_wait3A_223 = tpu.memref_slice %arg7[%dma_wait3A_221, %dma_wait3A_222] : memref<10256x128xf32, #tpu.memory_space<vmem_shared>> -> memref<10256x128xf32, #tpu.memory_space<vmem_shared>>
      tpu.wait_indirect_dma semaphore(%arg10 : memref<!tpu.dma_semaphore, #tpu.memory_space<semaphore_mem>>) src(%dma_wait3A_208 : memref<128x128xf32, #tpu.memory_space<vmem>>) dst(%dma_wait3A_223 : memref<10256x128xf32, #tpu.memory_space<vmem_shared>>)
      %ge3A_224 = arith.constant 1 : i32
      %ge3A_225 = arith.cmpi sge, %add3A_127, %ge3A_224 : i32
      %add3A_226 = arith.constant 1 : i32
      %add3A_227 = arith.addi %add3A_127, %add3A_226 : i32
      %le3A = arith.constant 19 : i32
      %le3A_228 = arith.cmpi sle, %add3A_227, %le3A : i32
      %and3A = arith.andi %ge3A_225, %le3A_228 : i1
      %convert_element_type3A_229 = arith.extui %and3A : i1 to i32
      %cond3A_230 = arith.constant 0 : i32
      %cond3A_231 = arith.cmpi ne, %convert_element_type3A_229, %cond3A_230 : i32
      scf.if %cond3A_231 {
        %add3A_817 = arith.constant 1 : i32
        %add3A_818 = arith.addi %add3A_127, %add3A_817 : i32
        %mul3A_819 = arith.constant 4 : i32
        %mul3A_820 = arith.muli %add3A_818, %mul3A_819 : i32
        %dma_start3A_821 = arith.constant 1 : i32
        %dma_start3A_822 = arith.constant 0 : i32
        %dma_start3A_823 = arith.constant 0 : i32
        %dma_start3A_824 = arith.constant 0 : i32
        %dma_start3A_825 = tpu.memref_slice %arg5[%dma_start3A_821, %dma_start3A_822, %dma_start3A_823, %dma_start3A_824] : memref<2x4x2x128xi32, #tpu.memory_space<vmem>> -> memref<1x4x2x128xi32, #tpu.memory_space<vmem>>
        %dma_start3A_826 = tpu.memref_squeeze %dma_start3A_825 : memref<1x4x2x128xi32, #tpu.memory_space<vmem>> -> memref<4x2x128xi32, #tpu.memory_space<vmem>>
        %dma_start3A_827 = arith.constant 0 : i32
        %dma_start3A_828 = arith.constant 0 : i32
        %dma_start3A_829 = arith.constant 0 : i32
        %dma_start3A_830 = tpu.memref_slice %arg3[%add3A, %dma_start3A_827, %dma_start3A_828, %dma_start3A_829] : memref<32x80x2x128xi32, #tpu.memory_space<hbm>> -> memref<1x80x2x128xi32, #tpu.memory_space<hbm>>
        %dma_start3A_831 = tpu.memref_squeeze %dma_start3A_830 : memref<1x80x2x128xi32, #tpu.memory_space<hbm>> -> memref<80x2x128xi32, #tpu.memory_space<hbm>>
        %dma_start3A_832 = arith.constant 0 : i32
        %dma_start3A_833 = arith.constant 0 : i32
        %dma_start3A_834 = tpu.memref_slice %dma_start3A_831[%mul3A_820, %dma_start3A_832, %dma_start3A_833] : memref<80x2x128xi32, #tpu.memory_space<hbm>> -> memref<4x2x128xi32, #tpu.memory_space<hbm>>
        %dma_start3A_835 = arith.constant 0 : i32
        %dma_start3A_836 = arith.constant 0 : i32
        %dma_start3A_837 = arith.constant 0 : i32
        %dma_start3A_838 = tpu.memref_slice %arg5[%dma_start3A_821, %dma_start3A_835, %dma_start3A_836, %dma_start3A_837] : memref<2x4x2x128xi32, #tpu.memory_space<vmem>> -> memref<1x4x2x128xi32, #tpu.memory_space<vmem>>
        %dma_start3A_839 = tpu.memref_squeeze %dma_start3A_838 : memref<1x4x2x128xi32, #tpu.memory_space<vmem>> -> memref<4x2x128xi32, #tpu.memory_space<vmem>>
        %dma_start3A_840 = arith.constant 0 : i32
        %dma_start3A_841 = arith.constant 0 : i32
        %dma_start3A_842 = arith.constant 0 : i32
        %dma_start3A_843 = tpu.memref_slice %arg3[%add3A, %dma_start3A_840, %dma_start3A_841, %dma_start3A_842] : memref<32x80x2x128xi32, #tpu.memory_space<hbm>> -> memref<1x80x2x128xi32, #tpu.memory_space<hbm>>
        %dma_start3A_844 = tpu.memref_squeeze %dma_start3A_843 : memref<1x80x2x128xi32, #tpu.memory_space<hbm>> -> memref<80x2x128xi32, #tpu.memory_space<hbm>>
        %dma_start3A_845 = arith.constant 0 : i32
        %dma_start3A_846 = arith.constant 0 : i32
        %dma_start3A_847 = tpu.memref_slice %dma_start3A_844[%mul3A_820, %dma_start3A_845, %dma_start3A_846] : memref<80x2x128xi32, #tpu.memory_space<hbm>> -> memref<4x2x128xi32, #tpu.memory_space<hbm>>
        tpu.enqueue_dma source(%dma_start3A_847 : memref<4x2x128xi32, #tpu.memory_space<hbm>>) target(%dma_start3A_839 : memref<4x2x128xi32, #tpu.memory_space<vmem>>) target_semaphore(%arg13 : memref<!tpu.dma_semaphore, #tpu.memory_space<semaphore_mem>>)
      } else {
      }
      %dma_start3A_232 = arith.constant 0 : i32
      %dma_start3A_233 = arith.constant 2 : i32
      %dma_start3A_234 = arith.constant 0 : i32
      %dma_start3A_235 = arith.constant 0 : i32
      %dma_start3A_236 = arith.constant 0 : i32
      %dma_start3A_237 = arith.constant 0 : i32
      %dma_start3A_238 = tpu.memref_slice %arg6[%dma_start3A_235, %dma_start3A_236, %dma_start3A_237] : memref<2x128x128xf32, #tpu.memory_space<vmem>> -> memref<1x128x128xf32, #tpu.memory_space<vmem>>
      %dma_start3A_239 = tpu.memref_squeeze %dma_start3A_238 : memref<1x128x128xf32, #tpu.memory_space<vmem>> -> memref<128x128xf32, #tpu.memory_space<vmem>>
      %dma_start3A_240 = arith.constant 0 : i32
      %dma_start3A_241 = arith.constant 0 : i32
      %dma_start3A_242 = arith.constant 0 : i32
      %dma_start3A_243 = tpu.memref_slice %arg5[%dma_start3A_232, %dma_start3A_240, %dma_start3A_241, %dma_start3A_242] : memref<2x4x2x128xi32, #tpu.memory_space<vmem>> -> memref<1x4x2x128xi32, #tpu.memory_space<vmem>>
      %dma_start3A_244 = tpu.memref_squeeze %dma_start3A_243 : memref<1x4x2x128xi32, #tpu.memory_space<vmem>> -> memref<4x2x128xi32, #tpu.memory_space<vmem>>
      %dma_start3A_245 = arith.constant 0 : i32
      %dma_start3A_246 = arith.constant 0 : i32
      %dma_start3A_247 = tpu.memref_slice %dma_start3A_244[%dma_start3A_233, %dma_start3A_245, %dma_start3A_246] : memref<4x2x128xi32, #tpu.memory_space<vmem>> -> memref<1x2x128xi32, #tpu.memory_space<vmem>>
      %dma_start3A_248 = tpu.memref_squeeze %dma_start3A_247 : memref<1x2x128xi32, #tpu.memory_space<vmem>> -> memref<2x128xi32, #tpu.memory_space<vmem>>
      %dma_start3A_249 = arith.constant 0 : i32
      %dma_start3A_250 = tpu.memref_slice %dma_start3A_248[%dma_start3A_234, %dma_start3A_249] : memref<2x128xi32, #tpu.memory_space<vmem>> -> memref<1x128xi32, #tpu.memory_space<vmem>>
      %dma_start3A_251 = tpu.memref_squeeze %dma_start3A_250 : memref<1x128xi32, #tpu.memory_space<vmem>> -> memref<128xi32, #tpu.memory_space<vmem>>
      %dma_start3A_252 = arith.constant 0 : i32
      %dma_start3A_253 = arith.constant 0 : i32
      %dma_start3A_254 = tpu.memref_slice %arg2[%dma_start3A_252, %dma_start3A_253] : memref<10000x128xf32, #tpu.memory_space<hbm>> -> memref<10000x128xf32, #tpu.memory_space<hbm>>
      tpu.enqueue_indirect_dma source(%dma_start3A_254 : memref<10000x128xf32, #tpu.memory_space<hbm>>) target(%dma_start3A_239 : memref<128x128xf32, #tpu.memory_space<vmem>>) offsets(%dma_start3A_251 : memref<128xi32, #tpu.memory_space<vmem>>) semaphore(%arg8 : memref<!tpu.dma_semaphore, #tpu.memory_space<semaphore_mem>>)
      %dma_wait3A_255 = arith.constant 0 : i32
      %dma_wait3A_256 = arith.constant 0 : i32
      %dma_wait3A_257 = arith.constant 0 : i32
      %dma_wait3A_258 = arith.constant 1 : i32
      %dma_wait3A_259 = arith.constant 0 : i32
      %dma_wait3A_260 = arith.constant 0 : i32
      %dma_wait3A_261 = tpu.memref_slice %arg6[%dma_wait3A_258, %dma_wait3A_259, %dma_wait3A_260] : memref<2x128x128xf32, #tpu.memory_space<vmem>> -> memref<1x128x128xf32, #tpu.memory_space<vmem>>
      %dma_wait3A_262 = tpu.memref_squeeze %dma_wait3A_261 : memref<1x128x128xf32, #tpu.memory_space<vmem>> -> memref<128x128xf32, #tpu.memory_space<vmem>>
      %dma_wait3A_263 = arith.constant 0 : i32
      %dma_wait3A_264 = arith.constant 0 : i32
      %dma_wait3A_265 = arith.constant 0 : i32
      %dma_wait3A_266 = tpu.memref_slice %arg5[%dma_wait3A_255, %dma_wait3A_263, %dma_wait3A_264, %dma_wait3A_265] : memref<2x4x2x128xi32, #tpu.memory_space<vmem>> -> memref<1x4x2x128xi32, #tpu.memory_space<vmem>>
      %dma_wait3A_267 = tpu.memref_squeeze %dma_wait3A_266 : memref<1x4x2x128xi32, #tpu.memory_space<vmem>> -> memref<4x2x128xi32, #tpu.memory_space<vmem>>
      %dma_wait3A_268 = arith.constant 0 : i32
      %dma_wait3A_269 = arith.constant 0 : i32
      %dma_wait3A_270 = tpu.memref_slice %dma_wait3A_267[%dma_wait3A_256, %dma_wait3A_268, %dma_wait3A_269] : memref<4x2x128xi32, #tpu.memory_space<vmem>> -> memref<1x2x128xi32, #tpu.memory_space<vmem>>
      %dma_wait3A_271 = tpu.memref_squeeze %dma_wait3A_270 : memref<1x2x128xi32, #tpu.memory_space<vmem>> -> memref<2x128xi32, #tpu.memory_space<vmem>>
      %dma_wait3A_272 = arith.constant 0 : i32
      %dma_wait3A_273 = tpu.memref_slice %dma_wait3A_271[%dma_wait3A_257, %dma_wait3A_272] : memref<2x128xi32, #tpu.memory_space<vmem>> -> memref<1x128xi32, #tpu.memory_space<vmem>>
      %dma_wait3A_274 = tpu.memref_squeeze %dma_wait3A_273 : memref<1x128xi32, #tpu.memory_space<vmem>> -> memref<128xi32, #tpu.memory_space<vmem>>
      %dma_wait3A_275 = arith.constant 0 : i32
      %dma_wait3A_276 = arith.constant 0 : i32
      %dma_wait3A_277 = tpu.memref_slice %arg2[%dma_wait3A_275, %dma_wait3A_276] : memref<10000x128xf32, #tpu.memory_space<hbm>> -> memref<10000x128xf32, #tpu.memory_space<hbm>>
      tpu.wait_indirect_dma semaphore(%arg9 : memref<!tpu.dma_semaphore, #tpu.memory_space<semaphore_mem>>) src(%dma_wait3A_277 : memref<10000x128xf32, #tpu.memory_space<hbm>>) dst(%dma_wait3A_262 : memref<128x128xf32, #tpu.memory_space<vmem>>)
      %dma_start3A_278 = arith.constant 1 : i32
      %dma_start3A_279 = arith.constant 0 : i32
      %dma_start3A_280 = arith.constant 1 : i32
      %dma_start3A_281 = arith.constant 1 : i32
      %dma_start3A_282 = arith.constant 0 : i32
      %dma_start3A_283 = arith.constant 0 : i32
      %dma_start3A_284 = tpu.memref_slice %arg6[%dma_start3A_278, %dma_start3A_282, %dma_start3A_283] : memref<2x128x128xf32, #tpu.memory_space<vmem>> -> memref<1x128x128xf32, #tpu.memory_space<vmem>>
      %dma_start3A_285 = tpu.memref_squeeze %dma_start3A_284 : memref<1x128x128xf32, #tpu.memory_space<vmem>> -> memref<128x128xf32, #tpu.memory_space<vmem>>
      %dma_start3A_286 = arith.constant 0 : i32
      %dma_start3A_287 = arith.constant 0 : i32
      %dma_start3A_288 = arith.constant 0 : i32
      %dma_start3A_289 = tpu.memref_slice %arg5[%dma_start3A_279, %dma_start3A_286, %dma_start3A_287, %dma_start3A_288] : memref<2x4x2x128xi32, #tpu.memory_space<vmem>> -> memref<1x4x2x128xi32, #tpu.memory_space<vmem>>
      %dma_start3A_290 = tpu.memref_squeeze %dma_start3A_289 : memref<1x4x2x128xi32, #tpu.memory_space<vmem>> -> memref<4x2x128xi32, #tpu.memory_space<vmem>>
      %dma_start3A_291 = arith.constant 0 : i32
      %dma_start3A_292 = arith.constant 0 : i32
      %dma_start3A_293 = tpu.memref_slice %dma_start3A_290[%dma_start3A_280, %dma_start3A_291, %dma_start3A_292] : memref<4x2x128xi32, #tpu.memory_space<vmem>> -> memref<1x2x128xi32, #tpu.memory_space<vmem>>
      %dma_start3A_294 = tpu.memref_squeeze %dma_start3A_293 : memref<1x2x128xi32, #tpu.memory_space<vmem>> -> memref<2x128xi32, #tpu.memory_space<vmem>>
      %dma_start3A_295 = arith.constant 0 : i32
      %dma_start3A_296 = tpu.memref_slice %dma_start3A_294[%dma_start3A_281, %dma_start3A_295] : memref<2x128xi32, #tpu.memory_space<vmem>> -> memref<1x128xi32, #tpu.memory_space<vmem>>
      %dma_start3A_297 = tpu.memref_squeeze %dma_start3A_296 : memref<1x128xi32, #tpu.memory_space<vmem>> -> memref<128xi32, #tpu.memory_space<vmem>>
      %dma_start3A_298 = arith.constant 0 : i32
      %dma_start3A_299 = arith.constant 0 : i32
      %dma_start3A_300 = tpu.memref_slice %arg7[%dma_start3A_298, %dma_start3A_299] : memref<10256x128xf32, #tpu.memory_space<vmem_shared>> -> memref<10256x128xf32, #tpu.memory_space<vmem_shared>>
      tpu.enqueue_indirect_dma source(%dma_start3A_285 : memref<128x128xf32, #tpu.memory_space<vmem>>) target(%dma_start3A_300 : memref<10256x128xf32, #tpu.memory_space<vmem_shared>>) offsets(%dma_start3A_297 : memref<128xi32, #tpu.memory_space<vmem>>) semaphore(%arg11 : memref<!tpu.dma_semaphore, #tpu.memory_space<semaphore_mem>>) {add = true}
      %dma_wait3A_301 = arith.constant 1 : i32
      %dma_wait3A_302 = arith.constant 0 : i32
      %dma_wait3A_303 = arith.constant 0 : i32
      %dma_wait3A_304 = arith.constant 1 : i32
      %dma_wait3A_305 = arith.constant 0 : i32
      %dma_wait3A_306 = arith.constant 0 : i32
      %dma_wait3A_307 = tpu.memref_slice %arg6[%dma_wait3A_301, %dma_wait3A_305, %dma_wait3A_306] : memref<2x128x128xf32, #tpu.memory_space<vmem>> -> memref<1x128x128xf32, #tpu.memory_space<vmem>>
      %dma_wait3A_308 = tpu.memref_squeeze %dma_wait3A_307 : memref<1x128x128xf32, #tpu.memory_space<vmem>> -> memref<128x128xf32, #tpu.memory_space<vmem>>
      %dma_wait3A_309 = arith.constant 0 : i32
      %dma_wait3A_310 = arith.constant 0 : i32
      %dma_wait3A_311 = arith.constant 0 : i32
      %dma_wait3A_312 = tpu.memref_slice %arg5[%dma_wait3A_302, %dma_wait3A_309, %dma_wait3A_310, %dma_wait3A_311] : memref<2x4x2x128xi32, #tpu.memory_space<vmem>> -> memref<1x4x2x128xi32, #tpu.memory_space<vmem>>
      %dma_wait3A_313 = tpu.memref_squeeze %dma_wait3A_312 : memref<1x4x2x128xi32, #tpu.memory_space<vmem>> -> memref<4x2x128xi32, #tpu.memory_space<vmem>>
      %dma_wait3A_314 = arith.constant 0 : i32
      %dma_wait3A_315 = arith.constant 0 : i32
      %dma_wait3A_316 = tpu.memref_slice %dma_wait3A_313[%dma_wait3A_303, %dma_wait3A_314, %dma_wait3A_315] : memref<4x2x128xi32, #tpu.memory_space<vmem>> -> memref<1x2x128xi32, #tpu.memory_space<vmem>>
      %dma_wait3A_317 = tpu.memref_squeeze %dma_wait3A_316 : memref<1x2x128xi32, #tpu.memory_space<vmem>> -> memref<2x128xi32, #tpu.memory_space<vmem>>
      %dma_wait3A_318 = arith.constant 0 : i32
      %dma_wait3A_319 = tpu.memref_slice %dma_wait3A_317[%dma_wait3A_304, %dma_wait3A_318] : memref<2x128xi32, #tpu.memory_space<vmem>> -> memref<1x128xi32, #tpu.memory_space<vmem>>
      %dma_wait3A_320 = tpu.memref_squeeze %dma_wait3A_319 : memref<1x128xi32, #tpu.memory_space<vmem>> -> memref<128xi32, #tpu.memory_space<vmem>>
      %dma_wait3A_321 = arith.constant 0 : i32
      %dma_wait3A_322 = arith.constant 0 : i32
      %dma_wait3A_323 = tpu.memref_slice %arg7[%dma_wait3A_321, %dma_wait3A_322] : memref<10256x128xf32, #tpu.memory_space<vmem_shared>> -> memref<10256x128xf32, #tpu.memory_space<vmem_shared>>
      tpu.wait_indirect_dma semaphore(%arg11 : memref<!tpu.dma_semaphore, #tpu.memory_space<semaphore_mem>>) src(%dma_wait3A_308 : memref<128x128xf32, #tpu.memory_space<vmem>>) dst(%dma_wait3A_323 : memref<10256x128xf32, #tpu.memory_space<vmem_shared>>)
      %dma_start3A_324 = arith.constant 0 : i32
      %dma_start3A_325 = arith.constant 3 : i32
      %dma_start3A_326 = arith.constant 0 : i32
      %dma_start3A_327 = arith.constant 1 : i32
      %dma_start3A_328 = arith.constant 0 : i32
      %dma_start3A_329 = arith.constant 0 : i32
      %dma_start3A_330 = tpu.memref_slice %arg6[%dma_start3A_327, %dma_start3A_328, %dma_start3A_329] : memref<2x128x128xf32, #tpu.memory_space<vmem>> -> memref<1x128x128xf32, #tpu.memory_space<vmem>>
      %dma_start3A_331 = tpu.memref_squeeze %dma_start3A_330 : memref<1x128x128xf32, #tpu.memory_space<vmem>> -> memref<128x128xf32, #tpu.memory_space<vmem>>
      %dma_start3A_332 = arith.constant 0 : i32
      %dma_start3A_333 = arith.constant 0 : i32
      %dma_start3A_334 = arith.constant 0 : i32
      %dma_start3A_335 = tpu.memref_slice %arg5[%dma_start3A_324, %dma_start3A_332, %dma_start3A_333, %dma_start3A_334] : memref<2x4x2x128xi32, #tpu.memory_space<vmem>> -> memref<1x4x2x128xi32, #tpu.memory_space<vmem>>
      %dma_start3A_336 = tpu.memref_squeeze %dma_start3A_335 : memref<1x4x2x128xi32, #tpu.memory_space<vmem>> -> memref<4x2x128xi32, #tpu.memory_space<vmem>>
      %dma_start3A_337 = arith.constant 0 : i32
      %dma_start3A_338 = arith.constant 0 : i32
      %dma_start3A_339 = tpu.memref_slice %dma_start3A_336[%dma_start3A_325, %dma_start3A_337, %dma_start3A_338] : memref<4x2x128xi32, #tpu.memory_space<vmem>> -> memref<1x2x128xi32, #tpu.memory_space<vmem>>
      %dma_start3A_340 = tpu.memref_squeeze %dma_start3A_339 : memref<1x2x128xi32, #tpu.memory_space<vmem>> -> memref<2x128xi32, #tpu.memory_space<vmem>>
      %dma_start3A_341 = arith.constant 0 : i32
      %dma_start3A_342 = tpu.memref_slice %dma_start3A_340[%dma_start3A_326, %dma_start3A_341] : memref<2x128xi32, #tpu.memory_space<vmem>> -> memref<1x128xi32, #tpu.memory_space<vmem>>
      %dma_start3A_343 = tpu.memref_squeeze %dma_start3A_342 : memref<1x128xi32, #tpu.memory_space<vmem>> -> memref<128xi32, #tpu.memory_space<vmem>>
      %dma_start3A_344 = arith.constant 0 : i32
      %dma_start3A_345 = arith.constant 0 : i32
      %dma_start3A_346 = tpu.memref_slice %arg2[%dma_start3A_344, %dma_start3A_345] : memref<10000x128xf32, #tpu.memory_space<hbm>> -> memref<10000x128xf32, #tpu.memory_space<hbm>>
      tpu.enqueue_indirect_dma source(%dma_start3A_346 : memref<10000x128xf32, #tpu.memory_space<hbm>>) target(%dma_start3A_331 : memref<128x128xf32, #tpu.memory_space<vmem>>) offsets(%dma_start3A_343 : memref<128xi32, #tpu.memory_space<vmem>>) semaphore(%arg9 : memref<!tpu.dma_semaphore, #tpu.memory_space<semaphore_mem>>)
      %dma_wait3A_347 = arith.constant 0 : i32
      %dma_wait3A_348 = arith.constant 0 : i32
      %dma_wait3A_349 = arith.constant 0 : i32
      %dma_wait3A_350 = arith.constant 0 : i32
      %dma_wait3A_351 = arith.constant 0 : i32
      %dma_wait3A_352 = arith.constant 0 : i32
      %dma_wait3A_353 = tpu.memref_slice %arg6[%dma_wait3A_350, %dma_wait3A_351, %dma_wait3A_352] : memref<2x128x128xf32, #tpu.memory_space<vmem>> -> memref<1x128x128xf32, #tpu.memory_space<vmem>>
      %dma_wait3A_354 = tpu.memref_squeeze %dma_wait3A_353 : memref<1x128x128xf32, #tpu.memory_space<vmem>> -> memref<128x128xf32, #tpu.memory_space<vmem>>
      %dma_wait3A_355 = arith.constant 0 : i32
      %dma_wait3A_356 = arith.constant 0 : i32
      %dma_wait3A_357 = arith.constant 0 : i32
      %dma_wait3A_358 = tpu.memref_slice %arg5[%dma_wait3A_347, %dma_wait3A_355, %dma_wait3A_356, %dma_wait3A_357] : memref<2x4x2x128xi32, #tpu.memory_space<vmem>> -> memref<1x4x2x128xi32, #tpu.memory_space<vmem>>
      %dma_wait3A_359 = tpu.memref_squeeze %dma_wait3A_358 : memref<1x4x2x128xi32, #tpu.memory_space<vmem>> -> memref<4x2x128xi32, #tpu.memory_space<vmem>>
      %dma_wait3A_360 = arith.constant 0 : i32
      %dma_wait3A_361 = arith.constant 0 : i32
      %dma_wait3A_362 = tpu.memref_slice %dma_wait3A_359[%dma_wait3A_348, %dma_wait3A_360, %dma_wait3A_361] : memref<4x2x128xi32, #tpu.memory_space<vmem>> -> memref<1x2x128xi32, #tpu.memory_space<vmem>>
      %dma_wait3A_363 = tpu.memref_squeeze %dma_wait3A_362 : memref<1x2x128xi32, #tpu.memory_space<vmem>> -> memref<2x128xi32, #tpu.memory_space<vmem>>
      %dma_wait3A_364 = arith.constant 0 : i32
      %dma_wait3A_365 = tpu.memref_slice %dma_wait3A_363[%dma_wait3A_349, %dma_wait3A_364] : memref<2x128xi32, #tpu.memory_space<vmem>> -> memref<1x128xi32, #tpu.memory_space<vmem>>
      %dma_wait3A_366 = tpu.memref_squeeze %dma_wait3A_365 : memref<1x128xi32, #tpu.memory_space<vmem>> -> memref<128xi32, #tpu.memory_space<vmem>>
      %dma_wait3A_367 = arith.constant 0 : i32
      %dma_wait3A_368 = arith.constant 0 : i32
      %dma_wait3A_369 = tpu.memref_slice %arg2[%dma_wait3A_367, %dma_wait3A_368] : memref<10000x128xf32, #tpu.memory_space<hbm>> -> memref<10000x128xf32, #tpu.memory_space<hbm>>
      tpu.wait_indirect_dma semaphore(%arg8 : memref<!tpu.dma_semaphore, #tpu.memory_space<semaphore_mem>>) src(%dma_wait3A_369 : memref<10000x128xf32, #tpu.memory_space<hbm>>) dst(%dma_wait3A_354 : memref<128x128xf32, #tpu.memory_space<vmem>>)
      %dma_start3A_370 = arith.constant 0 : i32
      %dma_start3A_371 = arith.constant 0 : i32
      %dma_start3A_372 = arith.constant 2 : i32
      %dma_start3A_373 = arith.constant 1 : i32
      %dma_start3A_374 = arith.constant 0 : i32
      %dma_start3A_375 = arith.constant 0 : i32
      %dma_start3A_376 = tpu.memref_slice %arg6[%dma_start3A_370, %dma_start3A_374, %dma_start3A_375] : memref<2x128x128xf32, #tpu.memory_space<vmem>> -> memref<1x128x128xf32, #tpu.memory_space<vmem>>
      %dma_start3A_377 = tpu.memref_squeeze %dma_start3A_376 : memref<1x128x128xf32, #tpu.memory_space<vmem>> -> memref<128x128xf32, #tpu.memory_space<vmem>>
      %dma_start3A_378 = arith.constant 0 : i32
      %dma_start3A_379 = arith.constant 0 : i32
      %dma_start3A_380 = arith.constant 0 : i32
      %dma_start3A_381 = tpu.memref_slice %arg5[%dma_start3A_371, %dma_start3A_378, %dma_start3A_379, %dma_start3A_380] : memref<2x4x2x128xi32, #tpu.memory_space<vmem>> -> memref<1x4x2x128xi32, #tpu.memory_space<vmem>>
      %dma_start3A_382 = tpu.memref_squeeze %dma_start3A_381 : memref<1x4x2x128xi32, #tpu.memory_space<vmem>> -> memref<4x2x128xi32, #tpu.memory_space<vmem>>
      %dma_start3A_383 = arith.constant 0 : i32
      %dma_start3A_384 = arith.constant 0 : i32
      %dma_start3A_385 = tpu.memref_slice %dma_start3A_382[%dma_start3A_372, %dma_start3A_383, %dma_start3A_384] : memref<4x2x128xi32, #tpu.memory_space<vmem>> -> memref<1x2x128xi32, #tpu.memory_space<vmem>>
      %dma_start3A_386 = tpu.memref_squeeze %dma_start3A_385 : memref<1x2x128xi32, #tpu.memory_space<vmem>> -> memref<2x128xi32, #tpu.memory_space<vmem>>
      %dma_start3A_387 = arith.constant 0 : i32
      %dma_start3A_388 = tpu.memref_slice %dma_start3A_386[%dma_start3A_373, %dma_start3A_387] : memref<2x128xi32, #tpu.memory_space<vmem>> -> memref<1x128xi32, #tpu.memory_space<vmem>>
      %dma_start3A_389 = tpu.memref_squeeze %dma_start3A_388 : memref<1x128xi32, #tpu.memory_space<vmem>> -> memref<128xi32, #tpu.memory_space<vmem>>
      %dma_start3A_390 = arith.constant 0 : i32
      %dma_start3A_391 = arith.constant 0 : i32
      %dma_start3A_392 = tpu.memref_slice %arg7[%dma_start3A_390, %dma_start3A_391] : memref<10256x128xf32, #tpu.memory_space<vmem_shared>> -> memref<10256x128xf32, #tpu.memory_space<vmem_shared>>
      tpu.enqueue_indirect_dma source(%dma_start3A_377 : memref<128x128xf32, #tpu.memory_space<vmem>>) target(%dma_start3A_392 : memref<10256x128xf32, #tpu.memory_space<vmem_shared>>) offsets(%dma_start3A_389 : memref<128xi32, #tpu.memory_space<vmem>>) semaphore(%arg10 : memref<!tpu.dma_semaphore, #tpu.memory_space<semaphore_mem>>) {add = true}
      %dma_wait3A_393 = arith.constant 0 : i32
      %dma_wait3A_394 = arith.constant 0 : i32
      %dma_wait3A_395 = arith.constant 0 : i32
      %dma_wait3A_396 = arith.constant 1 : i32
      %dma_wait3A_397 = arith.constant 0 : i32
      %dma_wait3A_398 = arith.constant 0 : i32
      %dma_wait3A_399 = tpu.memref_slice %arg6[%dma_wait3A_393, %dma_wait3A_397, %dma_wait3A_398] : memref<2x128x128xf32, #tpu.memory_space<vmem>> -> memref<1x128x128xf32, #tpu.memory_space<vmem>>
      %dma_wait3A_400 = tpu.memref_squeeze %dma_wait3A_399 : memref<1x128x128xf32, #tpu.memory_space<vmem>> -> memref<128x128xf32, #tpu.memory_space<vmem>>
      %dma_wait3A_401 = arith.constant 0 : i32
      %dma_wait3A_402 = arith.constant 0 : i32
      %dma_wait3A_403 = arith.constant 0 : i32
      %dma_wait3A_404 = tpu.memref_slice %arg5[%dma_wait3A_394, %dma_wait3A_401, %dma_wait3A_402, %dma_wait3A_403] : memref<2x4x2x128xi32, #tpu.memory_space<vmem>> -> memref<1x4x2x128xi32, #tpu.memory_space<vmem>>
      %dma_wait3A_405 = tpu.memref_squeeze %dma_wait3A_404 : memref<1x4x2x128xi32, #tpu.memory_space<vmem>> -> memref<4x2x128xi32, #tpu.memory_space<vmem>>
      %dma_wait3A_406 = arith.constant 0 : i32
      %dma_wait3A_407 = arith.constant 0 : i32
      %dma_wait3A_408 = tpu.memref_slice %dma_wait3A_405[%dma_wait3A_395, %dma_wait3A_406, %dma_wait3A_407] : memref<4x2x128xi32, #tpu.memory_space<vmem>> -> memref<1x2x128xi32, #tpu.memory_space<vmem>>
      %dma_wait3A_409 = tpu.memref_squeeze %dma_wait3A_408 : memref<1x2x128xi32, #tpu.memory_space<vmem>> -> memref<2x128xi32, #tpu.memory_space<vmem>>
      %dma_wait3A_410 = arith.constant 0 : i32
      %dma_wait3A_411 = tpu.memref_slice %dma_wait3A_409[%dma_wait3A_396, %dma_wait3A_410] : memref<2x128xi32, #tpu.memory_space<vmem>> -> memref<1x128xi32, #tpu.memory_space<vmem>>
      %dma_wait3A_412 = tpu.memref_squeeze %dma_wait3A_411 : memref<1x128xi32, #tpu.memory_space<vmem>> -> memref<128xi32, #tpu.memory_space<vmem>>
      %dma_wait3A_413 = arith.constant 0 : i32
      %dma_wait3A_414 = arith.constant 0 : i32
      %dma_wait3A_415 = tpu.memref_slice %arg7[%dma_wait3A_413, %dma_wait3A_414] : memref<10256x128xf32, #tpu.memory_space<vmem_shared>> -> memref<10256x128xf32, #tpu.memory_space<vmem_shared>>
      tpu.wait_indirect_dma semaphore(%arg10 : memref<!tpu.dma_semaphore, #tpu.memory_space<semaphore_mem>>) src(%dma_wait3A_400 : memref<128x128xf32, #tpu.memory_space<vmem>>) dst(%dma_wait3A_415 : memref<10256x128xf32, #tpu.memory_space<vmem_shared>>)
      %add3A_416 = arith.constant 1 : i32
      %add3A_417 = arith.addi %add3A_127, %add3A_416 : i32
      %le3A_418 = arith.constant 19 : i32
      %le3A_419 = arith.cmpi sle, %add3A_417, %le3A_418 : i32
      %convert_element_type3A_420 = arith.extui %le3A_419 : i1 to i32
      %cond3A_421 = arith.constant 0 : i32
      %cond3A_422 = arith.cmpi ne, %convert_element_type3A_420, %cond3A_421 : i32
      scf.if %cond3A_422 {
        %dma_wait3A_817 = arith.constant 1 : i32
        %dma_wait3A_818 = arith.constant 0 : i32
        %dma_wait3A_819 = arith.constant 0 : i32
        %dma_wait3A_820 = arith.constant 0 : i32
        %dma_wait3A_821 = tpu.memref_slice %arg5[%dma_wait3A_817, %dma_wait3A_818, %dma_wait3A_819, %dma_wait3A_820] : memref<2x4x2x128xi32, #tpu.memory_space<vmem>> -> memref<1x4x2x128xi32, #tpu.memory_space<vmem>>
        %dma_wait3A_822 = tpu.memref_squeeze %dma_wait3A_821 : memref<1x4x2x128xi32, #tpu.memory_space<vmem>> -> memref<4x2x128xi32, #tpu.memory_space<vmem>>
        %dma_wait3A_823 = arith.constant 0 : i32
        %dma_wait3A_824 = arith.constant 0 : i32
        %dma_wait3A_825 = arith.constant 0 : i32
        %dma_wait3A_826 = tpu.memref_slice %arg3[%add3A, %dma_wait3A_823, %dma_wait3A_824, %dma_wait3A_825] : memref<32x80x2x128xi32, #tpu.memory_space<hbm>> -> memref<1x80x2x128xi32, #tpu.memory_space<hbm>>
        %dma_wait3A_827 = tpu.memref_squeeze %dma_wait3A_826 : memref<1x80x2x128xi32, #tpu.memory_space<hbm>> -> memref<80x2x128xi32, #tpu.memory_space<hbm>>
        %dma_wait3A_828 = arith.constant 0 : i32
        %dma_wait3A_829 = arith.constant 0 : i32
        %dma_wait3A_830 = arith.constant 0 : i32
        %dma_wait3A_831 = tpu.memref_slice %dma_wait3A_827[%dma_wait3A_828, %dma_wait3A_829, %dma_wait3A_830] : memref<80x2x128xi32, #tpu.memory_space<hbm>> -> memref<4x2x128xi32, #tpu.memory_space<hbm>>
        %dma_wait3A_832 = arith.constant 0 : i32
        %dma_wait3A_833 = arith.constant 0 : i32
        %dma_wait3A_834 = arith.constant 0 : i32
        %dma_wait3A_835 = tpu.memref_slice %arg5[%dma_wait3A_817, %dma_wait3A_832, %dma_wait3A_833, %dma_wait3A_834] : memref<2x4x2x128xi32, #tpu.memory_space<vmem>> -> memref<1x4x2x128xi32, #tpu.memory_space<vmem>>
        %dma_wait3A_836 = tpu.memref_squeeze %dma_wait3A_835 : memref<1x4x2x128xi32, #tpu.memory_space<vmem>> -> memref<4x2x128xi32, #tpu.memory_space<vmem>>
        %dma_wait3A_837 = arith.constant 0 : i32
        %dma_wait3A_838 = arith.constant 0 : i32
        %dma_wait3A_839 = arith.constant 0 : i32
        %dma_wait3A_840 = tpu.memref_slice %arg3[%add3A, %dma_wait3A_837, %dma_wait3A_838, %dma_wait3A_839] : memref<32x80x2x128xi32, #tpu.memory_space<hbm>> -> memref<1x80x2x128xi32, #tpu.memory_space<hbm>>
        %dma_wait3A_841 = tpu.memref_squeeze %dma_wait3A_840 : memref<1x80x2x128xi32, #tpu.memory_space<hbm>> -> memref<80x2x128xi32, #tpu.memory_space<hbm>>
        %dma_wait3A_842 = arith.constant 0 : i32
        %dma_wait3A_843 = arith.constant 0 : i32
        %dma_wait3A_844 = arith.constant 0 : i32
        %dma_wait3A_845 = tpu.memref_slice %dma_wait3A_841[%dma_wait3A_842, %dma_wait3A_843, %dma_wait3A_844] : memref<80x2x128xi32, #tpu.memory_space<hbm>> -> memref<4x2x128xi32, #tpu.memory_space<hbm>>
        tpu.wait_dma2 semaphore(%arg13 : memref<!tpu.dma_semaphore, #tpu.memory_space<semaphore_mem>>) src(%dma_wait3A_845 : memref<4x2x128xi32, #tpu.memory_space<hbm>>) dst(%dma_wait3A_836 : memref<4x2x128xi32, #tpu.memory_space<vmem>>)
        %dma_start3A_846 = arith.constant 1 : i32
        %dma_start3A_847 = arith.constant 0 : i32
        %dma_start3A_848 = arith.constant 0 : i32
        %dma_start3A_849 = arith.constant 0 : i32
        %dma_start3A_850 = arith.constant 0 : i32
        %dma_start3A_851 = arith.constant 0 : i32
        %dma_start3A_852 = tpu.memref_slice %arg6[%dma_start3A_849, %dma_start3A_850, %dma_start3A_851] : memref<2x128x128xf32, #tpu.memory_space<vmem>> -> memref<1x128x128xf32, #tpu.memory_space<vmem>>
        %dma_start3A_853 = tpu.memref_squeeze %dma_start3A_852 : memref<1x128x128xf32, #tpu.memory_space<vmem>> -> memref<128x128xf32, #tpu.memory_space<vmem>>
        %dma_start3A_854 = arith.constant 0 : i32
        %dma_start3A_855 = arith.constant 0 : i32
        %dma_start3A_856 = arith.constant 0 : i32
        %dma_start3A_857 = tpu.memref_slice %arg5[%dma_start3A_846, %dma_start3A_854, %dma_start3A_855, %dma_start3A_856] : memref<2x4x2x128xi32, #tpu.memory_space<vmem>> -> memref<1x4x2x128xi32, #tpu.memory_space<vmem>>
        %dma_start3A_858 = tpu.memref_squeeze %dma_start3A_857 : memref<1x4x2x128xi32, #tpu.memory_space<vmem>> -> memref<4x2x128xi32, #tpu.memory_space<vmem>>
        %dma_start3A_859 = arith.constant 0 : i32
        %dma_start3A_860 = arith.constant 0 : i32
        %dma_start3A_861 = tpu.memref_slice %dma_start3A_858[%dma_start3A_847, %dma_start3A_859, %dma_start3A_860] : memref<4x2x128xi32, #tpu.memory_space<vmem>> -> memref<1x2x128xi32, #tpu.memory_space<vmem>>
        %dma_start3A_862 = tpu.memref_squeeze %dma_start3A_861 : memref<1x2x128xi32, #tpu.memory_space<vmem>> -> memref<2x128xi32, #tpu.memory_space<vmem>>
        %dma_start3A_863 = arith.constant 0 : i32
        %dma_start3A_864 = tpu.memref_slice %dma_start3A_862[%dma_start3A_848, %dma_start3A_863] : memref<2x128xi32, #tpu.memory_space<vmem>> -> memref<1x128xi32, #tpu.memory_space<vmem>>
        %dma_start3A_865 = tpu.memref_squeeze %dma_start3A_864 : memref<1x128xi32, #tpu.memory_space<vmem>> -> memref<128xi32, #tpu.memory_space<vmem>>
        %dma_start3A_866 = arith.constant 0 : i32
        %dma_start3A_867 = arith.constant 0 : i32
        %dma_start3A_868 = tpu.memref_slice %arg2[%dma_start3A_866, %dma_start3A_867] : memref<10000x128xf32, #tpu.memory_space<hbm>> -> memref<10000x128xf32, #tpu.memory_space<hbm>>
        tpu.enqueue_indirect_dma source(%dma_start3A_868 : memref<10000x128xf32, #tpu.memory_space<hbm>>) target(%dma_start3A_853 : memref<128x128xf32, #tpu.memory_space<vmem>>) offsets(%dma_start3A_865 : memref<128xi32, #tpu.memory_space<vmem>>) semaphore(%arg8 : memref<!tpu.dma_semaphore, #tpu.memory_space<semaphore_mem>>)
      } else {
      }
      %dma_wait3A_423 = arith.constant 0 : i32
      %dma_wait3A_424 = arith.constant 0 : i32
      %dma_wait3A_425 = arith.constant 0 : i32
      %dma_wait3A_426 = arith.constant 1 : i32
      %dma_wait3A_427 = arith.constant 0 : i32
      %dma_wait3A_428 = arith.constant 0 : i32
      %dma_wait3A_429 = tpu.memref_slice %arg6[%dma_wait3A_426, %dma_wait3A_427, %dma_wait3A_428] : memref<2x128x128xf32, #tpu.memory_space<vmem>> -> memref<1x128x128xf32, #tpu.memory_space<vmem>>
      %dma_wait3A_430 = tpu.memref_squeeze %dma_wait3A_429 : memref<1x128x128xf32, #tpu.memory_space<vmem>> -> memref<128x128xf32, #tpu.memory_space<vmem>>
      %dma_wait3A_431 = arith.constant 0 : i32
      %dma_wait3A_432 = arith.constant 0 : i32
      %dma_wait3A_433 = arith.constant 0 : i32
      %dma_wait3A_434 = tpu.memref_slice %arg5[%dma_wait3A_423, %dma_wait3A_431, %dma_wait3A_432, %dma_wait3A_433] : memref<2x4x2x128xi32, #tpu.memory_space<vmem>> -> memref<1x4x2x128xi32, #tpu.memory_space<vmem>>
      %dma_wait3A_435 = tpu.memref_squeeze %dma_wait3A_434 : memref<1x4x2x128xi32, #tpu.memory_space<vmem>> -> memref<4x2x128xi32, #tpu.memory_space<vmem>>
      %dma_wait3A_436 = arith.constant 0 : i32
      %dma_wait3A_437 = arith.constant 0 : i32
      %dma_wait3A_438 = tpu.memref_slice %dma_wait3A_435[%dma_wait3A_424, %dma_wait3A_436, %dma_wait3A_437] : memref<4x2x128xi32, #tpu.memory_space<vmem>> -> memref<1x2x128xi32, #tpu.memory_space<vmem>>
      %dma_wait3A_439 = tpu.memref_squeeze %dma_wait3A_438 : memref<1x2x128xi32, #tpu.memory_space<vmem>> -> memref<2x128xi32, #tpu.memory_space<vmem>>
      %dma_wait3A_440 = arith.constant 0 : i32
      %dma_wait3A_441 = tpu.memref_slice %dma_wait3A_439[%dma_wait3A_425, %dma_wait3A_440] : memref<2x128xi32, #tpu.memory_space<vmem>> -> memref<1x128xi32, #tpu.memory_space<vmem>>
      %dma_wait3A_442 = tpu.memref_squeeze %dma_wait3A_441 : memref<1x128xi32, #tpu.memory_space<vmem>> -> memref<128xi32, #tpu.memory_space<vmem>>
      %dma_wait3A_443 = arith.constant 0 : i32
      %dma_wait3A_444 = arith.constant 0 : i32
      %dma_wait3A_445 = tpu.memref_slice %arg2[%dma_wait3A_443, %dma_wait3A_444] : memref<10000x128xf32, #tpu.memory_space<hbm>> -> memref<10000x128xf32, #tpu.memory_space<hbm>>
      tpu.wait_indirect_dma semaphore(%arg9 : memref<!tpu.dma_semaphore, #tpu.memory_space<semaphore_mem>>) src(%dma_wait3A_445 : memref<10000x128xf32, #tpu.memory_space<hbm>>) dst(%dma_wait3A_430 : memref<128x128xf32, #tpu.memory_space<vmem>>)
      %dma_start3A_446 = arith.constant 1 : i32
      %dma_start3A_447 = arith.constant 0 : i32
      %dma_start3A_448 = arith.constant 3 : i32
      %dma_start3A_449 = arith.constant 1 : i32
      %dma_start3A_450 = arith.constant 0 : i32
      %dma_start3A_451 = arith.constant 0 : i32
      %dma_start3A_452 = tpu.memref_slice %arg6[%dma_start3A_446, %dma_start3A_450, %dma_start3A_451] : memref<2x128x128xf32, #tpu.memory_space<vmem>> -> memref<1x128x128xf32, #tpu.memory_space<vmem>>
      %dma_start3A_453 = tpu.memref_squeeze %dma_start3A_452 : memref<1x128x128xf32, #tpu.memory_space<vmem>> -> memref<128x128xf32, #tpu.memory_space<vmem>>
      %dma_start3A_454 = arith.constant 0 : i32
      %dma_start3A_455 = arith.constant 0 : i32
      %dma_start3A_456 = arith.constant 0 : i32
      %dma_start3A_457 = tpu.memref_slice %arg5[%dma_start3A_447, %dma_start3A_454, %dma_start3A_455, %dma_start3A_456] : memref<2x4x2x128xi32, #tpu.memory_space<vmem>> -> memref<1x4x2x128xi32, #tpu.memory_space<vmem>>
      %dma_start3A_458 = tpu.memref_squeeze %dma_start3A_457 : memref<1x4x2x128xi32, #tpu.memory_space<vmem>> -> memref<4x2x128xi32, #tpu.memory_space<vmem>>
      %dma_start3A_459 = arith.constant 0 : i32
      %dma_start3A_460 = arith.constant 0 : i32
      %dma_start3A_461 = tpu.memref_slice %dma_start3A_458[%dma_start3A_448, %dma_start3A_459, %dma_start3A_460] : memref<4x2x128xi32, #tpu.memory_space<vmem>> -> memref<1x2x128xi32, #tpu.memory_space<vmem>>
      %dma_start3A_462 = tpu.memref_squeeze %dma_start3A_461 : memref<1x2x128xi32, #tpu.memory_space<vmem>> -> memref<2x128xi32, #tpu.memory_space<vmem>>
      %dma_start3A_463 = arith.constant 0 : i32
      %dma_start3A_464 = tpu.memref_slice %dma_start3A_462[%dma_start3A_449, %dma_start3A_463] : memref<2x128xi32, #tpu.memory_space<vmem>> -> memref<1x128xi32, #tpu.memory_space<vmem>>
      %dma_start3A_465 = tpu.memref_squeeze %dma_start3A_464 : memref<1x128xi32, #tpu.memory_space<vmem>> -> memref<128xi32, #tpu.memory_space<vmem>>
      %dma_start3A_466 = arith.constant 0 : i32
      %dma_start3A_467 = arith.constant 0 : i32
      %dma_start3A_468 = tpu.memref_slice %arg7[%dma_start3A_466, %dma_start3A_467] : memref<10256x128xf32, #tpu.memory_space<vmem_shared>> -> memref<10256x128xf32, #tpu.memory_space<vmem_shared>>
      tpu.enqueue_indirect_dma source(%dma_start3A_453 : memref<128x128xf32, #tpu.memory_space<vmem>>) target(%dma_start3A_468 : memref<10256x128xf32, #tpu.memory_space<vmem_shared>>) offsets(%dma_start3A_465 : memref<128xi32, #tpu.memory_space<vmem>>) semaphore(%arg11 : memref<!tpu.dma_semaphore, #tpu.memory_space<semaphore_mem>>) {add = true}
      %mul3A_469 = arith.constant 2 : i32
      %mul3A_470 = arith.muli %scan3A_123, %mul3A_469 : i32
      %add3A_471 = arith.constant 1 : i32
      %add3A_472 = arith.addi %mul3A_470, %add3A_471 : i32
      %ge3A_473 = arith.constant 1 : i32
      %ge3A_474 = arith.cmpi sge, %add3A_472, %ge3A_473 : i32
      %convert_element_type3A_475 = arith.extui %ge3A_474 : i1 to i32
      %cond3A_476 = arith.constant 0 : i32
      %cond3A_477 = arith.cmpi ne, %convert_element_type3A_475, %cond3A_476 : i32
      scf.if %cond3A_477 {
        %dma_wait3A_817 = arith.constant 1 : i32
        %dma_wait3A_818 = arith.constant 0 : i32
        %dma_wait3A_819 = arith.constant 0 : i32
        %dma_wait3A_820 = arith.constant 1 : i32
        %dma_wait3A_821 = arith.constant 0 : i32
        %dma_wait3A_822 = arith.constant 0 : i32
        %dma_wait3A_823 = tpu.memref_slice %arg6[%dma_wait3A_817, %dma_wait3A_821, %dma_wait3A_822] : memref<2x128x128xf32, #tpu.memory_space<vmem>> -> memref<1x128x128xf32, #tpu.memory_space<vmem>>
        %dma_wait3A_824 = tpu.memref_squeeze %dma_wait3A_823 : memref<1x128x128xf32, #tpu.memory_space<vmem>> -> memref<128x128xf32, #tpu.memory_space<vmem>>
        %dma_wait3A_825 = arith.constant 0 : i32
        %dma_wait3A_826 = arith.constant 0 : i32
        %dma_wait3A_827 = arith.constant 0 : i32
        %dma_wait3A_828 = tpu.memref_slice %arg5[%dma_wait3A_818, %dma_wait3A_825, %dma_wait3A_826, %dma_wait3A_827] : memref<2x4x2x128xi32, #tpu.memory_space<vmem>> -> memref<1x4x2x128xi32, #tpu.memory_space<vmem>>
        %dma_wait3A_829 = tpu.memref_squeeze %dma_wait3A_828 : memref<1x4x2x128xi32, #tpu.memory_space<vmem>> -> memref<4x2x128xi32, #tpu.memory_space<vmem>>
        %dma_wait3A_830 = arith.constant 0 : i32
        %dma_wait3A_831 = arith.constant 0 : i32
        %dma_wait3A_832 = tpu.memref_slice %dma_wait3A_829[%dma_wait3A_819, %dma_wait3A_830, %dma_wait3A_831] : memref<4x2x128xi32, #tpu.memory_space<vmem>> -> memref<1x2x128xi32, #tpu.memory_space<vmem>>
        %dma_wait3A_833 = tpu.memref_squeeze %dma_wait3A_832 : memref<1x2x128xi32, #tpu.memory_space<vmem>> -> memref<2x128xi32, #tpu.memory_space<vmem>>
        %dma_wait3A_834 = arith.constant 0 : i32
        %dma_wait3A_835 = tpu.memref_slice %dma_wait3A_833[%dma_wait3A_820, %dma_wait3A_834] : memref<2x128xi32, #tpu.memory_space<vmem>> -> memref<1x128xi32, #tpu.memory_space<vmem>>
        %dma_wait3A_836 = tpu.memref_squeeze %dma_wait3A_835 : memref<1x128xi32, #tpu.memory_space<vmem>> -> memref<128xi32, #tpu.memory_space<vmem>>
        %dma_wait3A_837 = arith.constant 0 : i32
        %dma_wait3A_838 = arith.constant 0 : i32
        %dma_wait3A_839 = tpu.memref_slice %arg7[%dma_wait3A_837, %dma_wait3A_838] : memref<10256x128xf32, #tpu.memory_space<vmem_shared>> -> memref<10256x128xf32, #tpu.memory_space<vmem_shared>>
        tpu.wait_indirect_dma semaphore(%arg11 : memref<!tpu.dma_semaphore, #tpu.memory_space<semaphore_mem>>) src(%dma_wait3A_824 : memref<128x128xf32, #tpu.memory_space<vmem>>) dst(%dma_wait3A_839 : memref<10256x128xf32, #tpu.memory_space<vmem_shared>>)
      } else {
      }
      %dma_start3A_478 = arith.constant 1 : i32
      %dma_start3A_479 = arith.constant 1 : i32
      %dma_start3A_480 = arith.constant 0 : i32
      %dma_start3A_481 = arith.constant 1 : i32
      %dma_start3A_482 = arith.constant 0 : i32
      %dma_start3A_483 = arith.constant 0 : i32
      %dma_start3A_484 = tpu.memref_slice %arg6[%dma_start3A_481, %dma_start3A_482, %dma_start3A_483] : memref<2x128x128xf32, #tpu.memory_space<vmem>> -> memref<1x128x128xf32, #tpu.memory_space<vmem>>
      %dma_start3A_485 = tpu.memref_squeeze %dma_start3A_484 : memref<1x128x128xf32, #tpu.memory_space<vmem>> -> memref<128x128xf32, #tpu.memory_space<vmem>>
      %dma_start3A_486 = arith.constant 0 : i32
      %dma_start3A_487 = arith.constant 0 : i32
      %dma_start3A_488 = arith.constant 0 : i32
      %dma_start3A_489 = tpu.memref_slice %arg5[%dma_start3A_478, %dma_start3A_486, %dma_start3A_487, %dma_start3A_488] : memref<2x4x2x128xi32, #tpu.memory_space<vmem>> -> memref<1x4x2x128xi32, #tpu.memory_space<vmem>>
      %dma_start3A_490 = tpu.memref_squeeze %dma_start3A_489 : memref<1x4x2x128xi32, #tpu.memory_space<vmem>> -> memref<4x2x128xi32, #tpu.memory_space<vmem>>
      %dma_start3A_491 = arith.constant 0 : i32
      %dma_start3A_492 = arith.constant 0 : i32
      %dma_start3A_493 = tpu.memref_slice %dma_start3A_490[%dma_start3A_479, %dma_start3A_491, %dma_start3A_492] : memref<4x2x128xi32, #tpu.memory_space<vmem>> -> memref<1x2x128xi32, #tpu.memory_space<vmem>>
      %dma_start3A_494 = tpu.memref_squeeze %dma_start3A_493 : memref<1x2x128xi32, #tpu.memory_space<vmem>> -> memref<2x128xi32, #tpu.memory_space<vmem>>
      %dma_start3A_495 = arith.constant 0 : i32
      %dma_start3A_496 = tpu.memref_slice %dma_start3A_494[%dma_start3A_480, %dma_start3A_495] : memref<2x128xi32, #tpu.memory_space<vmem>> -> memref<1x128xi32, #tpu.memory_space<vmem>>
      %dma_start3A_497 = tpu.memref_squeeze %dma_start3A_496 : memref<1x128xi32, #tpu.memory_space<vmem>> -> memref<128xi32, #tpu.memory_space<vmem>>
      %dma_start3A_498 = arith.constant 0 : i32
      %dma_start3A_499 = arith.constant 0 : i32
      %dma_start3A_500 = tpu.memref_slice %arg2[%dma_start3A_498, %dma_start3A_499] : memref<10000x128xf32, #tpu.memory_space<hbm>> -> memref<10000x128xf32, #tpu.memory_space<hbm>>
      tpu.enqueue_indirect_dma source(%dma_start3A_500 : memref<10000x128xf32, #tpu.memory_space<hbm>>) target(%dma_start3A_485 : memref<128x128xf32, #tpu.memory_space<vmem>>) offsets(%dma_start3A_497 : memref<128xi32, #tpu.memory_space<vmem>>) semaphore(%arg9 : memref<!tpu.dma_semaphore, #tpu.memory_space<semaphore_mem>>)
      %dma_wait3A_501 = arith.constant 0 : i32
      %dma_wait3A_502 = arith.constant 0 : i32
      %dma_wait3A_503 = arith.constant 0 : i32
      %dma_wait3A_504 = arith.constant 0 : i32
      %dma_wait3A_505 = arith.constant 0 : i32
      %dma_wait3A_506 = arith.constant 0 : i32
      %dma_wait3A_507 = tpu.memref_slice %arg6[%dma_wait3A_504, %dma_wait3A_505, %dma_wait3A_506] : memref<2x128x128xf32, #tpu.memory_space<vmem>> -> memref<1x128x128xf32, #tpu.memory_space<vmem>>
      %dma_wait3A_508 = tpu.memref_squeeze %dma_wait3A_507 : memref<1x128x128xf32, #tpu.memory_space<vmem>> -> memref<128x128xf32, #tpu.memory_space<vmem>>
      %dma_wait3A_509 = arith.constant 0 : i32
      %dma_wait3A_510 = arith.constant 0 : i32
      %dma_wait3A_511 = arith.constant 0 : i32
      %dma_wait3A_512 = tpu.memref_slice %arg5[%dma_wait3A_501, %dma_wait3A_509, %dma_wait3A_510, %dma_wait3A_511] : memref<2x4x2x128xi32, #tpu.memory_space<vmem>> -> memref<1x4x2x128xi32, #tpu.memory_space<vmem>>
      %dma_wait3A_513 = tpu.memref_squeeze %dma_wait3A_512 : memref<1x4x2x128xi32, #tpu.memory_space<vmem>> -> memref<4x2x128xi32, #tpu.memory_space<vmem>>
      %dma_wait3A_514 = arith.constant 0 : i32
      %dma_wait3A_515 = arith.constant 0 : i32
      %dma_wait3A_516 = tpu.memref_slice %dma_wait3A_513[%dma_wait3A_502, %dma_wait3A_514, %dma_wait3A_515] : memref<4x2x128xi32, #tpu.memory_space<vmem>> -> memref<1x2x128xi32, #tpu.memory_space<vmem>>
      %dma_wait3A_517 = tpu.memref_squeeze %dma_wait3A_516 : memref<1x2x128xi32, #tpu.memory_space<vmem>> -> memref<2x128xi32, #tpu.memory_space<vmem>>
      %dma_wait3A_518 = arith.constant 0 : i32
      %dma_wait3A_519 = tpu.memref_slice %dma_wait3A_517[%dma_wait3A_503, %dma_wait3A_518] : memref<2x128xi32, #tpu.memory_space<vmem>> -> memref<1x128xi32, #tpu.memory_space<vmem>>
      %dma_wait3A_520 = tpu.memref_squeeze %dma_wait3A_519 : memref<1x128xi32, #tpu.memory_space<vmem>> -> memref<128xi32, #tpu.memory_space<vmem>>
      %dma_wait3A_521 = arith.constant 0 : i32
      %dma_wait3A_522 = arith.constant 0 : i32
      %dma_wait3A_523 = tpu.memref_slice %arg2[%dma_wait3A_521, %dma_wait3A_522] : memref<10000x128xf32, #tpu.memory_space<hbm>> -> memref<10000x128xf32, #tpu.memory_space<hbm>>
      tpu.wait_indirect_dma semaphore(%arg8 : memref<!tpu.dma_semaphore, #tpu.memory_space<semaphore_mem>>) src(%dma_wait3A_523 : memref<10000x128xf32, #tpu.memory_space<hbm>>) dst(%dma_wait3A_508 : memref<128x128xf32, #tpu.memory_space<vmem>>)
      %dma_start3A_524 = arith.constant 0 : i32
      %dma_start3A_525 = arith.constant 1 : i32
      %dma_start3A_526 = arith.constant 0 : i32
      %dma_start3A_527 = arith.constant 1 : i32
      %dma_start3A_528 = arith.constant 0 : i32
      %dma_start3A_529 = arith.constant 0 : i32
      %dma_start3A_530 = tpu.memref_slice %arg6[%dma_start3A_524, %dma_start3A_528, %dma_start3A_529] : memref<2x128x128xf32, #tpu.memory_space<vmem>> -> memref<1x128x128xf32, #tpu.memory_space<vmem>>
      %dma_start3A_531 = tpu.memref_squeeze %dma_start3A_530 : memref<1x128x128xf32, #tpu.memory_space<vmem>> -> memref<128x128xf32, #tpu.memory_space<vmem>>
      %dma_start3A_532 = arith.constant 0 : i32
      %dma_start3A_533 = arith.constant 0 : i32
      %dma_start3A_534 = arith.constant 0 : i32
      %dma_start3A_535 = tpu.memref_slice %arg5[%dma_start3A_525, %dma_start3A_532, %dma_start3A_533, %dma_start3A_534] : memref<2x4x2x128xi32, #tpu.memory_space<vmem>> -> memref<1x4x2x128xi32, #tpu.memory_space<vmem>>
      %dma_start3A_536 = tpu.memref_squeeze %dma_start3A_535 : memref<1x4x2x128xi32, #tpu.memory_space<vmem>> -> memref<4x2x128xi32, #tpu.memory_space<vmem>>
      %dma_start3A_537 = arith.constant 0 : i32
      %dma_start3A_538 = arith.constant 0 : i32
      %dma_start3A_539 = tpu.memref_slice %dma_start3A_536[%dma_start3A_526, %dma_start3A_537, %dma_start3A_538] : memref<4x2x128xi32, #tpu.memory_space<vmem>> -> memref<1x2x128xi32, #tpu.memory_space<vmem>>
      %dma_start3A_540 = tpu.memref_squeeze %dma_start3A_539 : memref<1x2x128xi32, #tpu.memory_space<vmem>> -> memref<2x128xi32, #tpu.memory_space<vmem>>
      %dma_start3A_541 = arith.constant 0 : i32
      %dma_start3A_542 = tpu.memref_slice %dma_start3A_540[%dma_start3A_527, %dma_start3A_541] : memref<2x128xi32, #tpu.memory_space<vmem>> -> memref<1x128xi32, #tpu.memory_space<vmem>>
      %dma_start3A_543 = tpu.memref_squeeze %dma_start3A_542 : memref<1x128xi32, #tpu.memory_space<vmem>> -> memref<128xi32, #tpu.memory_space<vmem>>
      %dma_start3A_544 = arith.constant 0 : i32
      %dma_start3A_545 = arith.constant 0 : i32
      %dma_start3A_546 = tpu.memref_slice %arg7[%dma_start3A_544, %dma_start3A_545] : memref<10256x128xf32, #tpu.memory_space<vmem_shared>> -> memref<10256x128xf32, #tpu.memory_space<vmem_shared>>
      tpu.enqueue_indirect_dma source(%dma_start3A_531 : memref<128x128xf32, #tpu.memory_space<vmem>>) target(%dma_start3A_546 : memref<10256x128xf32, #tpu.memory_space<vmem_shared>>) offsets(%dma_start3A_543 : memref<128xi32, #tpu.memory_space<vmem>>) semaphore(%arg10 : memref<!tpu.dma_semaphore, #tpu.memory_space<semaphore_mem>>) {add = true}
      %dma_wait3A_547 = arith.constant 0 : i32
      %dma_wait3A_548 = arith.constant 0 : i32
      %dma_wait3A_549 = arith.constant 0 : i32
      %dma_wait3A_550 = arith.constant 1 : i32
      %dma_wait3A_551 = arith.constant 0 : i32
      %dma_wait3A_552 = arith.constant 0 : i32
      %dma_wait3A_553 = tpu.memref_slice %arg6[%dma_wait3A_547, %dma_wait3A_551, %dma_wait3A_552] : memref<2x128x128xf32, #tpu.memory_space<vmem>> -> memref<1x128x128xf32, #tpu.memory_space<vmem>>
      %dma_wait3A_554 = tpu.memref_squeeze %dma_wait3A_553 : memref<1x128x128xf32, #tpu.memory_space<vmem>> -> memref<128x128xf32, #tpu.memory_space<vmem>>
      %dma_wait3A_555 = arith.constant 0 : i32
      %dma_wait3A_556 = arith.constant 0 : i32
      %dma_wait3A_557 = arith.constant 0 : i32
      %dma_wait3A_558 = tpu.memref_slice %arg5[%dma_wait3A_548, %dma_wait3A_555, %dma_wait3A_556, %dma_wait3A_557] : memref<2x4x2x128xi32, #tpu.memory_space<vmem>> -> memref<1x4x2x128xi32, #tpu.memory_space<vmem>>
      %dma_wait3A_559 = tpu.memref_squeeze %dma_wait3A_558 : memref<1x4x2x128xi32, #tpu.memory_space<vmem>> -> memref<4x2x128xi32, #tpu.memory_space<vmem>>
      %dma_wait3A_560 = arith.constant 0 : i32
      %dma_wait3A_561 = arith.constant 0 : i32
      %dma_wait3A_562 = tpu.memref_slice %dma_wait3A_559[%dma_wait3A_549, %dma_wait3A_560, %dma_wait3A_561] : memref<4x2x128xi32, #tpu.memory_space<vmem>> -> memref<1x2x128xi32, #tpu.memory_space<vmem>>
      %dma_wait3A_563 = tpu.memref_squeeze %dma_wait3A_562 : memref<1x2x128xi32, #tpu.memory_space<vmem>> -> memref<2x128xi32, #tpu.memory_space<vmem>>
      %dma_wait3A_564 = arith.constant 0 : i32
      %dma_wait3A_565 = tpu.memref_slice %dma_wait3A_563[%dma_wait3A_550, %dma_wait3A_564] : memref<2x128xi32, #tpu.memory_space<vmem>> -> memref<1x128xi32, #tpu.memory_space<vmem>>
      %dma_wait3A_566 = tpu.memref_squeeze %dma_wait3A_565 : memref<1x128xi32, #tpu.memory_space<vmem>> -> memref<128xi32, #tpu.memory_space<vmem>>
      %dma_wait3A_567 = arith.constant 0 : i32
      %dma_wait3A_568 = arith.constant 0 : i32
      %dma_wait3A_569 = tpu.memref_slice %arg7[%dma_wait3A_567, %dma_wait3A_568] : memref<10256x128xf32, #tpu.memory_space<vmem_shared>> -> memref<10256x128xf32, #tpu.memory_space<vmem_shared>>
      tpu.wait_indirect_dma semaphore(%arg10 : memref<!tpu.dma_semaphore, #tpu.memory_space<semaphore_mem>>) src(%dma_wait3A_554 : memref<128x128xf32, #tpu.memory_space<vmem>>) dst(%dma_wait3A_569 : memref<10256x128xf32, #tpu.memory_space<vmem_shared>>)
      %ge3A_570 = arith.constant 1 : i32
      %ge3A_571 = arith.cmpi sge, %add3A_472, %ge3A_570 : i32
      %add3A_572 = arith.constant 1 : i32
      %add3A_573 = arith.addi %add3A_472, %add3A_572 : i32
      %le3A_574 = arith.constant 19 : i32
      %le3A_575 = arith.cmpi sle, %add3A_573, %le3A_574 : i32
      %and3A_576 = arith.andi %ge3A_571, %le3A_575 : i1
      %convert_element_type3A_577 = arith.extui %and3A_576 : i1 to i32
      %cond3A_578 = arith.constant 0 : i32
      %cond3A_579 = arith.cmpi ne, %convert_element_type3A_577, %cond3A_578 : i32
      scf.if %cond3A_579 {
        %add3A_817 = arith.constant 1 : i32
        %add3A_818 = arith.addi %add3A_472, %add3A_817 : i32
        %mul3A_819 = arith.constant 4 : i32
        %mul3A_820 = arith.muli %add3A_818, %mul3A_819 : i32
        %dma_start3A_821 = arith.constant 0 : i32
        %dma_start3A_822 = arith.constant 0 : i32
        %dma_start3A_823 = arith.constant 0 : i32
        %dma_start3A_824 = arith.constant 0 : i32
        %dma_start3A_825 = tpu.memref_slice %arg5[%dma_start3A_821, %dma_start3A_822, %dma_start3A_823, %dma_start3A_824] : memref<2x4x2x128xi32, #tpu.memory_space<vmem>> -> memref<1x4x2x128xi32, #tpu.memory_space<vmem>>
        %dma_start3A_826 = tpu.memref_squeeze %dma_start3A_825 : memref<1x4x2x128xi32, #tpu.memory_space<vmem>> -> memref<4x2x128xi32, #tpu.memory_space<vmem>>
        %dma_start3A_827 = arith.constant 0 : i32
        %dma_start3A_828 = arith.constant 0 : i32
        %dma_start3A_829 = arith.constant 0 : i32
        %dma_start3A_830 = tpu.memref_slice %arg3[%add3A, %dma_start3A_827, %dma_start3A_828, %dma_start3A_829] : memref<32x80x2x128xi32, #tpu.memory_space<hbm>> -> memref<1x80x2x128xi32, #tpu.memory_space<hbm>>
        %dma_start3A_831 = tpu.memref_squeeze %dma_start3A_830 : memref<1x80x2x128xi32, #tpu.memory_space<hbm>> -> memref<80x2x128xi32, #tpu.memory_space<hbm>>
        %dma_start3A_832 = arith.constant 0 : i32
        %dma_start3A_833 = arith.constant 0 : i32
        %dma_start3A_834 = tpu.memref_slice %dma_start3A_831[%mul3A_820, %dma_start3A_832, %dma_start3A_833] : memref<80x2x128xi32, #tpu.memory_space<hbm>> -> memref<4x2x128xi32, #tpu.memory_space<hbm>>
        %dma_start3A_835 = arith.constant 0 : i32
        %dma_start3A_836 = arith.constant 0 : i32
        %dma_start3A_837 = arith.constant 0 : i32
        %dma_start3A_838 = tpu.memref_slice %arg5[%dma_start3A_821, %dma_start3A_835, %dma_start3A_836, %dma_start3A_837] : memref<2x4x2x128xi32, #tpu.memory_space<vmem>> -> memref<1x4x2x128xi32, #tpu.memory_space<vmem>>
        %dma_start3A_839 = tpu.memref_squeeze %dma_start3A_838 : memref<1x4x2x128xi32, #tpu.memory_space<vmem>> -> memref<4x2x128xi32, #tpu.memory_space<vmem>>
        %dma_start3A_840 = arith.constant 0 : i32
        %dma_start3A_841 = arith.constant 0 : i32
        %dma_start3A_842 = arith.constant 0 : i32
        %dma_start3A_843 = tpu.memref_slice %arg3[%add3A, %dma_start3A_840, %dma_start3A_841, %dma_start3A_842] : memref<32x80x2x128xi32, #tpu.memory_space<hbm>> -> memref<1x80x2x128xi32, #tpu.memory_space<hbm>>
        %dma_start3A_844 = tpu.memref_squeeze %dma_start3A_843 : memref<1x80x2x128xi32, #tpu.memory_space<hbm>> -> memref<80x2x128xi32, #tpu.memory_space<hbm>>
        %dma_start3A_845 = arith.constant 0 : i32
        %dma_start3A_846 = arith.constant 0 : i32
        %dma_start3A_847 = tpu.memref_slice %dma_start3A_844[%mul3A_820, %dma_start3A_845, %dma_start3A_846] : memref<80x2x128xi32, #tpu.memory_space<hbm>> -> memref<4x2x128xi32, #tpu.memory_space<hbm>>
        tpu.enqueue_dma source(%dma_start3A_847 : memref<4x2x128xi32, #tpu.memory_space<hbm>>) target(%dma_start3A_839 : memref<4x2x128xi32, #tpu.memory_space<vmem>>) target_semaphore(%arg12 : memref<!tpu.dma_semaphore, #tpu.memory_space<semaphore_mem>>)
      } else {
      }
      %dma_start3A_580 = arith.constant 1 : i32
      %dma_start3A_581 = arith.constant 2 : i32
      %dma_start3A_582 = arith.constant 0 : i32
      %dma_start3A_583 = arith.constant 0 : i32
      %dma_start3A_584 = arith.constant 0 : i32
      %dma_start3A_585 = arith.constant 0 : i32
      %dma_start3A_586 = tpu.memref_slice %arg6[%dma_start3A_583, %dma_start3A_584, %dma_start3A_585] : memref<2x128x128xf32, #tpu.memory_space<vmem>> -> memref<1x128x128xf32, #tpu.memory_space<vmem>>
      %dma_start3A_587 = tpu.memref_squeeze %dma_start3A_586 : memref<1x128x128xf32, #tpu.memory_space<vmem>> -> memref<128x128xf32, #tpu.memory_space<vmem>>
      %dma_start3A_588 = arith.constant 0 : i32
      %dma_start3A_589 = arith.constant 0 : i32
      %dma_start3A_590 = arith.constant 0 : i32
      %dma_start3A_591 = tpu.memref_slice %arg5[%dma_start3A_580, %dma_start3A_588, %dma_start3A_589, %dma_start3A_590] : memref<2x4x2x128xi32, #tpu.memory_space<vmem>> -> memref<1x4x2x128xi32, #tpu.memory_space<vmem>>
      %dma_start3A_592 = tpu.memref_squeeze %dma_start3A_591 : memref<1x4x2x128xi32, #tpu.memory_space<vmem>> -> memref<4x2x128xi32, #tpu.memory_space<vmem>>
      %dma_start3A_593 = arith.constant 0 : i32
      %dma_start3A_594 = arith.constant 0 : i32
      %dma_start3A_595 = tpu.memref_slice %dma_start3A_592[%dma_start3A_581, %dma_start3A_593, %dma_start3A_594] : memref<4x2x128xi32, #tpu.memory_space<vmem>> -> memref<1x2x128xi32, #tpu.memory_space<vmem>>
      %dma_start3A_596 = tpu.memref_squeeze %dma_start3A_595 : memref<1x2x128xi32, #tpu.memory_space<vmem>> -> memref<2x128xi32, #tpu.memory_space<vmem>>
      %dma_start3A_597 = arith.constant 0 : i32
      %dma_start3A_598 = tpu.memref_slice %dma_start3A_596[%dma_start3A_582, %dma_start3A_597] : memref<2x128xi32, #tpu.memory_space<vmem>> -> memref<1x128xi32, #tpu.memory_space<vmem>>
      %dma_start3A_599 = tpu.memref_squeeze %dma_start3A_598 : memref<1x128xi32, #tpu.memory_space<vmem>> -> memref<128xi32, #tpu.memory_space<vmem>>
      %dma_start3A_600 = arith.constant 0 : i32
      %dma_start3A_601 = arith.constant 0 : i32
      %dma_start3A_602 = tpu.memref_slice %arg2[%dma_start3A_600, %dma_start3A_601] : memref<10000x128xf32, #tpu.memory_space<hbm>> -> memref<10000x128xf32, #tpu.memory_space<hbm>>
      tpu.enqueue_indirect_dma source(%dma_start3A_602 : memref<10000x128xf32, #tpu.memory_space<hbm>>) target(%dma_start3A_587 : memref<128x128xf32, #tpu.memory_space<vmem>>) offsets(%dma_start3A_599 : memref<128xi32, #tpu.memory_space<vmem>>) semaphore(%arg8 : memref<!tpu.dma_semaphore, #tpu.memory_space<semaphore_mem>>)
      %dma_wait3A_603 = arith.constant 0 : i32
      %dma_wait3A_604 = arith.constant 0 : i32
      %dma_wait3A_605 = arith.constant 0 : i32
      %dma_wait3A_606 = arith.constant 1 : i32
      %dma_wait3A_607 = arith.constant 0 : i32
      %dma_wait3A_608 = arith.constant 0 : i32
      %dma_wait3A_609 = tpu.memref_slice %arg6[%dma_wait3A_606, %dma_wait3A_607, %dma_wait3A_608] : memref<2x128x128xf32, #tpu.memory_space<vmem>> -> memref<1x128x128xf32, #tpu.memory_space<vmem>>
      %dma_wait3A_610 = tpu.memref_squeeze %dma_wait3A_609 : memref<1x128x128xf32, #tpu.memory_space<vmem>> -> memref<128x128xf32, #tpu.memory_space<vmem>>
      %dma_wait3A_611 = arith.constant 0 : i32
      %dma_wait3A_612 = arith.constant 0 : i32
      %dma_wait3A_613 = arith.constant 0 : i32
      %dma_wait3A_614 = tpu.memref_slice %arg5[%dma_wait3A_603, %dma_wait3A_611, %dma_wait3A_612, %dma_wait3A_613] : memref<2x4x2x128xi32, #tpu.memory_space<vmem>> -> memref<1x4x2x128xi32, #tpu.memory_space<vmem>>
      %dma_wait3A_615 = tpu.memref_squeeze %dma_wait3A_614 : memref<1x4x2x128xi32, #tpu.memory_space<vmem>> -> memref<4x2x128xi32, #tpu.memory_space<vmem>>
      %dma_wait3A_616 = arith.constant 0 : i32
      %dma_wait3A_617 = arith.constant 0 : i32
      %dma_wait3A_618 = tpu.memref_slice %dma_wait3A_615[%dma_wait3A_604, %dma_wait3A_616, %dma_wait3A_617] : memref<4x2x128xi32, #tpu.memory_space<vmem>> -> memref<1x2x128xi32, #tpu.memory_space<vmem>>
      %dma_wait3A_619 = tpu.memref_squeeze %dma_wait3A_618 : memref<1x2x128xi32, #tpu.memory_space<vmem>> -> memref<2x128xi32, #tpu.memory_space<vmem>>
      %dma_wait3A_620 = arith.constant 0 : i32
      %dma_wait3A_621 = tpu.memref_slice %dma_wait3A_619[%dma_wait3A_605, %dma_wait3A_620] : memref<2x128xi32, #tpu.memory_space<vmem>> -> memref<1x128xi32, #tpu.memory_space<vmem>>
      %dma_wait3A_622 = tpu.memref_squeeze %dma_wait3A_621 : memref<1x128xi32, #tpu.memory_space<vmem>> -> memref<128xi32, #tpu.memory_space<vmem>>
      %dma_wait3A_623 = arith.constant 0 : i32
      %dma_wait3A_624 = arith.constant 0 : i32
      %dma_wait3A_625 = tpu.memref_slice %arg2[%dma_wait3A_623, %dma_wait3A_624] : memref<10000x128xf32, #tpu.memory_space<hbm>> -> memref<10000x128xf32, #tpu.memory_space<hbm>>
      tpu.wait_indirect_dma semaphore(%arg9 : memref<!tpu.dma_semaphore, #tpu.memory_space<semaphore_mem>>) src(%dma_wait3A_625 : memref<10000x128xf32, #tpu.memory_space<hbm>>) dst(%dma_wait3A_610 : memref<128x128xf32, #tpu.memory_space<vmem>>)
      %dma_start3A_626 = arith.constant 1 : i32
      %dma_start3A_627 = arith.constant 1 : i32
      %dma_start3A_628 = arith.constant 1 : i32
      %dma_start3A_629 = arith.constant 1 : i32
      %dma_start3A_630 = arith.constant 0 : i32
      %dma_start3A_631 = arith.constant 0 : i32
      %dma_start3A_632 = tpu.memref_slice %arg6[%dma_start3A_626, %dma_start3A_630, %dma_start3A_631] : memref<2x128x128xf32, #tpu.memory_space<vmem>> -> memref<1x128x128xf32, #tpu.memory_space<vmem>>
      %dma_start3A_633 = tpu.memref_squeeze %dma_start3A_632 : memref<1x128x128xf32, #tpu.memory_space<vmem>> -> memref<128x128xf32, #tpu.memory_space<vmem>>
      %dma_start3A_634 = arith.constant 0 : i32
      %dma_start3A_635 = arith.constant 0 : i32
      %dma_start3A_636 = arith.constant 0 : i32
      %dma_start3A_637 = tpu.memref_slice %arg5[%dma_start3A_627, %dma_start3A_634, %dma_start3A_635, %dma_start3A_636] : memref<2x4x2x128xi32, #tpu.memory_space<vmem>> -> memref<1x4x2x128xi32, #tpu.memory_space<vmem>>
      %dma_start3A_638 = tpu.memref_squeeze %dma_start3A_637 : memref<1x4x2x128xi32, #tpu.memory_space<vmem>> -> memref<4x2x128xi32, #tpu.memory_space<vmem>>
      %dma_start3A_639 = arith.constant 0 : i32
      %dma_start3A_640 = arith.constant 0 : i32
      %dma_start3A_641 = tpu.memref_slice %dma_start3A_638[%dma_start3A_628, %dma_start3A_639, %dma_start3A_640] : memref<4x2x128xi32, #tpu.memory_space<vmem>> -> memref<1x2x128xi32, #tpu.memory_space<vmem>>
      %dma_start3A_642 = tpu.memref_squeeze %dma_start3A_641 : memref<1x2x128xi32, #tpu.memory_space<vmem>> -> memref<2x128xi32, #tpu.memory_space<vmem>>
      %dma_start3A_643 = arith.constant 0 : i32
      %dma_start3A_644 = tpu.memref_slice %dma_start3A_642[%dma_start3A_629, %dma_start3A_643] : memref<2x128xi32, #tpu.memory_space<vmem>> -> memref<1x128xi32, #tpu.memory_space<vmem>>
      %dma_start3A_645 = tpu.memref_squeeze %dma_start3A_644 : memref<1x128xi32, #tpu.memory_space<vmem>> -> memref<128xi32, #tpu.memory_space<vmem>>
      %dma_start3A_646 = arith.constant 0 : i32
      %dma_start3A_647 = arith.constant 0 : i32
      %dma_start3A_648 = tpu.memref_slice %arg7[%dma_start3A_646, %dma_start3A_647] : memref<10256x128xf32, #tpu.memory_space<vmem_shared>> -> memref<10256x128xf32, #tpu.memory_space<vmem_shared>>
      tpu.enqueue_indirect_dma source(%dma_start3A_633 : memref<128x128xf32, #tpu.memory_space<vmem>>) target(%dma_start3A_648 : memref<10256x128xf32, #tpu.memory_space<vmem_shared>>) offsets(%dma_start3A_645 : memref<128xi32, #tpu.memory_space<vmem>>) semaphore(%arg11 : memref<!tpu.dma_semaphore, #tpu.memory_space<semaphore_mem>>) {add = true}
      %dma_wait3A_649 = arith.constant 1 : i32
      %dma_wait3A_650 = arith.constant 0 : i32
      %dma_wait3A_651 = arith.constant 0 : i32
      %dma_wait3A_652 = arith.constant 1 : i32
      %dma_wait3A_653 = arith.constant 0 : i32
      %dma_wait3A_654 = arith.constant 0 : i32
      %dma_wait3A_655 = tpu.memref_slice %arg6[%dma_wait3A_649, %dma_wait3A_653, %dma_wait3A_654] : memref<2x128x128xf32, #tpu.memory_space<vmem>> -> memref<1x128x128xf32, #tpu.memory_space<vmem>>
      %dma_wait3A_656 = tpu.memref_squeeze %dma_wait3A_655 : memref<1x128x128xf32, #tpu.memory_space<vmem>> -> memref<128x128xf32, #tpu.memory_space<vmem>>
      %dma_wait3A_657 = arith.constant 0 : i32
      %dma_wait3A_658 = arith.constant 0 : i32
      %dma_wait3A_659 = arith.constant 0 : i32
      %dma_wait3A_660 = tpu.memref_slice %arg5[%dma_wait3A_650, %dma_wait3A_657, %dma_wait3A_658, %dma_wait3A_659] : memref<2x4x2x128xi32, #tpu.memory_space<vmem>> -> memref<1x4x2x128xi32, #tpu.memory_space<vmem>>
      %dma_wait3A_661 = tpu.memref_squeeze %dma_wait3A_660 : memref<1x4x2x128xi32, #tpu.memory_space<vmem>> -> memref<4x2x128xi32, #tpu.memory_space<vmem>>
      %dma_wait3A_662 = arith.constant 0 : i32
      %dma_wait3A_663 = arith.constant 0 : i32
      %dma_wait3A_664 = tpu.memref_slice %dma_wait3A_661[%dma_wait3A_651, %dma_wait3A_662, %dma_wait3A_663] : memref<4x2x128xi32, #tpu.memory_space<vmem>> -> memref<1x2x128xi32, #tpu.memory_space<vmem>>
      %dma_wait3A_665 = tpu.memref_squeeze %dma_wait3A_664 : memref<1x2x128xi32, #tpu.memory_space<vmem>> -> memref<2x128xi32, #tpu.memory_space<vmem>>
      %dma_wait3A_666 = arith.constant 0 : i32
      %dma_wait3A_667 = tpu.memref_slice %dma_wait3A_665[%dma_wait3A_652, %dma_wait3A_666] : memref<2x128xi32, #tpu.memory_space<vmem>> -> memref<1x128xi32, #tpu.memory_space<vmem>>
      %dma_wait3A_668 = tpu.memref_squeeze %dma_wait3A_667 : memref<1x128xi32, #tpu.memory_space<vmem>> -> memref<128xi32, #tpu.memory_space<vmem>>
      %dma_wait3A_669 = arith.constant 0 : i32
      %dma_wait3A_670 = arith.constant 0 : i32
      %dma_wait3A_671 = tpu.memref_slice %arg7[%dma_wait3A_669, %dma_wait3A_670] : memref<10256x128xf32, #tpu.memory_space<vmem_shared>> -> memref<10256x128xf32, #tpu.memory_space<vmem_shared>>
      tpu.wait_indirect_dma semaphore(%arg11 : memref<!tpu.dma_semaphore, #tpu.memory_space<semaphore_mem>>) src(%dma_wait3A_656 : memref<128x128xf32, #tpu.memory_space<vmem>>) dst(%dma_wait3A_671 : memref<10256x128xf32, #tpu.memory_space<vmem_shared>>)
      %dma_start3A_672 = arith.constant 1 : i32
      %dma_start3A_673 = arith.constant 3 : i32
      %dma_start3A_674 = arith.constant 0 : i32
      %dma_start3A_675 = arith.constant 1 : i32
      %dma_start3A_676 = arith.constant 0 : i32
      %dma_start3A_677 = arith.constant 0 : i32
      %dma_start3A_678 = tpu.memref_slice %arg6[%dma_start3A_675, %dma_start3A_676, %dma_start3A_677] : memref<2x128x128xf32, #tpu.memory_space<vmem>> -> memref<1x128x128xf32, #tpu.memory_space<vmem>>
      %dma_start3A_679 = tpu.memref_squeeze %dma_start3A_678 : memref<1x128x128xf32, #tpu.memory_space<vmem>> -> memref<128x128xf32, #tpu.memory_space<vmem>>
      %dma_start3A_680 = arith.constant 0 : i32
      %dma_start3A_681 = arith.constant 0 : i32
      %dma_start3A_682 = arith.constant 0 : i32
      %dma_start3A_683 = tpu.memref_slice %arg5[%dma_start3A_672, %dma_start3A_680, %dma_start3A_681, %dma_start3A_682] : memref<2x4x2x128xi32, #tpu.memory_space<vmem>> -> memref<1x4x2x128xi32, #tpu.memory_space<vmem>>
      %dma_start3A_684 = tpu.memref_squeeze %dma_start3A_683 : memref<1x4x2x128xi32, #tpu.memory_space<vmem>> -> memref<4x2x128xi32, #tpu.memory_space<vmem>>
      %dma_start3A_685 = arith.constant 0 : i32
      %dma_start3A_686 = arith.constant 0 : i32
      %dma_start3A_687 = tpu.memref_slice %dma_start3A_684[%dma_start3A_673, %dma_start3A_685, %dma_start3A_686] : memref<4x2x128xi32, #tpu.memory_space<vmem>> -> memref<1x2x128xi32, #tpu.memory_space<vmem>>
      %dma_start3A_688 = tpu.memref_squeeze %dma_start3A_687 : memref<1x2x128xi32, #tpu.memory_space<vmem>> -> memref<2x128xi32, #tpu.memory_space<vmem>>
      %dma_start3A_689 = arith.constant 0 : i32
      %dma_start3A_690 = tpu.memref_slice %dma_start3A_688[%dma_start3A_674, %dma_start3A_689] : memref<2x128xi32, #tpu.memory_space<vmem>> -> memref<1x128xi32, #tpu.memory_space<vmem>>
      %dma_start3A_691 = tpu.memref_squeeze %dma_start3A_690 : memref<1x128xi32, #tpu.memory_space<vmem>> -> memref<128xi32, #tpu.memory_space<vmem>>
      %dma_start3A_692 = arith.constant 0 : i32
      %dma_start3A_693 = arith.constant 0 : i32
      %dma_start3A_694 = tpu.memref_slice %arg2[%dma_start3A_692, %dma_start3A_693] : memref<10000x128xf32, #tpu.memory_space<hbm>> -> memref<10000x128xf32, #tpu.memory_space<hbm>>
      tpu.enqueue_indirect_dma source(%dma_start3A_694 : memref<10000x128xf32, #tpu.memory_space<hbm>>) target(%dma_start3A_679 : memref<128x128xf32, #tpu.memory_space<vmem>>) offsets(%dma_start3A_691 : memref<128xi32, #tpu.memory_space<vmem>>) semaphore(%arg9 : memref<!tpu.dma_semaphore, #tpu.memory_space<semaphore_mem>>)
      %dma_wait3A_695 = arith.constant 0 : i32
      %dma_wait3A_696 = arith.constant 0 : i32
      %dma_wait3A_697 = arith.constant 0 : i32
      %dma_wait3A_698 = arith.constant 0 : i32
      %dma_wait3A_699 = arith.constant 0 : i32
      %dma_wait3A_700 = arith.constant 0 : i32
      %dma_wait3A_701 = tpu.memref_slice %arg6[%dma_wait3A_698, %dma_wait3A_699, %dma_wait3A_700] : memref<2x128x128xf32, #tpu.memory_space<vmem>> -> memref<1x128x128xf32, #tpu.memory_space<vmem>>
      %dma_wait3A_702 = tpu.memref_squeeze %dma_wait3A_701 : memref<1x128x128xf32, #tpu.memory_space<vmem>> -> memref<128x128xf32, #tpu.memory_space<vmem>>
      %dma_wait3A_703 = arith.constant 0 : i32
      %dma_wait3A_704 = arith.constant 0 : i32
      %dma_wait3A_705 = arith.constant 0 : i32
      %dma_wait3A_706 = tpu.memref_slice %arg5[%dma_wait3A_695, %dma_wait3A_703, %dma_wait3A_704, %dma_wait3A_705] : memref<2x4x2x128xi32, #tpu.memory_space<vmem>> -> memref<1x4x2x128xi32, #tpu.memory_space<vmem>>
      %dma_wait3A_707 = tpu.memref_squeeze %dma_wait3A_706 : memref<1x4x2x128xi32, #tpu.memory_space<vmem>> -> memref<4x2x128xi32, #tpu.memory_space<vmem>>
      %dma_wait3A_708 = arith.constant 0 : i32
      %dma_wait3A_709 = arith.constant 0 : i32
      %dma_wait3A_710 = tpu.memref_slice %dma_wait3A_707[%dma_wait3A_696, %dma_wait3A_708, %dma_wait3A_709] : memref<4x2x128xi32, #tpu.memory_space<vmem>> -> memref<1x2x128xi32, #tpu.memory_space<vmem>>
      %dma_wait3A_711 = tpu.memref_squeeze %dma_wait3A_710 : memref<1x2x128xi32, #tpu.memory_space<vmem>> -> memref<2x128xi32, #tpu.memory_space<vmem>>
      %dma_wait3A_712 = arith.constant 0 : i32
      %dma_wait3A_713 = tpu.memref_slice %dma_wait3A_711[%dma_wait3A_697, %dma_wait3A_712] : memref<2x128xi32, #tpu.memory_space<vmem>> -> memref<1x128xi32, #tpu.memory_space<vmem>>
      %dma_wait3A_714 = tpu.memref_squeeze %dma_wait3A_713 : memref<1x128xi32, #tpu.memory_space<vmem>> -> memref<128xi32, #tpu.memory_space<vmem>>
      %dma_wait3A_715 = arith.constant 0 : i32
      %dma_wait3A_716 = arith.constant 0 : i32
      %dma_wait3A_717 = tpu.memref_slice %arg2[%dma_wait3A_715, %dma_wait3A_716] : memref<10000x128xf32, #tpu.memory_space<hbm>> -> memref<10000x128xf32, #tpu.memory_space<hbm>>
      tpu.wait_indirect_dma semaphore(%arg8 : memref<!tpu.dma_semaphore, #tpu.memory_space<semaphore_mem>>) src(%dma_wait3A_717 : memref<10000x128xf32, #tpu.memory_space<hbm>>) dst(%dma_wait3A_702 : memref<128x128xf32, #tpu.memory_space<vmem>>)
      %dma_start3A_718 = arith.constant 0 : i32
      %dma_start3A_719 = arith.constant 1 : i32
      %dma_start3A_720 = arith.constant 2 : i32
      %dma_start3A_721 = arith.constant 1 : i32
      %dma_start3A_722 = arith.constant 0 : i32
      %dma_start3A_723 = arith.constant 0 : i32
      %dma_start3A_724 = tpu.memref_slice %arg6[%dma_start3A_718, %dma_start3A_722, %dma_start3A_723] : memref<2x128x128xf32, #tpu.memory_space<vmem>> -> memref<1x128x128xf32, #tpu.memory_space<vmem>>
      %dma_start3A_725 = tpu.memref_squeeze %dma_start3A_724 : memref<1x128x128xf32, #tpu.memory_space<vmem>> -> memref<128x128xf32, #tpu.memory_space<vmem>>
      %dma_start3A_726 = arith.constant 0 : i32
      %dma_start3A_727 = arith.constant 0 : i32
      %dma_start3A_728 = arith.constant 0 : i32
      %dma_start3A_729 = tpu.memref_slice %arg5[%dma_start3A_719, %dma_start3A_726, %dma_start3A_727, %dma_start3A_728] : memref<2x4x2x128xi32, #tpu.memory_space<vmem>> -> memref<1x4x2x128xi32, #tpu.memory_space<vmem>>
      %dma_start3A_730 = tpu.memref_squeeze %dma_start3A_729 : memref<1x4x2x128xi32, #tpu.memory_space<vmem>> -> memref<4x2x128xi32, #tpu.memory_space<vmem>>
      %dma_start3A_731 = arith.constant 0 : i32
      %dma_start3A_732 = arith.constant 0 : i32
      %dma_start3A_733 = tpu.memref_slice %dma_start3A_730[%dma_start3A_720, %dma_start3A_731, %dma_start3A_732] : memref<4x2x128xi32, #tpu.memory_space<vmem>> -> memref<1x2x128xi32, #tpu.memory_space<vmem>>
      %dma_start3A_734 = tpu.memref_squeeze %dma_start3A_733 : memref<1x2x128xi32, #tpu.memory_space<vmem>> -> memref<2x128xi32, #tpu.memory_space<vmem>>
      %dma_start3A_735 = arith.constant 0 : i32
      %dma_start3A_736 = tpu.memref_slice %dma_start3A_734[%dma_start3A_721, %dma_start3A_735] : memref<2x128xi32, #tpu.memory_space<vmem>> -> memref<1x128xi32, #tpu.memory_space<vmem>>
      %dma_start3A_737 = tpu.memref_squeeze %dma_start3A_736 : memref<1x128xi32, #tpu.memory_space<vmem>> -> memref<128xi32, #tpu.memory_space<vmem>>
      %dma_start3A_738 = arith.constant 0 : i32
      %dma_start3A_739 = arith.constant 0 : i32
      %dma_start3A_740 = tpu.memref_slice %arg7[%dma_start3A_738, %dma_start3A_739] : memref<10256x128xf32, #tpu.memory_space<vmem_shared>> -> memref<10256x128xf32, #tpu.memory_space<vmem_shared>>
      tpu.enqueue_indirect_dma source(%dma_start3A_725 : memref<128x128xf32, #tpu.memory_space<vmem>>) target(%dma_start3A_740 : memref<10256x128xf32, #tpu.memory_space<vmem_shared>>) offsets(%dma_start3A_737 : memref<128xi32, #tpu.memory_space<vmem>>) semaphore(%arg10 : memref<!tpu.dma_semaphore, #tpu.memory_space<semaphore_mem>>) {add = true}
      %dma_wait3A_741 = arith.constant 0 : i32
      %dma_wait3A_742 = arith.constant 0 : i32
      %dma_wait3A_743 = arith.constant 0 : i32
      %dma_wait3A_744 = arith.constant 1 : i32
      %dma_wait3A_745 = arith.constant 0 : i32
      %dma_wait3A_746 = arith.constant 0 : i32
      %dma_wait3A_747 = tpu.memref_slice %arg6[%dma_wait3A_741, %dma_wait3A_745, %dma_wait3A_746] : memref<2x128x128xf32, #tpu.memory_space<vmem>> -> memref<1x128x128xf32, #tpu.memory_space<vmem>>
      %dma_wait3A_748 = tpu.memref_squeeze %dma_wait3A_747 : memref<1x128x128xf32, #tpu.memory_space<vmem>> -> memref<128x128xf32, #tpu.memory_space<vmem>>
      %dma_wait3A_749 = arith.constant 0 : i32
      %dma_wait3A_750 = arith.constant 0 : i32
      %dma_wait3A_751 = arith.constant 0 : i32
      %dma_wait3A_752 = tpu.memref_slice %arg5[%dma_wait3A_742, %dma_wait3A_749, %dma_wait3A_750, %dma_wait3A_751] : memref<2x4x2x128xi32, #tpu.memory_space<vmem>> -> memref<1x4x2x128xi32, #tpu.memory_space<vmem>>
      %dma_wait3A_753 = tpu.memref_squeeze %dma_wait3A_752 : memref<1x4x2x128xi32, #tpu.memory_space<vmem>> -> memref<4x2x128xi32, #tpu.memory_space<vmem>>
      %dma_wait3A_754 = arith.constant 0 : i32
      %dma_wait3A_755 = arith.constant 0 : i32
      %dma_wait3A_756 = tpu.memref_slice %dma_wait3A_753[%dma_wait3A_743, %dma_wait3A_754, %dma_wait3A_755] : memref<4x2x128xi32, #tpu.memory_space<vmem>> -> memref<1x2x128xi32, #tpu.memory_space<vmem>>
      %dma_wait3A_757 = tpu.memref_squeeze %dma_wait3A_756 : memref<1x2x128xi32, #tpu.memory_space<vmem>> -> memref<2x128xi32, #tpu.memory_space<vmem>>
      %dma_wait3A_758 = arith.constant 0 : i32
      %dma_wait3A_759 = tpu.memref_slice %dma_wait3A_757[%dma_wait3A_744, %dma_wait3A_758] : memref<2x128xi32, #tpu.memory_space<vmem>> -> memref<1x128xi32, #tpu.memory_space<vmem>>
      %dma_wait3A_760 = tpu.memref_squeeze %dma_wait3A_759 : memref<1x128xi32, #tpu.memory_space<vmem>> -> memref<128xi32, #tpu.memory_space<vmem>>
      %dma_wait3A_761 = arith.constant 0 : i32
      %dma_wait3A_762 = arith.constant 0 : i32
      %dma_wait3A_763 = tpu.memref_slice %arg7[%dma_wait3A_761, %dma_wait3A_762] : memref<10256x128xf32, #tpu.memory_space<vmem_shared>> -> memref<10256x128xf32, #tpu.memory_space<vmem_shared>>
      tpu.wait_indirect_dma semaphore(%arg10 : memref<!tpu.dma_semaphore, #tpu.memory_space<semaphore_mem>>) src(%dma_wait3A_748 : memref<128x128xf32, #tpu.memory_space<vmem>>) dst(%dma_wait3A_763 : memref<10256x128xf32, #tpu.memory_space<vmem_shared>>)
      %add3A_764 = arith.constant 1 : i32
      %add3A_765 = arith.addi %add3A_472, %add3A_764 : i32
      %le3A_766 = arith.constant 19 : i32
      %le3A_767 = arith.cmpi sle, %add3A_765, %le3A_766 : i32
      %convert_element_type3A_768 = arith.extui %le3A_767 : i1 to i32
      %cond3A_769 = arith.constant 0 : i32
      %cond3A_770 = arith.cmpi ne, %convert_element_type3A_768, %cond3A_769 : i32
      scf.if %cond3A_770 {
        %dma_wait3A_817 = arith.constant 0 : i32
        %dma_wait3A_818 = arith.constant 0 : i32
        %dma_wait3A_819 = arith.constant 0 : i32
        %dma_wait3A_820 = arith.constant 0 : i32
        %dma_wait3A_821 = tpu.memref_slice %arg5[%dma_wait3A_817, %dma_wait3A_818, %dma_wait3A_819, %dma_wait3A_820] : memref<2x4x2x128xi32, #tpu.memory_space<vmem>> -> memref<1x4x2x128xi32, #tpu.memory_space<vmem>>
        %dma_wait3A_822 = tpu.memref_squeeze %dma_wait3A_821 : memref<1x4x2x128xi32, #tpu.memory_space<vmem>> -> memref<4x2x128xi32, #tpu.memory_space<vmem>>
        %dma_wait3A_823 = arith.constant 0 : i32
        %dma_wait3A_824 = arith.constant 0 : i32
        %dma_wait3A_825 = arith.constant 0 : i32
        %dma_wait3A_826 = tpu.memref_slice %arg3[%add3A, %dma_wait3A_823, %dma_wait3A_824, %dma_wait3A_825] : memref<32x80x2x128xi32, #tpu.memory_space<hbm>> -> memref<1x80x2x128xi32, #tpu.memory_space<hbm>>
        %dma_wait3A_827 = tpu.memref_squeeze %dma_wait3A_826 : memref<1x80x2x128xi32, #tpu.memory_space<hbm>> -> memref<80x2x128xi32, #tpu.memory_space<hbm>>
        %dma_wait3A_828 = arith.constant 0 : i32
        %dma_wait3A_829 = arith.constant 0 : i32
        %dma_wait3A_830 = arith.constant 0 : i32
        %dma_wait3A_831 = tpu.memref_slice %dma_wait3A_827[%dma_wait3A_828, %dma_wait3A_829, %dma_wait3A_830] : memref<80x2x128xi32, #tpu.memory_space<hbm>> -> memref<4x2x128xi32, #tpu.memory_space<hbm>>
        %dma_wait3A_832 = arith.constant 0 : i32
        %dma_wait3A_833 = arith.constant 0 : i32
        %dma_wait3A_834 = arith.constant 0 : i32
        %dma_wait3A_835 = tpu.memref_slice %arg5[%dma_wait3A_817, %dma_wait3A_832, %dma_wait3A_833, %dma_wait3A_834] : memref<2x4x2x128xi32, #tpu.memory_space<vmem>> -> memref<1x4x2x128xi32, #tpu.memory_space<vmem>>
        %dma_wait3A_836 = tpu.memref_squeeze %dma_wait3A_835 : memref<1x4x2x128xi32, #tpu.memory_space<vmem>> -> memref<4x2x128xi32, #tpu.memory_space<vmem>>
        %dma_wait3A_837 = arith.constant 0 : i32
        %dma_wait3A_838 = arith.constant 0 : i32
        %dma_wait3A_839 = arith.constant 0 : i32
        %dma_wait3A_840 = tpu.memref_slice %arg3[%add3A, %dma_wait3A_837, %dma_wait3A_838, %dma_wait3A_839] : memref<32x80x2x128xi32, #tpu.memory_space<hbm>> -> memref<1x80x2x128xi32, #tpu.memory_space<hbm>>
        %dma_wait3A_841 = tpu.memref_squeeze %dma_wait3A_840 : memref<1x80x2x128xi32, #tpu.memory_space<hbm>> -> memref<80x2x128xi32, #tpu.memory_space<hbm>>
        %dma_wait3A_842 = arith.constant 0 : i32
        %dma_wait3A_843 = arith.constant 0 : i32
        %dma_wait3A_844 = arith.constant 0 : i32
        %dma_wait3A_845 = tpu.memref_slice %dma_wait3A_841[%dma_wait3A_842, %dma_wait3A_843, %dma_wait3A_844] : memref<80x2x128xi32, #tpu.memory_space<hbm>> -> memref<4x2x128xi32, #tpu.memory_space<hbm>>
        tpu.wait_dma2 semaphore(%arg12 : memref<!tpu.dma_semaphore, #tpu.memory_space<semaphore_mem>>) src(%dma_wait3A_845 : memref<4x2x128xi32, #tpu.memory_space<hbm>>) dst(%dma_wait3A_836 : memref<4x2x128xi32, #tpu.memory_space<vmem>>)
        %dma_start3A_846 = arith.constant 0 : i32
        %dma_start3A_847 = arith.constant 0 : i32
        %dma_start3A_848 = arith.constant 0 : i32
        %dma_start3A_849 = arith.constant 0 : i32
        %dma_start3A_850 = arith.constant 0 : i32
        %dma_start3A_851 = arith.constant 0 : i32
        %dma_start3A_852 = tpu.memref_slice %arg6[%dma_start3A_849, %dma_start3A_850, %dma_start3A_851] : memref<2x128x128xf32, #tpu.memory_space<vmem>> -> memref<1x128x128xf32, #tpu.memory_space<vmem>>
        %dma_start3A_853 = tpu.memref_squeeze %dma_start3A_852 : memref<1x128x128xf32, #tpu.memory_space<vmem>> -> memref<128x128xf32, #tpu.memory_space<vmem>>
        %dma_start3A_854 = arith.constant 0 : i32
        %dma_start3A_855 = arith.constant 0 : i32
        %dma_start3A_856 = arith.constant 0 : i32
        %dma_start3A_857 = tpu.memref_slice %arg5[%dma_start3A_846, %dma_start3A_854, %dma_start3A_855, %dma_start3A_856] : memref<2x4x2x128xi32, #tpu.memory_space<vmem>> -> memref<1x4x2x128xi32, #tpu.memory_space<vmem>>
        %dma_start3A_858 = tpu.memref_squeeze %dma_start3A_857 : memref<1x4x2x128xi32, #tpu.memory_space<vmem>> -> memref<4x2x128xi32, #tpu.memory_space<vmem>>
        %dma_start3A_859 = arith.constant 0 : i32
        %dma_start3A_860 = arith.constant 0 : i32
        %dma_start3A_861 = tpu.memref_slice %dma_start3A_858[%dma_start3A_847, %dma_start3A_859, %dma_start3A_860] : memref<4x2x128xi32, #tpu.memory_space<vmem>> -> memref<1x2x128xi32, #tpu.memory_space<vmem>>
        %dma_start3A_862 = tpu.memref_squeeze %dma_start3A_861 : memref<1x2x128xi32, #tpu.memory_space<vmem>> -> memref<2x128xi32, #tpu.memory_space<vmem>>
        %dma_start3A_863 = arith.constant 0 : i32
        %dma_start3A_864 = tpu.memref_slice %dma_start3A_862[%dma_start3A_848, %dma_start3A_863] : memref<2x128xi32, #tpu.memory_space<vmem>> -> memref<1x128xi32, #tpu.memory_space<vmem>>
        %dma_start3A_865 = tpu.memref_squeeze %dma_start3A_864 : memref<1x128xi32, #tpu.memory_space<vmem>> -> memref<128xi32, #tpu.memory_space<vmem>>
        %dma_start3A_866 = arith.constant 0 : i32
        %dma_start3A_867 = arith.constant 0 : i32
        %dma_start3A_868 = tpu.memref_slice %arg2[%dma_start3A_866, %dma_start3A_867] : memref<10000x128xf32, #tpu.memory_space<hbm>> -> memref<10000x128xf32, #tpu.memory_space<hbm>>
        tpu.enqueue_indirect_dma source(%dma_start3A_868 : memref<10000x128xf32, #tpu.memory_space<hbm>>) target(%dma_start3A_853 : memref<128x128xf32, #tpu.memory_space<vmem>>) offsets(%dma_start3A_865 : memref<128xi32, #tpu.memory_space<vmem>>) semaphore(%arg8 : memref<!tpu.dma_semaphore, #tpu.memory_space<semaphore_mem>>)
      } else {
      }
      %dma_wait3A_771 = arith.constant 0 : i32
      %dma_wait3A_772 = arith.constant 0 : i32
      %dma_wait3A_773 = arith.constant 0 : i32
      %dma_wait3A_774 = arith.constant 1 : i32
      %dma_wait3A_775 = arith.constant 0 : i32
      %dma_wait3A_776 = arith.constant 0 : i32
      %dma_wait3A_777 = tpu.memref_slice %arg6[%dma_wait3A_774, %dma_wait3A_775, %dma_wait3A_776] : memref<2x128x128xf32, #tpu.memory_space<vmem>> -> memref<1x128x128xf32, #tpu.memory_space<vmem>>
      %dma_wait3A_778 = tpu.memref_squeeze %dma_wait3A_777 : memref<1x128x128xf32, #tpu.memory_space<vmem>> -> memref<128x128xf32, #tpu.memory_space<vmem>>
      %dma_wait3A_779 = arith.constant 0 : i32
      %dma_wait3A_780 = arith.constant 0 : i32
      %dma_wait3A_781 = arith.constant 0 : i32
      %dma_wait3A_782 = tpu.memref_slice %arg5[%dma_wait3A_771, %dma_wait3A_779, %dma_wait3A_780, %dma_wait3A_781] : memref<2x4x2x128xi32, #tpu.memory_space<vmem>> -> memref<1x4x2x128xi32, #tpu.memory_space<vmem>>
      %dma_wait3A_783 = tpu.memref_squeeze %dma_wait3A_782 : memref<1x4x2x128xi32, #tpu.memory_space<vmem>> -> memref<4x2x128xi32, #tpu.memory_space<vmem>>
      %dma_wait3A_784 = arith.constant 0 : i32
      %dma_wait3A_785 = arith.constant 0 : i32
      %dma_wait3A_786 = tpu.memref_slice %dma_wait3A_783[%dma_wait3A_772, %dma_wait3A_784, %dma_wait3A_785] : memref<4x2x128xi32, #tpu.memory_space<vmem>> -> memref<1x2x128xi32, #tpu.memory_space<vmem>>
      %dma_wait3A_787 = tpu.memref_squeeze %dma_wait3A_786 : memref<1x2x128xi32, #tpu.memory_space<vmem>> -> memref<2x128xi32, #tpu.memory_space<vmem>>
      %dma_wait3A_788 = arith.constant 0 : i32
      %dma_wait3A_789 = tpu.memref_slice %dma_wait3A_787[%dma_wait3A_773, %dma_wait3A_788] : memref<2x128xi32, #tpu.memory_space<vmem>> -> memref<1x128xi32, #tpu.memory_space<vmem>>
      %dma_wait3A_790 = tpu.memref_squeeze %dma_wait3A_789 : memref<1x128xi32, #tpu.memory_space<vmem>> -> memref<128xi32, #tpu.memory_space<vmem>>
      %dma_wait3A_791 = arith.constant 0 : i32
      %dma_wait3A_792 = arith.constant 0 : i32
      %dma_wait3A_793 = tpu.memref_slice %arg2[%dma_wait3A_791, %dma_wait3A_792] : memref<10000x128xf32, #tpu.memory_space<hbm>> -> memref<10000x128xf32, #tpu.memory_space<hbm>>
      tpu.wait_indirect_dma semaphore(%arg9 : memref<!tpu.dma_semaphore, #tpu.memory_space<semaphore_mem>>) src(%dma_wait3A_793 : memref<10000x128xf32, #tpu.memory_space<hbm>>) dst(%dma_wait3A_778 : memref<128x128xf32, #tpu.memory_space<vmem>>)
      %dma_start3A_794 = arith.constant 1 : i32
      %dma_start3A_795 = arith.constant 1 : i32
      %dma_start3A_796 = arith.constant 3 : i32
      %dma_start3A_797 = arith.constant 1 : i32
      %dma_start3A_798 = arith.constant 0 : i32
      %dma_start3A_799 = arith.constant 0 : i32
      %dma_start3A_800 = tpu.memref_slice %arg6[%dma_start3A_794, %dma_start3A_798, %dma_start3A_799] : memref<2x128x128xf32, #tpu.memory_space<vmem>> -> memref<1x128x128xf32, #tpu.memory_space<vmem>>
      %dma_start3A_801 = tpu.memref_squeeze %dma_start3A_800 : memref<1x128x128xf32, #tpu.memory_space<vmem>> -> memref<128x128xf32, #tpu.memory_space<vmem>>
      %dma_start3A_802 = arith.constant 0 : i32
      %dma_start3A_803 = arith.constant 0 : i32
      %dma_start3A_804 = arith.constant 0 : i32
      %dma_start3A_805 = tpu.memref_slice %arg5[%dma_start3A_795, %dma_start3A_802, %dma_start3A_803, %dma_start3A_804] : memref<2x4x2x128xi32, #tpu.memory_space<vmem>> -> memref<1x4x2x128xi32, #tpu.memory_space<vmem>>
      %dma_start3A_806 = tpu.memref_squeeze %dma_start3A_805 : memref<1x4x2x128xi32, #tpu.memory_space<vmem>> -> memref<4x2x128xi32, #tpu.memory_space<vmem>>
      %dma_start3A_807 = arith.constant 0 : i32
      %dma_start3A_808 = arith.constant 0 : i32
      %dma_start3A_809 = tpu.memref_slice %dma_start3A_806[%dma_start3A_796, %dma_start3A_807, %dma_start3A_808] : memref<4x2x128xi32, #tpu.memory_space<vmem>> -> memref<1x2x128xi32, #tpu.memory_space<vmem>>
      %dma_start3A_810 = tpu.memref_squeeze %dma_start3A_809 : memref<1x2x128xi32, #tpu.memory_space<vmem>> -> memref<2x128xi32, #tpu.memory_space<vmem>>
      %dma_start3A_811 = arith.constant 0 : i32
      %dma_start3A_812 = tpu.memref_slice %dma_start3A_810[%dma_start3A_797, %dma_start3A_811] : memref<2x128xi32, #tpu.memory_space<vmem>> -> memref<1x128xi32, #tpu.memory_space<vmem>>
      %dma_start3A_813 = tpu.memref_squeeze %dma_start3A_812 : memref<1x128xi32, #tpu.memory_space<vmem>> -> memref<128xi32, #tpu.memory_space<vmem>>
      %dma_start3A_814 = arith.constant 0 : i32
      %dma_start3A_815 = arith.constant 0 : i32
      %dma_start3A_816 = tpu.memref_slice %arg7[%dma_start3A_814, %dma_start3A_815] : memref<10256x128xf32, #tpu.memory_space<vmem_shared>> -> memref<10256x128xf32, #tpu.memory_space<vmem_shared>>
      tpu.enqueue_indirect_dma source(%dma_start3A_801 : memref<128x128xf32, #tpu.memory_space<vmem>>) target(%dma_start3A_816 : memref<10256x128xf32, #tpu.memory_space<vmem_shared>>) offsets(%dma_start3A_813 : memref<128xi32, #tpu.memory_space<vmem>>) semaphore(%arg11 : memref<!tpu.dma_semaphore, #tpu.memory_space<semaphore_mem>>) {add = true}
    }
    %scan3A_94 = arith.constant 10 : i32
    %dma_wait3A = arith.constant 1 : i32
    %dma_wait3A_95 = arith.constant 0 : i32
    %dma_wait3A_96 = arith.constant 0 : i32
    %dma_wait3A_97 = arith.constant 1 : i32
    %dma_wait3A_98 = arith.constant 0 : i32
    %dma_wait3A_99 = arith.constant 0 : i32
    %dma_wait3A_100 = tpu.memref_slice %arg6[%dma_wait3A, %dma_wait3A_98, %dma_wait3A_99] : memref<2x128x128xf32, #tpu.memory_space<vmem>> -> memref<1x128x128xf32, #tpu.memory_space<vmem>>
    %dma_wait3A_101 = tpu.memref_squeeze %dma_wait3A_100 : memref<1x128x128xf32, #tpu.memory_space<vmem>> -> memref<128x128xf32, #tpu.memory_space<vmem>>
    %dma_wait3A_102 = arith.constant 0 : i32
    %dma_wait3A_103 = arith.constant 0 : i32
    %dma_wait3A_104 = arith.constant 0 : i32
    %dma_wait3A_105 = tpu.memref_slice %arg5[%dma_wait3A_95, %dma_wait3A_102, %dma_wait3A_103, %dma_wait3A_104] : memref<2x4x2x128xi32, #tpu.memory_space<vmem>> -> memref<1x4x2x128xi32, #tpu.memory_space<vmem>>
    %dma_wait3A_106 = tpu.memref_squeeze %dma_wait3A_105 : memref<1x4x2x128xi32, #tpu.memory_space<vmem>> -> memref<4x2x128xi32, #tpu.memory_space<vmem>>
    %dma_wait3A_107 = arith.constant 0 : i32
    %dma_wait3A_108 = arith.constant 0 : i32
    %dma_wait3A_109 = tpu.memref_slice %dma_wait3A_106[%dma_wait3A_96, %dma_wait3A_107, %dma_wait3A_108] : memref<4x2x128xi32, #tpu.memory_space<vmem>> -> memref<1x2x128xi32, #tpu.memory_space<vmem>>
    %dma_wait3A_110 = tpu.memref_squeeze %dma_wait3A_109 : memref<1x2x128xi32, #tpu.memory_space<vmem>> -> memref<2x128xi32, #tpu.memory_space<vmem>>
    %dma_wait3A_111 = arith.constant 0 : i32
    %dma_wait3A_112 = tpu.memref_slice %dma_wait3A_110[%dma_wait3A_97, %dma_wait3A_111] : memref<2x128xi32, #tpu.memory_space<vmem>> -> memref<1x128xi32, #tpu.memory_space<vmem>>
    %dma_wait3A_113 = tpu.memref_squeeze %dma_wait3A_112 : memref<1x128xi32, #tpu.memory_space<vmem>> -> memref<128xi32, #tpu.memory_space<vmem>>
    %dma_wait3A_114 = arith.constant 0 : i32
    %dma_wait3A_115 = arith.constant 0 : i32
    %dma_wait3A_116 = tpu.memref_slice %arg7[%dma_wait3A_114, %dma_wait3A_115] : memref<10256x128xf32, #tpu.memory_space<vmem_shared>> -> memref<10256x128xf32, #tpu.memory_space<vmem_shared>>
    tpu.wait_indirect_dma semaphore(%arg11 : memref<!tpu.dma_semaphore, #tpu.memory_space<semaphore_mem>>) src(%dma_wait3A_101 : memref<128x128xf32, #tpu.memory_space<vmem>>) dst(%dma_wait3A_116 : memref<10256x128xf32, #tpu.memory_space<vmem_shared>>)
    %barrier3A_117 = arith.constant 0 : index
    tpu.barrier barrier_id(%barrier3A_117)
    "tpu.region"() ({
      %run_scoped3A_123 = tpu.sem_alloc : memref<!tpu.dma_semaphore, #tpu.memory_space<semaphore_mem>>
      %dma_start3A_124 = arith.constant 0 : i32
      %dma_start3A_125 = arith.constant 0 : i32
      %dma_start3A_126 = tpu.memref_slice %arg4[%arg0, %dma_start3A_124, %dma_start3A_125] : memref<2x10256x128xf32, #tpu.memory_space<hbm>> -> memref<1x10256x128xf32, #tpu.memory_space<hbm>>
      %dma_start3A_127 = tpu.memref_squeeze %dma_start3A_126 : memref<1x10256x128xf32, #tpu.memory_space<hbm>> -> memref<10256x128xf32, #tpu.memory_space<hbm>>
      %dma_start3A_128 = arith.constant 0 : i32
      %dma_start3A_129 = tpu.memref_slice %dma_start3A_127[%mul3A_9, %dma_start3A_128] : memref<10256x128xf32, #tpu.memory_space<hbm>> -> memref<640x128xf32, #tpu.memory_space<hbm>>
      %dma_start3A_130 = arith.constant 0 : i32
      %dma_start3A_131 = tpu.memref_slice %arg7[%mul3A_9, %dma_start3A_130] : memref<10256x128xf32, #tpu.memory_space<vmem_shared>> -> memref<640x128xf32, #tpu.memory_space<vmem_shared>>
      tpu.enqueue_dma source(%dma_start3A_131 : memref<640x128xf32, #tpu.memory_space<vmem_shared>>) target(%dma_start3A_129 : memref<640x128xf32, #tpu.memory_space<hbm>>) target_semaphore(%run_scoped3A_123 : memref<!tpu.dma_semaphore, #tpu.memory_space<semaphore_mem>>)
      %dma_wait3A_132 = arith.constant 0 : i32
      %dma_wait3A_133 = arith.constant 0 : i32
      %dma_wait3A_134 = tpu.memref_slice %arg4[%arg0, %dma_wait3A_132, %dma_wait3A_133] : memref<2x10256x128xf32, #tpu.memory_space<hbm>> -> memref<1x10256x128xf32, #tpu.memory_space<hbm>>
      %dma_wait3A_135 = tpu.memref_squeeze %dma_wait3A_134 : memref<1x10256x128xf32, #tpu.memory_space<hbm>> -> memref<10256x128xf32, #tpu.memory_space<hbm>>
      %dma_wait3A_136 = arith.constant 0 : i32
      %dma_wait3A_137 = tpu.memref_slice %dma_wait3A_135[%mul3A_9, %dma_wait3A_136] : memref<10256x128xf32, #tpu.memory_space<hbm>> -> memref<640x128xf32, #tpu.memory_space<hbm>>
      %dma_wait3A_138 = arith.constant 0 : i32
      %dma_wait3A_139 = tpu.memref_slice %arg7[%mul3A_9, %dma_wait3A_138] : memref<10256x128xf32, #tpu.memory_space<vmem_shared>> -> memref<640x128xf32, #tpu.memory_space<vmem_shared>>
      tpu.wait_dma2 semaphore(%run_scoped3A_123 : memref<!tpu.dma_semaphore, #tpu.memory_space<semaphore_mem>>) src(%dma_wait3A_139 : memref<640x128xf32, #tpu.memory_space<vmem_shared>>) dst(%dma_wait3A_137 : memref<640x128xf32, #tpu.memory_space<hbm>>)
      tpu.yield
    }) : () -> ()
    %eq3A_118 = arith.constant 15 : i32
    %eq3A_119 = arith.cmpi eq, %arg1, %eq3A_118 : i32
    %convert_element_type3A_120 = arith.extui %eq3A_119 : i1 to i32
    %cond3A_121 = arith.constant 0 : i32
    %cond3A_122 = arith.cmpi ne, %convert_element_type3A_120, %cond3A_121 : i32
    scf.if %cond3A_122 {
      "tpu.region"() ({
        %run_scoped3A_123 = tpu.sem_alloc : memref<!tpu.dma_semaphore, #tpu.memory_space<semaphore_mem>>
        %dma_start3A_124 = arith.constant 0 : i32
        %dma_start3A_125 = arith.constant 0 : i32
        %dma_start3A_126 = tpu.memref_slice %arg4[%arg0, %dma_start3A_124, %dma_start3A_125] : memref<2x10256x128xf32, #tpu.memory_space<hbm>> -> memref<1x10256x128xf32, #tpu.memory_space<hbm>>
        %dma_start3A_127 = tpu.memref_squeeze %dma_start3A_126 : memref<1x10256x128xf32, #tpu.memory_space<hbm>> -> memref<10256x128xf32, #tpu.memory_space<hbm>>
        %dma_start3A_128 = arith.constant 10240 : i32
        %dma_start3A_129 = arith.constant 0 : i32
        %dma_start3A_130 = tpu.memref_slice %dma_start3A_127[%dma_start3A_128, %dma_start3A_129] : memref<10256x128xf32, #tpu.memory_space<hbm>> -> memref<16x128xf32, #tpu.memory_space<hbm>>
        %dma_start3A_131 = arith.constant 10240 : i32
        %dma_start3A_132 = arith.constant 0 : i32
        %dma_start3A_133 = tpu.memref_slice %arg7[%dma_start3A_131, %dma_start3A_132] : memref<10256x128xf32, #tpu.memory_space<vmem_shared>> -> memref<16x128xf32, #tpu.memory_space<vmem_shared>>
        tpu.enqueue_dma source(%dma_start3A_133 : memref<16x128xf32, #tpu.memory_space<vmem_shared>>) target(%dma_start3A_130 : memref<16x128xf32, #tpu.memory_space<hbm>>) target_semaphore(%run_scoped3A_123 : memref<!tpu.dma_semaphore, #tpu.memory_space<semaphore_mem>>)
        %dma_wait3A_134 = arith.constant 0 : i32
        %dma_wait3A_135 = arith.constant 0 : i32
        %dma_wait3A_136 = tpu.memref_slice %arg4[%arg0, %dma_wait3A_134, %dma_wait3A_135] : memref<2x10256x128xf32, #tpu.memory_space<hbm>> -> memref<1x10256x128xf32, #tpu.memory_space<hbm>>
        %dma_wait3A_137 = tpu.memref_squeeze %dma_wait3A_136 : memref<1x10256x128xf32, #tpu.memory_space<hbm>> -> memref<10256x128xf32, #tpu.memory_space<hbm>>
        %dma_wait3A_138 = arith.constant 10240 : i32
        %dma_wait3A_139 = arith.constant 0 : i32
        %dma_wait3A_140 = tpu.memref_slice %dma_wait3A_137[%dma_wait3A_138, %dma_wait3A_139] : memref<10256x128xf32, #tpu.memory_space<hbm>> -> memref<16x128xf32, #tpu.memory_space<hbm>>
        %dma_wait3A_141 = arith.constant 10240 : i32
        %dma_wait3A_142 = arith.constant 0 : i32
        %dma_wait3A_143 = tpu.memref_slice %arg7[%dma_wait3A_141, %dma_wait3A_142] : memref<10256x128xf32, #tpu.memory_space<vmem_shared>> -> memref<16x128xf32, #tpu.memory_space<vmem_shared>>
        tpu.wait_dma2 semaphore(%run_scoped3A_123 : memref<!tpu.dma_semaphore, #tpu.memory_space<semaphore_mem>>) src(%dma_wait3A_143 : memref<16x128xf32, #tpu.memory_space<vmem_shared>>) dst(%dma_wait3A_140 : memref<16x128xf32, #tpu.memory_space<hbm>>)
        tpu.yield
      }) : () -> ()
    } else {
    }
    return
  }
}

module attributes {stable_mosaic.version = 14 : i64} {
  func.func @_prep_body(%arg0: memref<32x10000xf32, #tpu.memory_space<vmem>>, %arg1: memref<10000x128xf32, #tpu.memory_space<vmem>>, %arg2: memref<128x128xf32, #tpu.memory_space<vmem>>, %arg3: memref<10000x128xf32, #tpu.memory_space<vmem>>, %arg4: memref<10000x1xf32, #tpu.memory_space<vmem>>) attributes {dimension_semantics = [], scalar_prefetch = 0 : i64, scratch_operands = 0 : i64, tpu.core_type = #tpu.core_type<tc>} {
    %get3A = arith.constant 0 : index
    %get3A_0 = arith.constant 0 : index
    %get3A_1 = vector.load %arg0[%get3A, %get3A_0] : memref<32x10000xf32, #tpu.memory_space<vmem>>, vector<32x10000xf32>
    %reduce_sum3A = arith.constant dense<0.000000e+00> : vector<10000xf32>
    %reduce_sum3A_2 = vector.multi_reduction <add>, %get3A_1, %reduce_sum3A [0] : vector<32x10000xf32> to vector<10000xf32>
    %add3A = arith.constant 1.000000e+00 : f32
    %add3A_3 = vector.broadcast %add3A : f32 to vector<10000xf32>
    %add3A_4 = arith.addf %reduce_sum3A_2, %add3A_3 : vector<10000xf32>
    %rsqrt3A = math.rsqrt %add3A_4 : vector<10000xf32>
    %get3A_5 = arith.constant 0 : index
    %get3A_6 = arith.constant 0 : index
    %get3A_7 = vector.load %arg1[%get3A_5, %get3A_6] : memref<10000x128xf32, #tpu.memory_space<vmem>>, vector<10000x128xf32>
    %get3A_8 = arith.constant 0 : index
    %get3A_9 = arith.constant 0 : index
    %get3A_10 = vector.load %arg2[%get3A_8, %get3A_9] : memref<128x128xf32, #tpu.memory_space<vmem>>, vector<128x128xf32>
    %dot_general3A = arith.constant dense<0.000000e+00> : vector<10000x128xf32>
    %dot_general3A_11 = tpu.matmul %get3A_7, %get3A_10, %dot_general3A {dimension_numbers = #tpu.dot_dimension_numbers<[1], [0], [0], [1], [0, 0, 1, 1], [], []>, transpose_lhs_hint = false} : vector<10000x128xf32>, vector<128x128xf32>, vector<10000x128xf32> -> vector<10000x128xf32>
    %broadcast_in_dim3A = vector.shape_cast %rsqrt3A : vector<10000xf32> to vector<10000x1xf32>
    %mul3A = vector.broadcast %broadcast_in_dim3A : vector<10000x1xf32> to vector<10000x128xf32>
    %mul3A_12 = arith.mulf %dot_general3A_11, %mul3A : vector<10000x128xf32>
    %swap3A = arith.constant 0 : index
    %swap3A_13 = arith.constant 0 : index
    %swap3A_14 = vector.load %arg3[%swap3A, %swap3A_13] : memref<10000x128xf32, #tpu.memory_space<vmem>>, vector<10000x128xf32>
    tpu.vector_store %arg3[%swap3A, %swap3A_13], %mul3A_12 {strides = array<i32>} : memref<10000x128xf32, #tpu.memory_space<vmem>>, vector<10000x128xf32>,
    %broadcast_in_dim3A_15 = vector.shape_cast %rsqrt3A : vector<10000xf32> to vector<10000x1xf32>
    %swap3A_16 = arith.constant 0 : index
    %swap3A_17 = arith.constant 0 : index
    %swap3A_18 = vector.load %arg4[%swap3A_16, %swap3A_17] : memref<10000x1xf32, #tpu.memory_space<vmem>>, vector<10000x1xf32>
    tpu.vector_store %arg4[%swap3A_16, %swap3A_17], %broadcast_in_dim3A_15 {strides = array<i32>} : memref<10000x1xf32, #tpu.memory_space<vmem>>, vector<10000x1xf32>,
    return
  }
}

module attributes {stable_mosaic.version = 14 : i64} {
  func.func @_final_body(%arg0: i32, %arg1: memref<2x2000x128xf32, #tpu.memory_space<vmem>>, %arg2: memref<2000x128xf32, #tpu.memory_space<vmem>>, %arg3: memref<2000x1xf32, #tpu.memory_space<vmem>>, %arg4: memref<1x128xf32, #tpu.memory_space<vmem>>, %arg5: memref<2000x128xf32, #tpu.memory_space<vmem>>) attributes {dimension_semantics = [#tpu.dimension_semantics<arbitrary>], iteration_bounds = array<i64: 5>, scalar_prefetch = 0 : i64, scratch_operands = 0 : i64, tpu.core_type = #tpu.core_type<tc>, window_params = [{transform_indices = @transform_0, window_bounds = array<i64: 2, 2000, 128>}, {transform_indices = @transform_1, window_bounds = array<i64: 2000, 128>}, {transform_indices = @transform_2, window_bounds = array<i64: 2000, 1>}, {pipeline_mode = #tpu.pipeline_mode<synchronous>, transform_indices = @transform_3, window_bounds = array<i64: 1, 128>}, {transform_indices = @transform_4, window_bounds = array<i64: 2000, 128>}]} {
    %get3A = arith.constant 0 : index
    %get3A_0 = arith.constant 0 : index
    %get3A_1 = arith.constant 0 : index
    %get3A_2 = vector.load %arg1[%get3A, %get3A_0, %get3A_1] : memref<2x2000x128xf32, #tpu.memory_space<vmem>>, vector<1x2000x128xf32>
    %get3A_3 = vector.shape_cast %get3A_2 : vector<1x2000x128xf32> to vector<2000x128xf32>
    %get3A_4 = arith.constant 1 : index
    %get3A_5 = arith.constant 0 : index
    %get3A_6 = arith.constant 0 : index
    %get3A_7 = vector.load %arg1[%get3A_4, %get3A_5, %get3A_6] : memref<2x2000x128xf32, #tpu.memory_space<vmem>>, vector<1x2000x128xf32>
    %get3A_8 = vector.shape_cast %get3A_7 : vector<1x2000x128xf32> to vector<2000x128xf32>
    %add3A = arith.addf %get3A_3, %get3A_8 : vector<2000x128xf32>
    %get3A_9 = arith.constant 0 : index
    %get3A_10 = arith.constant 0 : index
    %get3A_11 = vector.load %arg2[%get3A_9, %get3A_10] : memref<2000x128xf32, #tpu.memory_space<vmem>>, vector<2000x128xf32>
    %add3A_12 = arith.addf %add3A, %get3A_11 : vector<2000x128xf32>
    %get3A_13 = arith.constant 0 : index
    %get3A_14 = arith.constant 0 : index
    %get3A_15 = vector.load %arg3[%get3A_13, %get3A_14] : memref<2000x1xf32, #tpu.memory_space<vmem>>, vector<2000x1xf32>
    %mul3A = vector.broadcast %get3A_15 : vector<2000x1xf32> to vector<2000x128xf32>
    %mul3A_16 = arith.mulf %add3A_12, %mul3A : vector<2000x128xf32>
    %get3A_17 = arith.constant 0 : index
    %get3A_18 = arith.constant 0 : index
    %get3A_19 = vector.load %arg4[%get3A_17, %get3A_18] : memref<1x128xf32, #tpu.memory_space<vmem>>, vector<1x128xf32>
    %add3A_20 = vector.broadcast %get3A_19 : vector<1x128xf32> to vector<2000x128xf32>
    %add3A_21 = arith.addf %mul3A_16, %add3A_20 : vector<2000x128xf32>
    %reduce_max3A = arith.constant dense<0xFF800000> : vector<2000xf32>
    %reduce_max3A_22 = vector.multi_reduction <maximumf>, %add3A_21, %reduce_max3A [1] : vector<2000x128xf32> to vector<2000xf32>
    %broadcast_in_dim3A = vector.shape_cast %reduce_max3A_22 : vector<2000xf32> to vector<2000x1xf32>
    %sub3A = vector.broadcast %broadcast_in_dim3A : vector<2000x1xf32> to vector<2000x128xf32>
    %sub3A_23 = arith.subf %add3A_21, %sub3A : vector<2000x128xf32>
    %exp3A = math.exp %sub3A_23 : vector<2000x128xf32>
    %reduce_sum3A = arith.constant dense<0.000000e+00> : vector<2000xf32>
    %reduce_sum3A_24 = vector.multi_reduction <add>, %exp3A, %reduce_sum3A [1] : vector<2000x128xf32> to vector<2000xf32>
    %broadcast_in_dim3A_25 = vector.shape_cast %reduce_sum3A_24 : vector<2000xf32> to vector<2000x1xf32>
    %log3A = math.log %broadcast_in_dim3A_25 : vector<2000x1xf32>
    %sub3A_26 = vector.broadcast %log3A : vector<2000x1xf32> to vector<2000x128xf32>
    %sub3A_27 = arith.subf %sub3A_23, %sub3A_26 : vector<2000x128xf32>
    %swap3A = arith.constant 0 : index
    %swap3A_28 = arith.constant 0 : index
    %swap3A_29 = vector.load %arg5[%swap3A, %swap3A_28] : memref<2000x128xf32, #tpu.memory_space<vmem>>, vector<2000x128xf32>
    tpu.vector_store %arg5[%swap3A, %swap3A_28], %sub3A_27 {strides = array<i32>} : memref<2000x128xf32, #tpu.memory_space<vmem>>, vector<2000x128xf32>,
    return
  }
  func.func @transform_0(%arg0: i32) -> (i32, i32, i32) {
    %c0_i32 = arith.constant 0 : i32
    %c0_i32_0 = arith.constant 0 : i32
    %c0_i32_1 = arith.constant 0 : i32
    return %c0_i32, %arg0, %c0_i32_0 : i32, i32, i32
  }
  func.func @transform_1(%arg0: i32) -> (i32, i32) {
    %c0_i32 = arith.constant 0 : i32
    %c0_i32_0 = arith.constant 0 : i32
    return %arg0, %c0_i32 : i32, i32
  }
  func.func @transform_2(%arg0: i32) -> (i32, i32) {
    %c0_i32 = arith.constant 0 : i32
    %c0_i32_0 = arith.constant 0 : i32
    return %arg0, %c0_i32 : i32, i32
  }
  func.func @transform_3(%arg0: i32) -> (i32, i32) {
    %c0_i32 = arith.constant 0 : i32
    %c0_i32_0 = arith.constant 0 : i32
    %c0_i32_1 = arith.constant 0 : i32
    return %c0_i32, %c0_i32_0 : i32, i32
  }
  func.func @transform_4(%arg0: i32) -> (i32, i32) {
    %c0_i32 = arith.constant 0 : i32
    %c0_i32_0 = arith.constant 0 : i32
    return %arg0, %c0_i32 : i32, i32
  }
}

</mosaic_0001>

<sc_bundles>
// kernel: kernel.6.cloned.1.call-start
scs
__scs_entry_jumppad:
0x0: {  	(pc) =	sbr.rel $0x88, $3  }
0x1: {  	(tag) =	ssettag $0x0;
	lr =	simm.s32 $0x1  }
0x2: {  	[smem:$0x3F9D] =	sst lr;
	_ =	strace $0xD0000000  }
0x3: {  	_ = 	snop  }
0x4: {  	_ = 	snop  }
0x5: {  	_ = 	snop  }
0x6: {  	_ = 	snop  }
0x7: {  	_ = 	snop  }
__scs_overlays_trampoline_lowered:
0x8: {  	[smem:$0x3FAC] =	sst s0  }
0x9: {  	[smem:$0x3FAD] =	sst s1  }
0xa: {  	[smem:$0x3FAE] =	sst s2  }
0xb: {  	[smem:$0x3FAF] =	sst s3  }
0xc: {  	[smem:$0x3FB0] =	sst s4  }
0xd: {  	[smem:$0x3FB1] =	sst s5  }
0xe: {  	[smem:$0x3FB2] =	sst s6  }
0xf: {  	[smem:$0x3FB3] =	sst s7  }
0x10: {  	[smem:$0x3FB4] =	sst s8  }
0x11: {  	[smem:$0x3FB5] =	sst s9;
	s0 =	simm.s32 @!p0 $0x0  }
0x12: {  	s1 =	sld [smem:$0x3F9B];
	s0 =	simm.s32 @p0 $0x1  }
0x13: {  	[smem:$0x3FB6] =	sst s0;
	s0 =	simm.s32 @!p1 $0x0  }
0x14: {  	s2 =	sld [smem:$0x3F9A];
	s0 =	simm.s32 @p1 $0x1  }
0x15: {  	[smem:$0x3FB7] =	sst s0;
	s0 =	simm.s32 @!p2 $0x0  }
0x16: {  	s3 =	sld [smem:$0x3FDB];
	s0 =	simm.s32 @p2 $0x1  }
0x17: {  	s4 =	simm.s32 $0x1BF5;
	[smem:$0x3FB9] =	sst s0  }
0x18: {  	s0 =	sld [smem:$0x3F9C];
	_ =	swait.ge [sflag:s4], $0x0  }
0x19: {  	s7 =	sld [smem:$0x3F9D]  }
0x1a: {  	s8 =	sadd.s32 $0xFFFFE003, lr  }
0x1b: {  	s9 =	sadd.s32 $0xFFFFFEF7, lr;
	s5 =	simm.s32 $0xFFFFFFFF;
	p2 =	slt.u32 s8, $0xFFFFF086  }
0x1c: {  	p1 =	slt.u32 s9, $0xF7A;
	s5 =	simm.s32 @!p2 $0x0  }
0x1d: {  	s5 =	simm.s32 @p1 $0x1;
	p0 =	seq.s32 s7, s2  }
0x1e: {  	s7 =	smul.u32 @!p0 $0xF7A, s2;
	p2 =	seq.s32 @!p0 s5, $0x0  }
0x1f: {  	s9 =	smul.u32 $0xF7A, s1;
	s8 =	simm.s32 @!p0 $0x1BF5;
	p2 =	por !p2, p0  }
0x20: {  	[sflag:s8] =	ssyncset.s32 @!p0 $0xFFFFF086;
	s6 =	sadd.s32 @!p0 s3, s7;
	s7 =	simm.s32 @!p0 $0x108  }
0x21: {  	s3 =	sadd.s32 s3, s9;
	s6 =	sadd.s32 @!p0 $0x88, s6;
	s7 =	simm.s32 @p2 $0x1082  }
0x22: {  	[simem:s7], [sflag:s8] =	dma.local @!p0 [hbm:s6], $0xF7A  }
0x23: {  	s9 =	sor.u32 $0xD0000000, s2;
	s6 =	simm.s32 $0x108;
	_ =	swait.ge @!p0 [sflag:s8], $0x0  }
0x24: {  	s3 =	sadd.s32 $0x88, s3;
	s6 =	simm.s32 @!p1 $0x1082;
	[sflag:s4] =	ssyncset.s32 $0xFFFFF086  }
0x25: {  	[simem:s6], [sflag:s4] =	dma.local [hbm:s3], $0xF7A  }
0x26: {  	[smem:$0x3F9D] =	sst s1;
	(tag) =	ssettag s2;
	_ =	strace s9  }
0x27: {  	s1 =	sld [smem:$0x3FAD]  }
0x28: {  	s2 =	sld [smem:$0x3FAE]  }
0x29: {  	s4 =	sld [smem:$0x3FB0]  }
0x2a: {  	p0 =	seq.s32 s5, $0x0;
	s5 =	sld [smem:$0x3FB1]  }
0x2b: {  	s6 =	sld [smem:$0x3FB2]  }
0x2c: {  	s7 =	sld [smem:$0x3FB3]  }
0x2d: {  	s3 =	simm.s32 $0x108;
	s8 =	sld [smem:$0x3FB4]  }
0x2e: {  	s3 =	simm.s32 @!p0 $0x1082;
	s9 =	sld [smem:$0x3FB5]  }
0x2f: {  	lr =	sadd.s32 s0, s3;
	s0 =	sld [smem:$0x3FAC]  }
0x30: {  	s3 =	sld [smem:$0x3FAF]  }
0x31: {  	[smem:$0x3FB8] =	sst s10  }
0x32: {  	s10 =	sld [smem:$0x3FB6];
	_ =	sdelay $0x3  }
0x33: {  	p0 =	seq.s32 s10, $0x1;
	s10 =	sld [smem:$0x3FB8];
	_ =	sdelay $0x3  }
0x34: {  	[smem:$0x3FB8] =	sst s10  }
0x35: {  	s10 =	sld [smem:$0x3FB7];
	_ =	sdelay $0x3  }
0x36: {  	p1 =	seq.s32 s10, $0x1;
	s10 =	sld [smem:$0x3FB8];
	_ =	sdelay $0x3  }
0x37: {  	[smem:$0x3FB8] =	sst s10  }
0x38: {  	s10 =	sld [smem:$0x3FB9]  }
0x39: {  	_ = 	snop;
	(pc) =	sbr.ind lr, $3  }
0x3a: {  	_ = 	snop  }
0x3b: {  	_ = 	snop  }
0x3c: {  	p2 =	seq.s32 s10, $0x1;
	s10 =	sld [smem:$0x3FB8]  }
0x3d: {  	_ =	shalt  }
0x3e: {  	_ =	shalt  }
0x3f: {  	_ =	shalt  }
0x40: {  	_ =	shalt  }
0x41: {  	_ =	shalt  }
0x42: {  	_ =	shalt  }
0x43: {  	_ =	shalt  }
0x44: {  	_ =	shalt  }
0x45: {  	_ =	shalt  }
0x46: {  	_ =	shalt  }
0x47: {  	_ =	shalt  }
0x48: {  	_ =	shalt  }
0x49: {  	_ =	shalt  }
0x4a: {  	_ =	shalt  }
0x4b: {  	_ =	shalt  }
0x4c: {  	_ =	shalt  }
0x4d: {  	_ =	shalt  }
0x4e: {  	_ =	shalt  }
0x4f: {  	_ =	shalt  }
0x50: {  	_ =	shalt  }
0x51: {  	_ =	shalt  }
0x52: {  	_ =	shalt  }
0x53: {  	_ =	shalt  }
0x54: {  	_ =	shalt  }
0x55: {  	_ =	shalt  }
0x56: {  	_ =	shalt  }
0x57: {  	_ =	shalt  }
0x58: {  	_ =	shalt  }
0x59: {  	_ =	shalt  }
0x5a: {  	_ =	shalt  }
0x5b: {  	_ =	shalt  }
0x5c: {  	_ =	shalt  }
0x5d: {  	_ =	shalt  }
0x5e: {  	_ =	shalt  }
0x5f: {  	_ =	shalt  }
0x60: {  	_ =	shalt  }
0x61: {  	_ =	shalt  }
0x62: {  	_ =	shalt  }
0x63: {  	_ =	shalt  }
0x64: {  	_ =	shalt  }
0x65: {  	_ =	shalt  }
0x66: {  	_ =	shalt  }
0x67: {  	_ =	shalt  }
0x68: {  	_ =	shalt  }
0x69: {  	_ =	shalt  }
0x6a: {  	_ =	shalt  }
0x6b: {  	_ =	shalt  }
0x6c: {  	_ =	shalt  }
0x6d: {  	_ =	shalt  }
0x6e: {  	_ =	shalt  }
0x6f: {  	_ =	shalt  }
0x70: {  	_ =	shalt  }
0x71: {  	_ =	shalt  }
0x72: {  	_ =	shalt  }
0x73: {  	_ =	shalt  }
0x74: {  	_ =	shalt  }
0x75: {  	_ =	shalt  }
0x76: {  	_ =	shalt  }
0x77: {  	_ =	shalt  }
0x78: {  	_ =	shalt  }
0x79: {  	_ =	shalt  }
0x7a: {  	_ =	shalt  }
0x7b: {  	_ =	shalt  }
0x7c: {  	_ =	shalt  }
0x7d: {  	_ =	shalt  }
0x7e: {  	_ =	shalt  }
0x7f: {  	_ =	shalt  }
0x80: {  	_ =	shalt  }
0x81: {  	_ =	shalt  }
0x82: {  	_ =	shalt  }
0x83: {  	_ =	shalt  }
0x84: {  	_ =	shalt  }
0x85: {  	_ =	shalt  }
0x86: {  	_ =	shalt  }
0x87: {  	_ =	shalt  }
.Lfunc_end0:
.L_simem_size_0:
called_computation_lowered:
.L_overlay_start_0:
0x88: {  	s2 =	sld [smem:$0x3FD9]  }
0x89: {  	s3 =	sld [smem:$0x3FFE];
	_ =	sdelay $0x1  }
0x8a: {  	s1 =	srdreg.scid  }
0x8b: {  	s0 =	sand.u32 $0x1, s1  }
0x8c: {  	s17 =	sshll.u32 s0, $0xA;
	s2 =	sadd.s32 s3, s2  }
0x8d: {  	s2 =	sadd.s32 s2, s17  }
0x8e: {  	[smem:$0x3FC4] =	sst s2  }
0x8f: {  	_ = 	snop  }
0x90: {  	s2 =	sld [smem:$0x3FD0];
	(tm) =	ssettm $0x1  }
0x91: {  	s18 =	sld [smem:$0x3FFB];
	_ =	sdelay $0x3  }
0x92: {  	_ =	strace s18  }
0x93: {  	s3 =	sld [smem:$0x3FFC];
	_ =	sdelay $0x3  }
0x94: {  	_ =	strace s3  }
0x95: {  	s3 =	sld [smem:$0x3FFD];
	_ =	sdelay $0x3  }
0x96: {  	_ =	strace s3  }
0x97: {  	_ =	strace $0x8FFFFFFF  }
0x98: {  	s19 =	sld [smem:$0x3FDB];
	_ =	sdelay $0x1  }
0x99: {  	s4 =	simm.s32 $_scs_section_size  }
0x9a: {  	s5 =	simm.s32 $_size__tile_overlayer_lowered;
	s6 =	simm.s32 $_tile_overlayer_lowered  }
0x9b: {  	s22 =	simm.s32 $0x1BFF;
	s21 =	sshll.u32 s6, $0x1;
	s3 =	sadd.s32 s4, s19  }
0x9c: {  	s7 =	simm.s32 $0x0;
	s20 =	sshll.u32 s5, $0x1;
	s5 =	sadd.s32 s21, s3  }
0x9d: {  	[timem:s7], [sflag:s22] =	dma.local [hbm:s5], s20  }
0x9e: {  	_ =	swait.ge [sflag:s22], s20  }
0x9f: {  	s4 =	ssub.s32 $0x0, s20;
	[sflag:s22] =	ssyncset.done $0x0  }
0xa0: {  	[sflag:s22] =	ssyncadd.s32 s4;
	_ =	sdelay $0x1  }
0xa1: {  	s23 =	simm.s32 $0x1B8B  }
0xa2: {  	_ =	swait.ge [sflag:s23], $0x1  }
0xa3: {  	[sflag:s23] =	ssyncset.done $0x0  }
0xa4: {  	s25 =	simm.s32 $0x1B8E;
	s24 =	sld [smem:$0x3FFE];
	[sflag:s23] =	ssyncadd.s32 $0xFFFFFFFF  }
0xa5: {  	s26 =	simm.s32 $execute0_lowered;
	[smem:$0x3FD2] =	sst s25  }
0xa6: {  	s5 =	sshll.u32 s26, $0x1;
	_ =	strace $0x80000046;
	[dreg:$0x1] =	wrdreg $0xFFFFFFFF  }
0xa7: {  	s28 =	simm.s32 $_size_execute0_lowered;
	s3 =	sadd.s32 s3, s5;
	[dreg:$0x0] =	wrdreg $0x0  }
0xa8: {  	s5 =	sshll.u32 s28, $0x1;
	[dreg:$0x2] =	wrdreg s3  }
0xa9: {  	[dreg:$0x3] =	wrdreg s5  }
0xaa: {  	[dreg:$0x4] =	wrdreg $0xC0  }
0xab: {  	_ =	task [dreg:s7], $0x5FFFF  }
0xac: {  	[dreg:$0x1] =	wrdreg $0xFFFFFFFF  }
0xad: {  	[dreg:$0x0] =	wrdreg $0x60  }
0xae: {  	[dreg:$0x2] =	wrdreg s2  }
0xaf: {  	[dreg:$0x3] =	wrdreg s24  }
0xb0: {  	[dreg:$0x4] =	wrdreg $0x9  }
0xb1: {  	_ =	task.clear_ibuf [dreg:s7], $0x5FFFF;
	_ =	strace $0x90000046  }
0xb2: {  	s29 =	simm.s32 $0x9;
	_ =	strace $0x80000048  }
0xb3: {  	_ =	swait.ge [sflag:s29], $0x1  }
0xb4: {  	[sflag:s29] =	ssyncadd.s32 $0xFFFFFFFF  }
0xb5: {  	_ =	strace $0x90000048  }
0xb6: {  	_ =	sfence  }
0xb7: {  	s30 =	sld [smem:$0x0];
	_ =	sdelay $0x2  }
0xb8: {  	s31 =	sshll.u32 s1, $0xD;
	s1 =	sshrl.u32 s1, $0x2  }
0xb9: {  	s3 =	sand.u32 $0x4000, s31;
	s1 =	sadd.s32 s1, s30  }
0xba: {  	s0 =	sor.u32 s3, s0;
	s1 =	sshll.u32 s1, $0x11  }
0xbb: {  	s0 =	sor.u32 s1, s0  }
0xbc: {  	s0 =	sadd.s32 $0x8F2B, s0  }
0xbd: {  	[sflag:s0] =	ssyncadd.remote.s32 $0x1  }
0xbe: {  	_ =	sfence.sel $0xFFFF  }
0xbf: {  	[dreg:$0x0] =	wrdreg $0xFFFFFFFF;
	(pc) =	sbr.abs _section_cstart, $3  }
0xc0: {  	[dreg:$0x1] =	wrdreg $0xFFFFFFFF  }
0xc1: {  	_ =	task.clear_ibuf [dreg:s7], $0x2FFFF;
	_ =	strace $0x9FFFFFFF  }
0xc2: {  	(tm) =	ssettm $0x7FFFFFFF  }
0xc3: {  	_ =	shalt  }
tec
execute0_lowered:
.L_overlay_start_1:
0x0: {  	(tag) =	ssettag $0x1  }
0x1: {  	s0 =	srdreg.scid  }
0x2: {  	s3 =	sand.u32 $0x1, s0  }
0x3: {  	s4 =	rddreg [dreg:$0x0];
	s0 =	stileid.u32;
	s1 =	sshll.u32 s3, $0x4  }
0x4: {  	s6 =	rddreg [dreg:$0x1];
	s2 =	simm.s32 $0x0;
	s1 =	sor.u32 s0, s1  }
0x5: {  	s8 =	simm.s32 $0x1;
	s9 =	simm.s32 $0x2780;
	s1 =	sshrl.u32 s1, $0x3  }
0x6: {  	s10 =	simm.s32 $0x0;
	s30 =	sshll.u32 s0, $0x7;
	s5 =	smul.u32 $0x13C00, s1  }
0x7: {  	[smem:$0x7FF] =	sst s2;
	s3 =	ssub.s32 $0x2, s3;
	s7 =	sand.u32 $0x380, s30  }
0x8: {  	s31 =	sshrl.u32 s3, $0x1;
	s1 =	rddreg [dreg:$0x2];
	s5 =	sor.u32 s7, s5  }
0x9: {  	_ =	strace $0x80000047;
	s7 =	ssub.s32 s3, s31;
	s5 =	sshrl.u32 s5, $0x3  }
0xa: {  	s6 =	sadd.s32 s5, s6;
	s3 =	sadd.s32 s4, s5;
	s5 =	smax.u32 s7, $0x1  }
0xb: {  	v0 =	vimm.f32 $0.0e+00;
	v1 =	vimm.f32 $1.000000000e+00;
	s7 =	simm.s32 $0x400;
	s4 =	sadd.s32 $0x1E00, s6;
	s6 =	simm.s32 $0x80  }
.LBB2_1:
0xc: {  	[tilespmem:s2], [sflag:$0x1] =	stream.strided.gather [hbm4b:s3+s6], $0x2780, s7, s6, $0x38;
	[tilespmem:$0x4F00] =	vst v63  }
0xd: {  	_ =	swait.ge [sflag:s8], $0x2780  }
0xe: {  	[sflag:s8] =	ssyncset.done $0x0  }
0xf: {  	s11 =	simm.s32 $0x27C0;
	[sflag:s8] =	ssyncadd.s32 $0xFFFFD880  }
0x10: {  	[tilespmem:s11+$0xFFFFFFC0] =	vst v0  }
0x11: {  	[tilespmem:s11+$0x30] =	vst v0  }
0x12: {  	[tilespmem:s11+$0x20] =	vst v0  }
0x13: {  	[tilespmem:s11+$0x10] =	vst v0  }
0x14: {  	[tilespmem:s11+$0x0] =	vst v0  }
0x15: {  	[tilespmem:s11+$0xFFFFFFF0] =	vst v0  }
0x16: {  	s12 =	simm.s32 $0x0;
	[tilespmem:s11+$0xFFFFFFE0] =	vst v0  }
.LBB2_2:
0x17: {  	s12 =	sadd.s32 $0x8, s12;
	[tilespmem:s11+$0xFFFFFFD0] =	vst v0;
	s11 =	sadd.s32 $0x80, s11  }
0x18: {  	[tilespmem:s11+$0xFFFFFFC0] =	vst v0;
	p0 =	slt.u32 s12, $0x268  }
0x19: {  	[tilespmem:s11+$0x30] =	vst v0  }
.Ltmp0:
0x1a: {  	[tilespmem:s11+$0x20] =	vst v0;
	(pc) =	sbr.rel @p0 .LBB2_2-.Ltmp0, $4  }
0x1b: {  	[tilespmem:s11+$0x10] =	vst v0  }
0x1c: {  	[tilespmem:s11+$0x0] =	vst v0  }
0x1d: {  	[tilespmem:s11+$0xFFFFFFF0] =	vst v0  }
0x1e: {  	[tilespmem:s11+$0xFFFFFFE0] =	vst v0  }
0x1f: {  	[tilespmem:s11+$0xFFFFFFD0] =	vst v0  }
0x20: {  	s11 =	simm.s32 $0xFFFFFFFC;
	s12 =	simm.s32 $0x20;
	[tilespmem:$0x4E80] =	vst v0  }
.LBB2_4:
0x21: {  	v2 =	vld [tilespmem:s12+$0xFFFFFFE0];
	_ =	sdelay $0x7  }
0x22: {  	[tilespmem:v2+s9+$0x0] =	vst.idx.add.f32.msk $0xffff, v1  }
0x23: {  	v2 =	vld [tilespmem:s12+$0xFFFFFFF0];
	_ =	sdelay $0x7  }
0x24: {  	[tilespmem:v2+s9+$0x0] =	vst.idx.add.f32.msk $0xffff, v1  }
0x25: {  	v2 =	vld [tilespmem:s12+$0x0];
	_ =	sdelay $0x7  }
0x26: {  	[tilespmem:v2+s9+$0x0] =	vst.idx.add.f32.msk $0xffff, v1  }
0x27: {  	v2 =	vld [tilespmem:s12+$0x10];
	_ =	sdelay $0x1  }
0x28: {  	s11 =	sadd.s32 $0x4, s11  }
0x29: {  	p0 =	slt.u32 s11, $0x26C  }
.Ltmp1:
0x2a: {  	_ = 	snop;
	(pc) =	sbr.rel @p0 .LBB2_4-.Ltmp1, $2  }
0x2b: {  	_ =	sdelay $0x2  }
0x2c: {  	s12 =	sadd.s32 $0x40, s12;
	[tilespmem:v2+s9+$0x0] =	vst.idx.add.f32.msk $0xffff, v1  }
0x2d: {  	v2 =	vld [tilespmem:$0x2700];
	_ =	sdelay $0x5  }
0x2e: {  	s10 =	sadd.s32 $0x1, s10  }
0x2f: {  	p0 =	sne.s32 s10, s5  }
.Ltmp2:
0x30: {  	[tilespmem:v2+s9+$0x0] =	vst.idx.add.f32.msk $0xffff, v1;
	(pc) =	sbr.rel @p0 .LBB2_1-.Ltmp2, $4  }
0x31: {  	[hbm4b:s4+s6] =	stream.strided.scatter [tilespmem:s9], [sflag:$0x1], $0x2780, s7, s6, $0x38;
	[tilespmem:$0x4F00] =	vst v63  }
0x32: {  	_ =	swait.ge [sflag:s8], $0x2780  }
0x33: {  	[sflag:s8] =	ssyncset.done $0x0  }
0x34: {  	[sflag:s8] =	ssyncadd.s32 $0xFFFFD880  }
0x35: {  	_ =	sfence.sel $0x180000  }
0x36: {  	[bflag:$0x0] =	sbarrier.arrive $0xFFFF  }
0x37: {  	p0 =	sne.s32 s0, $0x0;
	_ =	strace $0x90000047  }
0x38: {  	s0 =	sadd.s32 @!p0 $0x100000, s1;
	[bflag:$0x2] =	sbarrier.arrive $0xFFFF  }
0x39: {  	[sflag:s0] =	ssyncadd.tile.s32 @!p0 $0x1;
	_ =	shalt  }
.Lfunc_end2:
_tile_overlayer_lowered:
.L_overlay_start_2:
0x3a: {  	(tag) =	ssettag $0x2  }
0x3b: {  	s0 =	rddreg [dreg:$0x0];
	s2 =	stileid.u32  }
0x3c: {  	s1 =	rddreg [dreg:$0x1];
	p0 =	sne.s32 s2, $0x0  }
0x3d: {  	s3 =	rddreg [dreg:$0x2];
	[bflag:$0x3] =	sbarrier.arrive $0xFFFF;
	s2 =	simm.s32 @!p0 $0x1C01  }
0x3e: {  	[timem:s3], [sflag:s2] =	dma.local @!p0 [hbm:s0], s1  }
0x3f: {  	s0 =	simm.s32 @!p0 $0x1  }
0x40: {  	_ =	swait.ge @!p0 [sflag:s0], s1  }
0x41: {  	s1 =	ssub.s32 @!p0 $0x0, s1;
	[sflag:s0] =	ssyncset.done @!p0 $0x0  }
0x42: {  	[sflag:s0] =	ssyncadd.s32 @!p0 s1  }
0x43: {  	[bflag:$0x3] =	sbarrier.arrive $0xFFFF  }
0x44: {  	_ =	shalt  }

// kernel: kernel.9.cloned.1.call-start
scs
__scs_entry_jumppad:
0x0: {  	(pc) =	sbr.rel $0x88, $3  }
0x1: {  	(tag) =	ssettag $0x0;
	lr =	simm.s32 $0x1  }
0x2: {  	[smem:$0x3F9D] =	sst lr;
	_ =	strace $0xD0000000  }
0x3: {  	_ = 	snop  }
0x4: {  	_ = 	snop  }
0x5: {  	_ = 	snop  }
0x6: {  	_ = 	snop  }
0x7: {  	_ = 	snop  }
__scs_overlays_trampoline_lowered:
0x8: {  	[smem:$0x3FAC] =	sst s0  }
0x9: {  	[smem:$0x3FAD] =	sst s1  }
0xa: {  	[smem:$0x3FAE] =	sst s2  }
0xb: {  	[smem:$0x3FAF] =	sst s3  }
0xc: {  	[smem:$0x3FB0] =	sst s4  }
0xd: {  	[smem:$0x3FB1] =	sst s5  }
0xe: {  	[smem:$0x3FB2] =	sst s6  }
0xf: {  	[smem:$0x3FB3] =	sst s7  }
0x10: {  	[smem:$0x3FB4] =	sst s8  }
0x11: {  	[smem:$0x3FB5] =	sst s9;
	s0 =	simm.s32 @!p0 $0x0  }
0x12: {  	s1 =	sld [smem:$0x3F9B];
	s0 =	simm.s32 @p0 $0x1  }
0x13: {  	[smem:$0x3FB6] =	sst s0;
	s0 =	simm.s32 @!p1 $0x0  }
0x14: {  	s2 =	sld [smem:$0x3F9A];
	s0 =	simm.s32 @p1 $0x1  }
0x15: {  	[smem:$0x3FB7] =	sst s0;
	s0 =	simm.s32 @!p2 $0x0  }
0x16: {  	s3 =	sld [smem:$0x3FDB];
	s0 =	simm.s32 @p2 $0x1  }
0x17: {  	s4 =	simm.s32 $0x1BF5;
	[smem:$0x3FB9] =	sst s0  }
0x18: {  	s0 =	sld [smem:$0x3F9C];
	_ =	swait.ge [sflag:s4], $0x0  }
0x19: {  	s7 =	sld [smem:$0x3F9D]  }
0x1a: {  	s8 =	sadd.s32 $0xFFFFE003, lr  }
0x1b: {  	s9 =	sadd.s32 $0xFFFFFEF7, lr;
	s5 =	simm.s32 $0xFFFFFFFF;
	p2 =	slt.u32 s8, $0xFFFFF086  }
0x1c: {  	p1 =	slt.u32 s9, $0xF7A;
	s5 =	simm.s32 @!p2 $0x0  }
0x1d: {  	s5 =	simm.s32 @p1 $0x1;
	p0 =	seq.s32 s7, s2  }
0x1e: {  	s7 =	smul.u32 @!p0 $0xF7A, s2;
	p2 =	seq.s32 @!p0 s5, $0x0  }
0x1f: {  	s9 =	smul.u32 $0xF7A, s1;
	s8 =	simm.s32 @!p0 $0x1BF5;
	p2 =	por !p2, p0  }
0x20: {  	[sflag:s8] =	ssyncset.s32 @!p0 $0xFFFFF086;
	s6 =	sadd.s32 @!p0 s3, s7;
	s7 =	simm.s32 @!p0 $0x108  }
0x21: {  	s3 =	sadd.s32 s3, s9;
	s6 =	sadd.s32 @!p0 $0x88, s6;
	s7 =	simm.s32 @p2 $0x1082  }
0x22: {  	[simem:s7], [sflag:s8] =	dma.local @!p0 [hbm:s6], $0xF7A  }
0x23: {  	s9 =	sor.u32 $0xD0000000, s2;
	s6 =	simm.s32 $0x108;
	_ =	swait.ge @!p0 [sflag:s8], $0x0  }
0x24: {  	s3 =	sadd.s32 $0x88, s3;
	s6 =	simm.s32 @!p1 $0x1082;
	[sflag:s4] =	ssyncset.s32 $0xFFFFF086  }
0x25: {  	[simem:s6], [sflag:s4] =	dma.local [hbm:s3], $0xF7A  }
0x26: {  	[smem:$0x3F9D] =	sst s1;
	(tag) =	ssettag s2;
	_ =	strace s9  }
0x27: {  	s1 =	sld [smem:$0x3FAD]  }
0x28: {  	s2 =	sld [smem:$0x3FAE]  }
0x29: {  	s4 =	sld [smem:$0x3FB0]  }
0x2a: {  	p0 =	seq.s32 s5, $0x0;
	s5 =	sld [smem:$0x3FB1]  }
0x2b: {  	s6 =	sld [smem:$0x3FB2]  }
0x2c: {  	s7 =	sld [smem:$0x3FB3]  }
0x2d: {  	s3 =	simm.s32 $0x108;
	s8 =	sld [smem:$0x3FB4]  }
0x2e: {  	s3 =	simm.s32 @!p0 $0x1082;
	s9 =	sld [smem:$0x3FB5]  }
0x2f: {  	lr =	sadd.s32 s0, s3;
	s0 =	sld [smem:$0x3FAC]  }
0x30: {  	s3 =	sld [smem:$0x3FAF]  }
0x31: {  	[smem:$0x3FB8] =	sst s10  }
0x32: {  	s10 =	sld [smem:$0x3FB6];
	_ =	sdelay $0x3  }
0x33: {  	p0 =	seq.s32 s10, $0x1;
	s10 =	sld [smem:$0x3FB8];
	_ =	sdelay $0x3  }
0x34: {  	[smem:$0x3FB8] =	sst s10  }
0x35: {  	s10 =	sld [smem:$0x3FB7];
	_ =	sdelay $0x3  }
0x36: {  	p1 =	seq.s32 s10, $0x1;
	s10 =	sld [smem:$0x3FB8];
	_ =	sdelay $0x3  }
0x37: {  	[smem:$0x3FB8] =	sst s10  }
0x38: {  	s10 =	sld [smem:$0x3FB9]  }
0x39: {  	_ = 	snop;
	(pc) =	sbr.ind lr, $3  }
0x3a: {  	_ = 	snop  }
0x3b: {  	_ = 	snop  }
0x3c: {  	p2 =	seq.s32 s10, $0x1;
	s10 =	sld [smem:$0x3FB8]  }
0x3d: {  	_ =	shalt  }
0x3e: {  	_ =	shalt  }
0x3f: {  	_ =	shalt  }
0x40: {  	_ =	shalt  }
0x41: {  	_ =	shalt  }
0x42: {  	_ =	shalt  }
0x43: {  	_ =	shalt  }
0x44: {  	_ =	shalt  }
0x45: {  	_ =	shalt  }
0x46: {  	_ =	shalt  }
0x47: {  	_ =	shalt  }
0x48: {  	_ =	shalt  }
0x49: {  	_ =	shalt  }
0x4a: {  	_ =	shalt  }
0x4b: {  	_ =	shalt  }
0x4c: {  	_ =	shalt  }
0x4d: {  	_ =	shalt  }
0x4e: {  	_ =	shalt  }
0x4f: {  	_ =	shalt  }
0x50: {  	_ =	shalt  }
0x51: {  	_ =	shalt  }
0x52: {  	_ =	shalt  }
0x53: {  	_ =	shalt  }
0x54: {  	_ =	shalt  }
0x55: {  	_ =	shalt  }
0x56: {  	_ =	shalt  }
0x57: {  	_ =	shalt  }
0x58: {  	_ =	shalt  }
0x59: {  	_ =	shalt  }
0x5a: {  	_ =	shalt  }
0x5b: {  	_ =	shalt  }
0x5c: {  	_ =	shalt  }
0x5d: {  	_ =	shalt  }
0x5e: {  	_ =	shalt  }
0x5f: {  	_ =	shalt  }
0x60: {  	_ =	shalt  }
0x61: {  	_ =	shalt  }
0x62: {  	_ =	shalt  }
0x63: {  	_ =	shalt  }
0x64: {  	_ =	shalt  }
0x65: {  	_ =	shalt  }
0x66: {  	_ =	shalt  }
0x67: {  	_ =	shalt  }
0x68: {  	_ =	shalt  }
0x69: {  	_ =	shalt  }
0x6a: {  	_ =	shalt  }
0x6b: {  	_ =	shalt  }
0x6c: {  	_ =	shalt  }
0x6d: {  	_ =	shalt  }
0x6e: {  	_ =	shalt  }
0x6f: {  	_ =	shalt  }
0x70: {  	_ =	shalt  }
0x71: {  	_ =	shalt  }
0x72: {  	_ =	shalt  }
0x73: {  	_ =	shalt  }
0x74: {  	_ =	shalt  }
0x75: {  	_ =	shalt  }
0x76: {  	_ =	shalt  }
0x77: {  	_ =	shalt  }
0x78: {  	_ =	shalt  }
0x79: {  	_ =	shalt  }
0x7a: {  	_ =	shalt  }
0x7b: {  	_ =	shalt  }
0x7c: {  	_ =	shalt  }
0x7d: {  	_ =	shalt  }
0x7e: {  	_ =	shalt  }
0x7f: {  	_ =	shalt  }
0x80: {  	_ =	shalt  }
0x81: {  	_ =	shalt  }
0x82: {  	_ =	shalt  }
0x83: {  	_ =	shalt  }
0x84: {  	_ =	shalt  }
0x85: {  	_ =	shalt  }
0x86: {  	_ =	shalt  }
0x87: {  	_ =	shalt  }
.Lfunc_end0:
.L_simem_size_0:
called_computation.1_lowered:
.L_overlay_start_0:
0x88: {  	s2 =	sld [smem:$0x3FD9]  }
0x89: {  	s3 =	sld [smem:$0x3FFE];
	_ =	sdelay $0x1  }
0x8a: {  	s1 =	srdreg.scid  }
0x8b: {  	s0 =	sand.u32 $0x1, s1  }
0x8c: {  	s17 =	sshll.u32 s0, $0xA;
	s2 =	sadd.s32 s3, s2  }
0x8d: {  	s2 =	sadd.s32 s2, s17  }
0x8e: {  	[smem:$0x3FC4] =	sst s2  }
0x8f: {  	_ = 	snop  }
0x90: {  	s2 =	sld [smem:$0x3FD0];
	(tm) =	ssettm $0x1  }
0x91: {  	s18 =	sld [smem:$0x3FFB];
	_ =	sdelay $0x3  }
0x92: {  	_ =	strace s18  }
0x93: {  	s3 =	sld [smem:$0x3FFC];
	_ =	sdelay $0x3  }
0x94: {  	_ =	strace s3  }
0x95: {  	s3 =	sld [smem:$0x3FFD];
	_ =	sdelay $0x3  }
0x96: {  	_ =	strace s3  }
0x97: {  	_ =	strace $0x8FFFFFFF  }
0x98: {  	s19 =	sld [smem:$0x3FDB];
	_ =	sdelay $0x1  }
0x99: {  	s4 =	simm.s32 $_scs_section_size  }
0x9a: {  	s5 =	simm.s32 $_size__tile_overlayer_lowered;
	s6 =	simm.s32 $_tile_overlayer_lowered  }
0x9b: {  	s22 =	simm.s32 $0x1BFF;
	s21 =	sshll.u32 s6, $0x1;
	s3 =	sadd.s32 s4, s19  }
0x9c: {  	s7 =	simm.s32 $0x0;
	s20 =	sshll.u32 s5, $0x1;
	s5 =	sadd.s32 s21, s3  }
0x9d: {  	[timem:s7], [sflag:s22] =	dma.local [hbm:s5], s20  }
0x9e: {  	_ =	swait.ge [sflag:s22], s20  }
0x9f: {  	s4 =	ssub.s32 $0x0, s20;
	[sflag:s22] =	ssyncset.done $0x0  }
0xa0: {  	[sflag:s22] =	ssyncadd.s32 s4;
	_ =	sdelay $0x1  }
0xa1: {  	s23 =	simm.s32 $0x1B8B  }
0xa2: {  	_ =	swait.ge [sflag:s23], $0x1  }
0xa3: {  	[sflag:s23] =	ssyncset.done $0x0  }
0xa4: {  	s25 =	simm.s32 $0x1B8E;
	s24 =	sld [smem:$0x3FFE];
	[sflag:s23] =	ssyncadd.s32 $0xFFFFFFFF  }
0xa5: {  	s26 =	simm.s32 $execute0_lowered;
	[smem:$0x3FD2] =	sst s25  }
0xa6: {  	s5 =	sshll.u32 s26, $0x1;
	_ =	strace $0x80000049;
	[dreg:$0x1] =	wrdreg $0xFFFFFFFF  }
0xa7: {  	s28 =	simm.s32 $_size_execute0_lowered;
	s3 =	sadd.s32 s3, s5;
	[dreg:$0x0] =	wrdreg $0x0  }
0xa8: {  	s5 =	sshll.u32 s28, $0x1;
	[dreg:$0x2] =	wrdreg s3  }
0xa9: {  	[dreg:$0x3] =	wrdreg s5  }
0xaa: {  	[dreg:$0x4] =	wrdreg $0xC0  }
0xab: {  	_ =	task [dreg:s7], $0x5FFFF  }
0xac: {  	[dreg:$0x1] =	wrdreg $0xFFFFFFFF  }
0xad: {  	[dreg:$0x0] =	wrdreg $0x60  }
0xae: {  	[dreg:$0x2] =	wrdreg s2  }
0xaf: {  	[dreg:$0x3] =	wrdreg s24  }
0xb0: {  	[dreg:$0x4] =	wrdreg $0x88000  }
0xb1: {  	[dreg:$0x5] =	wrdreg $0x9  }
0xb2: {  	_ =	task.clear_ibuf [dreg:s7], $0x6FFFF;
	_ =	strace $0x90000049  }
0xb3: {  	s29 =	simm.s32 $0x9;
	_ =	strace $0x8000004B  }
0xb4: {  	_ =	swait.ge [sflag:s29], $0x1  }
0xb5: {  	[sflag:s29] =	ssyncadd.s32 $0xFFFFFFFF  }
0xb6: {  	_ =	strace $0x9000004B  }
0xb7: {  	_ =	sfence  }
0xb8: {  	s30 =	sld [smem:$0x0];
	_ =	sdelay $0x2  }
0xb9: {  	s31 =	sshll.u32 s1, $0xD;
	s1 =	sshrl.u32 s1, $0x2  }
0xba: {  	s3 =	sand.u32 $0x4000, s31;
	s1 =	sadd.s32 s1, s30  }
0xbb: {  	s0 =	sor.u32 s3, s0;
	s1 =	sshll.u32 s1, $0x11  }
0xbc: {  	s0 =	sor.u32 s1, s0  }
0xbd: {  	s0 =	sadd.s32 $0x8F2B, s0  }
0xbe: {  	[sflag:s0] =	ssyncadd.remote.s32 $0x1  }
0xbf: {  	_ =	sfence.sel $0xFFFF  }
0xc0: {  	[dreg:$0x0] =	wrdreg $0xFFFFFFFF;
	(pc) =	sbr.abs _section_cstart, $3  }
0xc1: {  	[dreg:$0x1] =	wrdreg $0xFFFFFFFF  }
0xc2: {  	_ =	task.clear_ibuf [dreg:s7], $0x2FFFF;
	_ =	strace $0x9FFFFFFF  }
0xc3: {  	(tm) =	ssettm $0x7FFFFFFF  }
tec
execute0_lowered:
.L_overlay_start_1:
0x0: {  	(tag) =	ssettag $0x1  }
0x1: {  	s1 =	rddreg [dreg:$0x0]  }
0x2: {  	s0 =	srdreg.scid;
	s6 =	rddreg [dreg:$0x1]  }
0x3: {  	s24 =	stileid.u32;
	s3 =	rddreg [dreg:$0x2];
	s4 =	simm.s32 $0x0  }
0x4: {  	s14 =	simm.s32 $0x200;
	s30 =	simm.s32 $0x180;
	s31 =	simm.s32 $0x300  }
0x5: {  	s15 =	simm.s32 $0x280;
	s16 =	simm.s32 $0x380;
	[smem:$0x7FF] =	sst s4  }
0x6: {  	s17 =	simm.s32 $0x500;
	_ =	strace $0x8000004A;
	[dreg:$0x4] =	wrdreg s14  }
0x7: {  	s18 =	simm.s32 $0x480;
	s19 =	simm.s32 $0x600;
	[dreg:$0x5] =	wrdreg s30  }
0x8: {  	s20 =	simm.s32 $0x580;
	s21 =	simm.s32 $0x700;
	[dreg:$0x6] =	wrdreg s31  }
0x9: {  	s22 =	simm.s32 $0x680;
	s23 =	simm.s32 $0x3;
	[dreg:$0x7] =	wrdreg s15  }
0xa: {  	s5 =	sand.u32 $0x1, s0;
	s8 =	smul.u32 $0x50000, s24;
	[dreg:$0x8] =	wrdreg s16  }
0xb: {  	s10 =	sadd.s32 $0x140000, s3;
	p0 =	sne.s32 s24, $0xF;
	[dreg:$0x9] =	wrdreg s17  }
0xc: {  	s2 =	sshll.u32 s5, $0x4;
	s9 =	smul.u32 $0x28100, s5;
	[dreg:$0xa] =	wrdreg s18  }
0xd: {  	s25 =	ssub.s32 $0x2, s5;
	s14 =	simm.s32 $0x800;
	[dreg:$0xb] =	wrdreg s19  }
0xe: {  	s15 =	simm.s32 $0x7;
	s17 =	simm.s32 $0x400;
	[dreg:$0xc] =	wrdreg s20  }
0xf: {  	s18 =	simm.s32 $0x80;
	s19 =	simm.s32 $0x2;
	[dreg:$0xd] =	wrdreg s21  }
0x10: {  	s20 =	simm.s32 $0x4800;
	s21 =	simm.s32 $0x4;
	[dreg:$0xe] =	wrdreg s22  }
0x11: {  	s22 =	simm.s32 $0x1;
	s7 =	sor.u32 s24, s2;
	s26 =	sshrl.u32 s8, $0x2  }
0x12: {  	s28 =	sshrl.u32 s25, $0x1;
	s7 =	smul.u32 $0xA00, s7;
	s12 =	sadd.s32 s9, s6  }
0x13: {  	s5 =	sadd.s32 s26, s3;
	s13 =	ssub.s32 s25, s28;
	s25 =	smul.u32 $0x2800, s24  }
0x14: {  	s24 =	simm.s32 $0x780;
	s26 =	simm.s32 $0x0;
	s29 =	sadd.s32 $0x4000, s5  }
0x15: {  	s8 =	sadd.s32 $0xC000, s5;
	s9 =	sadd.s32 $0x10000, s5;
	s12 =	sadd.s32 $0x1FC00, s12  }
0x16: {  	s13 =	smax.u32 s13, $0x1;
	[dreg:$0xf] =	wrdreg s24;
	s11 =	sadd.s32 s7, s6  }
0x17: {  	s24 =	simm.s32 $0x6;
	[dreg:$0x10] =	wrdreg s29;
	s11 =	sadd.s32 $0xBC00, s11  }
0x18: {  	v0 =	vimm.f32 $0.0e+00;
	s7 =	sadd.s32 $0x8000, s5;
	s25 =	sadd.s32 s25, s12;
	s16 =	sadd.s32 $0x80, s11  }
.LBB2_1:
0x19: {  	s28 =	simm.s32 $0x0;
	s29 =	simm.s32 $0x200  }
.LBB2_2:
0x1a: {  	p1 =	sne.s32 s29, $0xFE00;
	[tilespmem:s28+$0x870] =	vst v0  }
0x1b: {  	[tilespmem:s28+$0x800] =	vst v0  }
0x1c: {  	[tilespmem:s28+$0x810] =	vst v0  }
.Ltmp0:
0x1d: {  	[tilespmem:s28+$0x820] =	vst v0;
	(pc) =	sbr.rel @p1 .LBB2_2-.Ltmp0, $4  }
0x1e: {  	[tilespmem:s28+$0x830] =	vst v0  }
0x1f: {  	[tilespmem:s28+$0x840] =	vst v0  }
0x20: {  	[tilespmem:s28+$0x850] =	vst v0  }
0x21: {  	[tilespmem:s28+$0x860] =	vst v0;
	s28 =	sshra.s32 s29, $0x2;
	s29 =	sadd.s32 $0x200, s29  }
0x22: {  	[tilespmem:s28+$0x870] =	vst v0  }
0x23: {  	[tilespmem:s28+$0x800] =	vst v0  }
0x24: {  	[tilespmem:s28+$0x810] =	vst v0  }
0x25: {  	[tilespmem:s28+$0x820] =	vst v0  }
0x26: {  	[tilespmem:s28+$0x830] =	vst v0  }
0x27: {  	[tilespmem:s28+$0x840] =	vst v0  }
0x28: {  	[tilespmem:s28+$0x850] =	vst v0  }
0x29: {  	[tilespmem:s28+$0x860] =	vst v0  }
0x2a: {  	[spmem:s5] =	stream.linear.scatter [tilespmem:s14], [sflag:$0x7], $0x4000, $0x38;
	[tilespmem:$0x1C880] =	vst v63  }
0x2b: {  	_ =	swait.ge [sflag:s15], $0x4000  }
0x2c: {  	[sflag:s15] =	ssyncset.done $0x0  }
0x2d: {  	s0 =	rddreg [dreg:$0x10];
	[sflag:s15] =	ssyncadd.s32 $0xFFFFC000  }
0x2e: {  	[spmem:s0] =	stream.linear.scatter [tilespmem:s14], [sflag:$0x7], $0x4000, $0x38;
	[tilespmem:$0x1C880] =	vst v63  }
0x2f: {  	_ =	swait.ge [sflag:s15], $0x4000  }
0x30: {  	[sflag:s15] =	ssyncset.done $0x0  }
0x31: {  	[sflag:s15] =	ssyncadd.s32 $0xFFFFC000  }
0x32: {  	[spmem:s7] =	stream.linear.scatter [tilespmem:s14], [sflag:$0x7], $0x4000, $0x38;
	[tilespmem:$0x1C880] =	vst v63  }
0x33: {  	_ =	swait.ge [sflag:s15], $0x4000  }
0x34: {  	[sflag:s15] =	ssyncset.done $0x0  }
0x35: {  	[sflag:s15] =	ssyncadd.s32 $0xFFFFC000  }
0x36: {  	[spmem:s8] =	stream.linear.scatter [tilespmem:s14], [sflag:$0x7], $0x4000, $0x38;
	[tilespmem:$0x1C880] =	vst v63  }
0x37: {  	_ =	swait.ge [sflag:s15], $0x4000  }
0x38: {  	[sflag:s15] =	ssyncset.done $0x0  }
0x39: {  	[sflag:s15] =	ssyncadd.s32 $0xFFFFC000  }
0x3a: {  	[spmem:s9] =	stream.linear.scatter [tilespmem:s14], [sflag:$0x7], $0x4000, $0x38;
	[tilespmem:$0x1C880] =	vst v63  }
0x3b: {  	_ =	swait.ge [sflag:s15], $0x4000  }
0x3c: {  	[sflag:s15] =	ssyncset.done $0x0  }
0x3d: {  	s28 =	simm.s32 @!p0 $0x800;
	[sflag:s15] =	ssyncadd.s32 $0xFFFFC000  }
0x3e: {  	[spmem:s10] =	stream.linear.scatter @!p0 [tilespmem:s28], [sflag:$0x7], $0x800, $0x38;
	[tilespmem:$0x1C880] =	vst v63  }
0x3f: {  	s28 =	simm.s32 @!p0 $0x7  }
0x40: {  	_ =	swait.ge @!p0 [sflag:s28], $0x800  }
0x41: {  	[sflag:s28] =	ssyncset.done @!p0 $0x0  }
0x42: {  	[sflag:s28] =	ssyncadd.s32 @!p0 $0xFFFFF800  }
0x43: {  	[tilespmem:s4], [sflag:$0x7] =	stream.linear.gather [hbm4b:s11+s4], $0x400, $0x38;
	[tilespmem:$0x1C880] =	vst v63  }
0x44: {  	_ =	swait.ge [sflag:s15], $0x400  }
0x45: {  	[sflag:s15] =	ssyncset.done $0x0  }
0x46: {  	p1 =	por $0x1, $0x1;
	[sflag:s15] =	ssyncadd.s32 $0xFFFFFC00  }
0x47: {  	[tilespmem:s17], [sflag:$0x6] =	stream.linear.gather [hbm4b:s16+s4], $0x400, $0x38;
	[tilespmem:$0x1C880] =	vst v63  }
0x48: {  	s29 =	simm.s32 @p1 $0x100  }
0x49: {  	[tilespmem:s14], [sflag:$0x1] =	stream.indirect.gather [hbm4b:s1+s18], $0x80, s4, s18, $0xb8;
	[tilespmem:$0x1C880] =	vst v63  }
0x4a: {  	s30 =	simm.s32 @p1 $0x4800;
	s28 =	simm.s32 @p1 $0x80;
	[bflag:$0x0] =	sbarrier.arrive $0xFFFF  }
0x4b: {  	[tilespmem:s30], [sflag:$0x2] =	stream.indirect.gather @p1 [hbm4b:s1+s28], $0x80, s29, s28, $0xb8;
	[tilespmem:$0x1C880] =	vst v63  }
0x4c: {  	s29 =	simm.s32 @p1 $0x1  }
0x4d: {  	_ =	swait.ge @p1 [sflag:s29], $0x4000  }
0x4e: {  	[sflag:s29] =	ssyncset.done @p1 $0x0  }
0x4f: {  	s30 =	simm.s32 @p1 $0x800;
	[sflag:s29] =	ssyncadd.s32 @p1 $0xFFFFC000;
	s29 =	simm.s32 @p1 $0x3  }
0x50: {  	[spmem:s3] =	stream.indirect.scatter.add.f32 @p1 [tilespmem:s30], [sflag:$0x3], $0x80, s28, s28, $0xb8;
	[tilespmem:$0x1C880] =	vst v63  }
0x51: {  	_ =	swait.ge @p1 [sflag:s29], $0x4000  }
0x52: {  	[sflag:s29] =	ssyncset.done @p1 $0x0  }
0x53: {  	s28 =	simm.s32 @!p1 $0x4;
	[sflag:s29] =	ssyncadd.s32 @p1 $0xFFFFC000  }
0x54: {  	_ =	swait.ge @!p1 [sflag:s28], $0x4000  }
0x55: {  	s31 =	simm.s32 @!p1 $0x100;
	s30 =	simm.s32 @!p1 $0x80;
	[sflag:s28] =	ssyncset.done @!p1 $0x0  }
0x56: {  	s29 =	simm.s32 @!p1 $0x4800;
	[sflag:s28] =	ssyncadd.s32 @!p1 $0xFFFFC000;
	s28 =	simm.s32 @!p1 $0x1  }
0x57: {  	[tilespmem:s29], [sflag:$0x2] =	stream.indirect.gather @!p1 [hbm4b:s1+s30], $0x80, s31, s30, $0xb8;
	[tilespmem:$0x1C880] =	vst v63  }
0x58: {  	_ =	swait.ge @!p1 [sflag:s28], $0x4000  }
0x59: {  	[sflag:s28] =	ssyncset.done @!p1 $0x0  }
0x5a: {  	s29 =	simm.s32 @!p1 $0x800;
	[sflag:s28] =	ssyncadd.s32 @!p1 $0xFFFFC000;
	s28 =	simm.s32 @!p1 $0x3  }
0x5b: {  	[spmem:s3] =	stream.indirect.scatter.add.f32 @!p1 [tilespmem:s29], [sflag:$0x3], $0x80, s30, s30, $0xb8;
	[tilespmem:$0x1C880] =	vst v63  }
0x5c: {  	_ =	swait.ge @!p1 [sflag:s28], $0x4000  }
0x5d: {  	s31 =	simm.s32 @!p1 $0x0;
	s29 =	sadd.s32 @!p1 $0xFFFFF600, s11;
	[sflag:s28] =	ssyncset.done @!p1 $0x0  }
0x5e: {  	s30 =	simm.s32 @!p1 $0x400;
	s29 =	sadd.s32 @!p1 $0xA80, s29;
	[sflag:s28] =	ssyncadd.s32 @!p1 $0xFFFFC000  }
0x5f: {  	[tilespmem:s30], [sflag:$0x6] =	stream.linear.gather @!p1 [hbm4b:s29+s31], $0x400, $0x38;
	[tilespmem:$0x1C880] =	vst v63  }
0x60: {  	s28 =	rddreg [dreg:$0x4]  }
0x61: {  	[tilespmem:s14], [sflag:$0x1] =	stream.indirect.gather [hbm4b:s1+s18], $0x80, s28, s18, $0xb8;
	[tilespmem:$0x1C880] =	vst v63  }
0x62: {  	_ =	swait.ge [sflag:s19], $0x4000  }
0x63: {  	[sflag:s19] =	ssyncset.done $0x0  }
0x64: {  	s28 =	rddreg [dreg:$0x5];
	[sflag:s19] =	ssyncadd.s32 $0xFFFFC000  }
0x65: {  	[spmem:s3] =	stream.indirect.scatter.add.f32 [tilespmem:s20], [sflag:$0x4], $0x80, s28, s18, $0xb8;
	[tilespmem:$0x1C880] =	vst v63  }
0x66: {  	_ =	swait.ge [sflag:s21], $0x4000  }
0x67: {  	[sflag:s21] =	ssyncset.done $0x0  }
0x68: {  	s28 =	rddreg [dreg:$0x6];
	[sflag:s21] =	ssyncadd.s32 $0xFFFFC000  }
0x69: {  	[tilespmem:s20], [sflag:$0x2] =	stream.indirect.gather [hbm4b:s1+s18], $0x80, s28, s18, $0xb8;
	[tilespmem:$0x1C880] =	vst v63  }
0x6a: {  	_ =	swait.ge [sflag:s22], $0x4000  }
0x6b: {  	[sflag:s22] =	ssyncset.done $0x0  }
0x6c: {  	s28 =	rddreg [dreg:$0x7];
	[sflag:s22] =	ssyncadd.s32 $0xFFFFC000  }
0x6d: {  	[spmem:s3] =	stream.indirect.scatter.add.f32 [tilespmem:s14], [sflag:$0x3], $0x80, s28, s18, $0xb8;
	[tilespmem:$0x1C880] =	vst v63  }
0x6e: {  	_ =	swait.ge [sflag:s23], $0x4000  }
0x6f: {  	[sflag:s23] =	ssyncset.done $0x0  }
0x70: {  	[sflag:s23] =	ssyncadd.s32 $0xFFFFC000  }
0x71: {  	_ =	swait.ge [sflag:s24], $0x400  }
0x72: {  	[sflag:s24] =	ssyncset.done $0x0  }
0x73: {  	[sflag:s24] =	ssyncadd.s32 $0xFFFFFC00  }
0x74: {  	[tilespmem:s14], [sflag:$0x1] =	stream.indirect.gather [hbm4b:s1+s18], $0x80, s17, s18, $0xb8;
	[tilespmem:$0x1C880] =	vst v63  }
0x75: {  	_ =	swait.ge [sflag:s19], $0x4000  }
0x76: {  	[sflag:s19] =	ssyncset.done $0x0  }
0x77: {  	s28 =	rddreg [dreg:$0x8];
	[sflag:s19] =	ssyncadd.s32 $0xFFFFC000  }
0x78: {  	[spmem:s3] =	stream.indirect.scatter.add.f32 [tilespmem:s20], [sflag:$0x4], $0x80, s28, s18, $0xb8;
	[tilespmem:$0x1C880] =	vst v63  }
0x79: {  	_ =	swait.ge [sflag:s21], $0x4000  }
0x7a: {  	[sflag:s21] =	ssyncset.done $0x0  }
0x7b: {  	s28 =	rddreg [dreg:$0x9];
	[sflag:s21] =	ssyncadd.s32 $0xFFFFC000  }
0x7c: {  	[tilespmem:s20], [sflag:$0x2] =	stream.indirect.gather [hbm4b:s1+s18], $0x80, s28, s18, $0xb8;
	[tilespmem:$0x1C880] =	vst v63  }
0x7d: {  	_ =	swait.ge [sflag:s22], $0x4000  }
0x7e: {  	[sflag:s22] =	ssyncset.done $0x0  }
0x7f: {  	s28 =	rddreg [dreg:$0xa];
	[sflag:s22] =	ssyncadd.s32 $0xFFFFC000  }
0x80: {  	[spmem:s3] =	stream.indirect.scatter.add.f32 [tilespmem:s14], [sflag:$0x3], $0x80, s28, s18, $0xb8;
	[tilespmem:$0x1C880] =	vst v63  }
0x81: {  	p1 =	por $0x0, $0x0;
	_ =	swait.ge [sflag:s23], $0x4000  }
0x82: {  	s28 =	sadd.s32 @!p1 $0xFFFFF600, s11;
	[sflag:s23] =	ssyncset.done $0x0  }
0x83: {  	s29 =	simm.s32 @!p1 $0x0;
	s28 =	sadd.s32 @!p1 $0xB00, s28;
	[sflag:s23] =	ssyncadd.s32 $0xFFFFC000  }
0x84: {  	[tilespmem:s29], [sflag:$0x5] =	stream.linear.gather @!p1 [hbm4b:s28+s29], $0x400, $0x38;
	[tilespmem:$0x1C880] =	vst v63  }
0x85: {  	s30 =	rddreg [dreg:$0xb]  }
0x86: {  	[tilespmem:s14], [sflag:$0x1] =	stream.indirect.gather [hbm4b:s1+s18], $0x80, s30, s18, $0xb8;
	[tilespmem:$0x1C880] =	vst v63  }
0x87: {  	_ =	swait.ge [sflag:s19], $0x4000  }
0x88: {  	[sflag:s19] =	ssyncset.done $0x0  }
0x89: {  	s28 =	rddreg [dreg:$0xc];
	[sflag:s19] =	ssyncadd.s32 $0xFFFFC000  }
0x8a: {  	[spmem:s3] =	stream.indirect.scatter.add.f32 [tilespmem:s20], [sflag:$0x4], $0x80, s28, s18, $0xb8;
	[tilespmem:$0x1C880] =	vst v63  }
0x8b: {  	_ =	swait.ge [sflag:s21], $0x4000  }
0x8c: {  	[sflag:s21] =	ssyncset.done $0x0  }
0x8d: {  	s28 =	rddreg [dreg:$0xd];
	[sflag:s21] =	ssyncadd.s32 $0xFFFFC000  }
0x8e: {  	[tilespmem:s20], [sflag:$0x2] =	stream.indirect.gather [hbm4b:s1+s18], $0x80, s28, s18, $0xb8;
	[tilespmem:$0x1C880] =	vst v63  }
0x8f: {  	_ =	swait.ge [sflag:s22], $0x4000  }
0x90: {  	[sflag:s22] =	ssyncset.done $0x0  }
0x91: {  	s28 =	rddreg [dreg:$0xe];
	[sflag:s22] =	ssyncadd.s32 $0xFFFFC000  }
0x92: {  	[spmem:s3] =	stream.indirect.scatter.add.f32 [tilespmem:s14], [sflag:$0x3], $0x80, s28, s18, $0xb8;
	[tilespmem:$0x1C880] =	vst v63  }
0x93: {  	_ =	swait.ge [sflag:s23], $0x4000  }
0x94: {  	[sflag:s23] =	ssyncset.done $0x0  }
0x95: {  	s28 =	simm.s32 @!p1 $0x5;
	[sflag:s23] =	ssyncadd.s32 $0xFFFFC000  }
0x96: {  	_ =	swait.ge @!p1 [sflag:s28], $0x400  }
0x97: {  	[sflag:s28] =	ssyncset.done @!p1 $0x0  }
0x98: {  	s30 =	simm.s32 @!p1 $0x80;
	[sflag:s28] =	ssyncadd.s32 @!p1 $0xFFFFFC00;
	s28 =	simm.s32 @!p1 $0x800  }
0x99: {  	[tilespmem:s28], [sflag:$0x1] =	stream.indirect.gather @!p1 [hbm4b:s1+s30], $0x80, s29, s30, $0xb8;
	[tilespmem:$0x1C880] =	vst v63  }
0x9a: {  	_ =	swait.ge [sflag:s19], $0x4000  }
0x9b: {  	[sflag:s19] =	ssyncset.done $0x0  }
0x9c: {  	s28 =	simm.s32 $0xFFFFF700;
	s30 =	rddreg [dreg:$0xf];
	[sflag:s19] =	ssyncadd.s32 $0xFFFFC000  }
.LBB2_4:
0x9d: {  	p2 =	seq.s32 s28, $0xFFFFF600  }
0x9e: {  	[spmem:s3] =	stream.indirect.scatter.add.f32 [tilespmem:s20], [sflag:$0x4], $0x80, s30, s18, $0xb8;
	[tilespmem:$0x1C880] =	vst v63  }
0x9f: {  	s30 =	simm.s32 @p2 $0x80;
	s31 =	simm.s32 @p2 $0x100;
	s2 =	simm.s32 @p2 $0x4800  }
0xa0: {  	[tilespmem:s2], [sflag:$0x2] =	stream.indirect.gather @p2 [hbm4b:s1+s30], $0x80, s31, s30, $0xb8;
	[tilespmem:$0x1C880] =	vst v63  }
0xa1: {  	s2 =	simm.s32 @p2 $0x1  }
0xa2: {  	_ =	swait.ge @p2 [sflag:s2], $0x4000  }
0xa3: {  	[sflag:s2] =	ssyncset.done @p2 $0x0  }
0xa4: {  	s0 =	simm.s32 @p2 $0x800;
	[sflag:s2] =	ssyncadd.s32 @p2 $0xFFFFC000;
	s2 =	simm.s32 @p2 $0x3  }
0xa5: {  	[spmem:s3] =	stream.indirect.scatter.add.f32 @p2 [tilespmem:s0], [sflag:$0x3], $0x80, s30, s30, $0xb8;
	[tilespmem:$0x1C880] =	vst v63  }
0xa6: {  	_ =	swait.ge @p2 [sflag:s2], $0x4000  }
0xa7: {  	[sflag:s2] =	ssyncset.done @p2 $0x0  }
0xa8: {  	s0 =	simm.s32 @!p2 $0x4;
	[sflag:s2] =	ssyncadd.s32 @p2 $0xFFFFC000  }
0xa9: {  	_ =	swait.ge @!p2 [sflag:s0], $0x4000  }
0xaa: {  	s6 =	simm.s32 @!p2 $0x100;
	s30 =	simm.s32 @!p2 $0x80;
	[sflag:s0] =	ssyncset.done @!p2 $0x0  }
0xab: {  	s2 =	simm.s32 @!p2 $0x4800;
	[sflag:s0] =	ssyncadd.s32 @!p2 $0xFFFFC000;
	s0 =	simm.s32 @!p2 $0x1  }
0xac: {  	[tilespmem:s2], [sflag:$0x2] =	stream.indirect.gather @!p2 [hbm4b:s1+s30], $0x80, s6, s30, $0xb8;
	[tilespmem:$0x1C880] =	vst v63  }
0xad: {  	_ =	swait.ge @!p2 [sflag:s0], $0x4000  }
0xae: {  	s29 =	smov.u32 s28;
	[sflag:s0] =	ssyncset.done @!p2 $0x0  }
0xaf: {  	s2 =	simm.s32 @!p2 $0x800;
	[sflag:s0] =	ssyncadd.s32 @!p2 $0xFFFFC000;
	s0 =	simm.s32 @!p2 $0x3  }
0xb0: {  	[spmem:s3] =	stream.indirect.scatter.add.f32 @!p2 [tilespmem:s2], [sflag:$0x3], $0x80, s30, s30, $0xb8;
	[tilespmem:$0x1C880] =	vst v63  }
0xb1: {  	s31 =	sadd.s32 @!p2 s29, s11;
	_ =	swait.ge @!p2 [sflag:s0], $0x4000  }
0xb2: {  	s31 =	sadd.s32 @!p2 $0xA80, s31;
	[sflag:s0] =	ssyncset.done @!p2 $0x0  }
0xb3: {  	s6 =	simm.s32 @!p2 $0x0;
	s2 =	simm.s32 @!p2 $0x400;
	[sflag:s0] =	ssyncadd.s32 @!p2 $0xFFFFC000  }
0xb4: {  	[tilespmem:s2], [sflag:$0x6] =	stream.linear.gather @!p2 [hbm4b:s31+s6], $0x400, $0x38;
	[tilespmem:$0x1C880] =	vst v63  }
0xb5: {  	s30 =	rddreg [dreg:$0x4]  }
0xb6: {  	[tilespmem:s14], [sflag:$0x1] =	stream.indirect.gather [hbm4b:s1+s18], $0x80, s30, s18, $0xb8;
	[tilespmem:$0x1C880] =	vst v63  }
0xb7: {  	_ =	swait.ge [sflag:s19], $0x4000  }
0xb8: {  	[sflag:s19] =	ssyncset.done $0x0  }
0xb9: {  	s31 =	rddreg [dreg:$0x5];
	[sflag:s19] =	ssyncadd.s32 $0xFFFFC000  }
0xba: {  	[spmem:s3] =	stream.indirect.scatter.add.f32 [tilespmem:s20], [sflag:$0x4], $0x80, s31, s18, $0xb8;
	[tilespmem:$0x1C880] =	vst v63  }
0xbb: {  	_ =	swait.ge [sflag:s21], $0x4000  }
0xbc: {  	[sflag:s21] =	ssyncset.done $0x0  }
0xbd: {  	s2 =	rddreg [dreg:$0x6];
	[sflag:s21] =	ssyncadd.s32 $0xFFFFC000  }
0xbe: {  	[tilespmem:s20], [sflag:$0x2] =	stream.indirect.gather [hbm4b:s1+s18], $0x80, s2, s18, $0xb8;
	[tilespmem:$0x1C880] =	vst v63  }
0xbf: {  	_ =	swait.ge [sflag:s22], $0x4000  }
0xc0: {  	[sflag:s22] =	ssyncset.done $0x0  }
0xc1: {  	s6 =	rddreg [dreg:$0x7];
	[sflag:s22] =	ssyncadd.s32 $0xFFFFC000  }
0xc2: {  	[spmem:s3] =	stream.indirect.scatter.add.f32 [tilespmem:s14], [sflag:$0x3], $0x80, s6, s18, $0xb8;
	[tilespmem:$0x1C880] =	vst v63  }
0xc3: {  	_ =	swait.ge [sflag:s23], $0x4000  }
0xc4: {  	[sflag:s23] =	ssyncset.done $0x0  }
0xc5: {  	[sflag:s23] =	ssyncadd.s32 $0xFFFFC000  }
0xc6: {  	_ =	swait.ge [sflag:s24], $0x400  }
0xc7: {  	[sflag:s24] =	ssyncset.done $0x0  }
0xc8: {  	[sflag:s24] =	ssyncadd.s32 $0xFFFFFC00  }
0xc9: {  	[tilespmem:s14], [sflag:$0x1] =	stream.indirect.gather [hbm4b:s1+s18], $0x80, s17, s18, $0xb8;
	[tilespmem:$0x1C880] =	vst v63  }
0xca: {  	_ =	swait.ge [sflag:s19], $0x4000  }
0xcb: {  	[sflag:s19] =	ssyncset.done $0x0  }
0xcc: {  	s31 =	rddreg [dreg:$0x8];
	[sflag:s19] =	ssyncadd.s32 $0xFFFFC000  }
0xcd: {  	[spmem:s3] =	stream.indirect.scatter.add.f32 [tilespmem:s20], [sflag:$0x4], $0x80, s31, s18, $0xb8;
	[tilespmem:$0x1C880] =	vst v63  }
0xce: {  	_ =	swait.ge [sflag:s21], $0x4000  }
0xcf: {  	[sflag:s21] =	ssyncset.done $0x0  }
0xd0: {  	s2 =	rddreg [dreg:$0x9];
	[sflag:s21] =	ssyncadd.s32 $0xFFFFC000  }
0xd1: {  	[tilespmem:s20], [sflag:$0x2] =	stream.indirect.gather [hbm4b:s1+s18], $0x80, s2, s18, $0xb8;
	[tilespmem:$0x1C880] =	vst v63  }
0xd2: {  	_ =	swait.ge [sflag:s22], $0x4000  }
0xd3: {  	[sflag:s22] =	ssyncset.done $0x0  }
0xd4: {  	s6 =	rddreg [dreg:$0xa];
	[sflag:s22] =	ssyncadd.s32 $0xFFFFC000  }
0xd5: {  	[spmem:s3] =	stream.indirect.scatter.add.f32 [tilespmem:s14], [sflag:$0x3], $0x80, s6, s18, $0xb8;
	[tilespmem:$0x1C880] =	vst v63  }
0xd6: {  	p2 =	seq.s32 s29, $0xFFFFFF00;
	_ =	swait.ge [sflag:s23], $0x4000  }
0xd7: {  	s0 =	sadd.s32 @!p2 s29, s11;
	[sflag:s23] =	ssyncset.done $0x0  }
0xd8: {  	s0 =	sadd.s32 @!p2 $0xB00, s0;
	s2 =	simm.s32 @!p2 $0x0;
	[sflag:s23] =	ssyncadd.s32 $0xFFFFC000  }
0xd9: {  	[tilespmem:s2], [sflag:$0x5] =	stream.linear.gather @!p2 [hbm4b:s0+s2], $0x400, $0x38;
	[tilespmem:$0x1C880] =	vst v63  }
0xda: {  	s31 =	rddreg [dreg:$0xb]  }
0xdb: {  	[tilespmem:s14], [sflag:$0x1] =	stream.indirect.gather [hbm4b:s1+s18], $0x80, s31, s18, $0xb8;
	[tilespmem:$0x1C880] =	vst v63  }
0xdc: {  	_ =	swait.ge [sflag:s19], $0x4000  }
0xdd: {  	[sflag:s19] =	ssyncset.done $0x0  }
0xde: {  	s6 =	rddreg [dreg:$0xc];
	[sflag:s19] =	ssyncadd.s32 $0xFFFFC000  }
0xdf: {  	[spmem:s3] =	stream.indirect.scatter.add.f32 [tilespmem:s20], [sflag:$0x4], $0x80, s6, s18, $0xb8;
	[tilespmem:$0x1C880] =	vst v63  }
0xe0: {  	_ =	swait.ge [sflag:s21], $0x4000  }
0xe1: {  	[sflag:s21] =	ssyncset.done $0x0  }
0xe2: {  	s29 =	rddreg [dreg:$0xd];
	[sflag:s21] =	ssyncadd.s32 $0xFFFFC000  }
0xe3: {  	[tilespmem:s20], [sflag:$0x2] =	stream.indirect.gather [hbm4b:s1+s18], $0x80, s29, s18, $0xb8;
	[tilespmem:$0x1C880] =	vst v63  }
0xe4: {  	_ =	swait.ge [sflag:s22], $0x4000  }
0xe5: {  	[sflag:s22] =	ssyncset.done $0x0  }
0xe6: {  	s31 =	rddreg [dreg:$0xe];
	[sflag:s22] =	ssyncadd.s32 $0xFFFFC000  }
0xe7: {  	[spmem:s3] =	stream.indirect.scatter.add.f32 [tilespmem:s14], [sflag:$0x3], $0x80, s31, s18, $0xb8;
	[tilespmem:$0x1C880] =	vst v63  }
0xe8: {  	_ =	swait.ge [sflag:s23], $0x4000  }
0xe9: {  	[sflag:s23] =	ssyncset.done $0x0  }
0xea: {  	s0 =	simm.s32 @!p2 $0x5;
	[sflag:s23] =	ssyncadd.s32 $0xFFFFC000  }
0xeb: {  	s28 =	sadd.s32 $0x100, s28;
	_ =	swait.ge @!p2 [sflag:s0], $0x400  }
0xec: {  	p1 =	sne.s32 s28, $0x0;
	s6 =	simm.s32 @!p2 $0x80;
	[sflag:s0] =	ssyncset.done @!p2 $0x0  }
.Ltmp1:
0xed: {  	s29 =	simm.s32 @!p2 $0x800;
	[sflag:s0] =	ssyncadd.s32 @!p2 $0xFFFFFC00;
	(pc) =	sbr.rel @p1 .LBB2_4-.Ltmp1, $4  }
0xee: {  	[tilespmem:s29], [sflag:$0x1] =	stream.indirect.gather @!p2 [hbm4b:s1+s6], $0x80, s2, s6, $0xb8;
	[tilespmem:$0x1C880] =	vst v63  }
0xef: {  	_ =	swait.ge [sflag:s19], $0x4000  }
0xf0: {  	[sflag:s19] =	ssyncset.done $0x0  }
0xf1: {  	s30 =	rddreg [dreg:$0xf];
	[sflag:s19] =	ssyncadd.s32 $0xFFFFC000  }
0xf2: {  	[spmem:s3] =	stream.indirect.scatter.add.f32 [tilespmem:s20], [sflag:$0x4], $0x80, s30, s18, $0xb8;
	[tilespmem:$0x1C880] =	vst v63  }
0xf3: {  	_ =	swait.ge [sflag:s21], $0x4000  }
0xf4: {  	s0 =	stileid.u32;
	[sflag:s21] =	ssyncset.done $0x0  }
0xf5: {  	s0 =	sshll.u32 s0, $0x6;
	[sflag:s21] =	ssyncadd.s32 $0xFFFFC000  }
0xf6: {  	s2 =	sshrl.u32 s5, $0x3;
	s0 =	sor.u32 $0x1C07, s0;
	[bflag:$0x0] =	sbarrier.arrive $0xFFFF  }
0xf7: {  	[hbm:s25], [sflag:s0] =	dma.local [spmem:s2], $0x2800  }
0xf8: {  	_ =	swait.ge [sflag:s15], $0x2800  }
0xf9: {  	s6 =	sshrl.u32 @!p0 s10, $0x3;
	s26 =	sadd.s32 $0x1, s26;
	[sflag:s15] =	ssyncset.done $0x0  }
0xfa: {  	p1 =	sne.s32 s26, s13;
	s2 =	sadd.s32 @!p0 $0x28000, s12;
	[sflag:s15] =	ssyncadd.s32 $0xFFFFD800  }
0xfb: {  	[hbm:s2], [sflag:s0] =	dma.local @!p0 [spmem:s6], $0x100  }
.Ltmp2:
0xfc: {  	_ = 	snop;
	(pc) =	sbr.rel @p1 .LBB2_1-.Ltmp2, $4  }
0xfd: {  	s0 =	simm.s32 @!p0 $0x7  }
0xfe: {  	_ =	swait.ge @!p0 [sflag:s0], $0x100  }
0xff: {  	[sflag:s0] =	ssyncset.done @!p0 $0x0  }
0x100: {  	[sflag:s0] =	ssyncadd.s32 @!p0 $0xFFFFFF00  }
0x101: {  	_ =	sfence.sel $0x180000  }
0x102: {  	[bflag:$0x0] =	sbarrier.arrive $0xFFFF  }
0x103: {  	_ =	strace $0x9000004A  }
0x104: {  	s0 =	stileid.u32;
	[bflag:$0x2] =	sbarrier.arrive $0xFFFF  }
0x105: {  	p0 =	sne.s32 s0, $0x0;
	s0 =	rddreg [dreg:$0x3]  }
0x106: {  	s0 =	sadd.s32 @!p0 $0x100000, s0  }
0x107: {  	[sflag:s0] =	ssyncadd.tile.s32 @!p0 $0x1;
	_ =	shalt  }
.Lfunc_end2:
_tile_overlayer_lowered:
.L_overlay_start_2:
0x108: {  	(tag) =	ssettag $0x2  }
0x109: {  	s0 =	rddreg [dreg:$0x0];
	s2 =	stileid.u32  }
0x10a: {  	s1 =	rddreg [dreg:$0x1];
	p0 =	sne.s32 s2, $0x0  }
0x10b: {  	s3 =	rddreg [dreg:$0x2];
	[bflag:$0x3] =	sbarrier.arrive $0xFFFF;
	s2 =	simm.s32 @!p0 $0x1C07  }
0x10c: {  	[timem:s3], [sflag:s2] =	dma.local @!p0 [hbm:s0], s1  }
0x10d: {  	s0 =	simm.s32 @!p0 $0x7  }
0x10e: {  	_ =	swait.ge @!p0 [sflag:s0], s1  }
0x10f: {  	s1 =	ssub.s32 @!p0 $0x0, s1;
	[sflag:s0] =	ssyncset.done @!p0 $0x0  }
0x110: {  	[sflag:s0] =	ssyncadd.s32 @!p0 s1  }
0x111: {  	[bflag:$0x3] =	sbarrier.arrive $0xFFFF  }
0x112: {  	_ =	shalt  }

</sc_bundles>
